<compile_context>
chip_gen: v7x
topology: tpu7x:2x2x1
jax: 0.10.2.dev20260603
libtpu: 0.0.44.dev20260713+nightly
codegen_flags: <defaults>
</compile_context>

<pallas_src>
import functools

import jax
import jax.numpy as jnp
from jax import lax
from jax.experimental import pallas as pl
from jax.experimental.pallas import tpu as pltpu
from jax.experimental.pallas import tpu_sc as plsc

_NC = 2
_NS = 16
_L = 16
_BR = 1024
_RT = 8192
_CH = 32


def _build_tc_call(B, N, T, RT):
    grid = RT // _BR
    nblk = B // _BR

    def tc_body(q_ref, nq_ref, a_ref, na_ref, dn_ref, w_ref, fac_ref,
                *rrefs_and_outs):
        rrefs = rrefs_and_outs[:T]
        td_ref, lp_ref = rrefs_and_outs[T:]
        a = a_ref[...]
        na = na_ref[...]
        cols = lax.broadcasted_iota(jnp.int32, (_BR, N), 1)
        qsa = jnp.sum(jnp.where(cols == a[:, None], q_ref[...], 0.0), axis=1)
        tsa = jnp.sum(jnp.where(cols == na[:, None], nq_ref[...], 0.0), axis=1)
        nstep = rrefs[T - 1][...] * fac_ref[T - 1]
        for t in range(T - 2, -1, -1):
            nstep = nstep + rrefs[t][...] * fac_ref[t]
        ret = nstep + fac_ref[T] * (1.0 - dn_ref[...]) * tsa
        diff = qsa - ret
        td = diff * diff
        td_ref[...] = td
        s = jnp.full((8, 128), jnp.sum(td * w_ref[...]), jnp.float32)
        i = pl.program_id(0)

        @pl.when(i == 0)
        def _():
            lp_ref[...] = s

        @pl.when(i != 0)
        def _():
            lp_ref[...] = lp_ref[...] + s

    def _rmap(t):
        return lambda i: (t * nblk + i,)

    return pl.pallas_call(
        tc_body,
        grid=(grid,),
        in_specs=[
            pl.BlockSpec((_BR, N), lambda i: (i, 0)),
            pl.BlockSpec((_BR, N), lambda i: (i, 0)),
            pl.BlockSpec((_BR,), lambda i: (i,)),
            pl.BlockSpec((_BR,), lambda i: (i,)),
            pl.BlockSpec((_BR,), lambda i: (i,)),
            pl.BlockSpec((_BR,), lambda i: (i,)),
            pl.BlockSpec(memory_space=pltpu.SMEM),
        ] + [pl.BlockSpec((_BR,), _rmap(t)) for t in range(T)],
        out_specs=[
            pl.BlockSpec((_BR,), lambda i: (i,)),
            pl.BlockSpec((8, 128), lambda i: (0, 0)),
        ],
        out_shape=[
            jax.ShapeDtypeStruct((RT,), jnp.float32),
            jax.ShapeDtypeStruct((8, 128), jnp.float32),
        ],
        compiler_params=pltpu.CompilerParams(
            dimension_semantics=("arbitrary",)),
    )


def _build_sc_call(B, N, T, RT):
    NW = _NC * _NS
    RS = B - RT
    rpw = RS // NW
    nch = rpw // _CH
    nj = rpw // _L

    mesh = plsc.VectorSubcoreMesh(core_axis_name="c", subcore_axis_name="s")

    @functools.partial(
        pl.kernel,
        mesh=mesh,
        out_type=(
            jax.ShapeDtypeStruct((RS,), jnp.float32),
            jax.ShapeDtypeStruct((NW * 128,), jnp.float32),
        ),
        compiler_params=pltpu.CompilerParams(use_tc_tiling_on_sc=True,
                                             needs_layout_passes=False),
        scratch_types=[
            pltpu.VMEM((rpw,), jnp.int32),
            pltpu.VMEM((rpw,), jnp.int32),
            pltpu.VMEM((_CH, N), jnp.float32),
            pltpu.VMEM((_CH, N), jnp.float32),
            pltpu.VMEM((_CH, N), jnp.float32),
            pltpu.VMEM((_CH, N), jnp.float32),
            pltpu.VMEM((_CH, N), jnp.float32),
            pltpu.VMEM((_CH, N), jnp.float32),
            pltpu.VMEM((T * rpw,), jnp.float32),
            pltpu.VMEM((rpw,), jnp.float32),
            pltpu.VMEM((rpw,), jnp.float32),
            pltpu.VMEM((rpw,), jnp.float32),
            pltpu.VMEM((128,), jnp.float32),
            pltpu.VMEM((128,), jnp.float32),
            pltpu.VMEM((128,), jnp.float32),
            pltpu.SemaphoreType.DMA,
            pltpu.SemaphoreType.DMA,
            pltpu.SemaphoreType.DMA,
            pltpu.SemaphoreType.DMA,
            pltpu.SemaphoreType.DMA,
            pltpu.SemaphoreType.DMA,
            pltpu.SemaphoreType.DMA,
        ],
    )
    def sc_call(q_hbm, nq_hbm, act_hbm, nact_hbm, rew_hbm, don_hbm, w_hbm,
                g_hbm, gT_hbm,
                td_hbm, lp_hbm,
                act_v, nact_v, qb0, qb1, qb2, nb0, nb1, nb2,
                rew_v, don_v, w_v, td_v, g_v, gT_v, lacc_v, sem,
                sq0, sq1, sq2, sn0, sn1, sn2):
        wid = lax.axis_index("s") * _NC + lax.axis_index("c")
        base = RT + wid * rpw
        obase = wid * rpw

        qbufs = (qb0, qb1, qb2)
        nbufs = (nb0, nb1, nb2)
        qsems = (sq0, sq1, sq2)
        nsems = (sn0, sn1, sn2)

        def fire(ch):
            b = ch % 3
            return (
                pltpu.async_copy(
                    q_hbm.at[pl.ds(base + ch * _CH, _CH), :], qbufs[b],
                    qsems[b]),
                pltpu.async_copy(
                    nq_hbm.at[pl.ds(base + ch * _CH, _CH), :], nbufs[b],
                    nsems[b]),
            )

        pend = [fire(c) for c in range(2)]
        stage = [
            pltpu.async_copy(act_hbm.at[pl.ds(base, rpw)], act_v, sem),
            pltpu.async_copy(nact_hbm.at[pl.ds(base, rpw)], nact_v, sem),
            pltpu.async_copy(don_hbm.at[pl.ds(base, rpw)], don_v, sem),
            pltpu.async_copy(w_hbm.at[pl.ds(base, rpw)], w_v, sem),
            pltpu.async_copy(g_hbm, g_v, sem),
            pltpu.async_copy(gT_hbm, gT_v, sem),
        ]
        stage += [
            pltpu.async_copy(rew_hbm.at[pl.ds(t * B + base, rpw)],
                             rew_v.at[pl.ds(t * rpw, rpw)], sem)
            for t in range(T)
        ]
        for c in stage:
            c.wait()

        g = g_v[pl.ds(0, _L)]
        gT = gT_v[pl.ds(0, _L)]
        iota = lax.iota(jnp.int32, _L)
        lacc = jnp.zeros((_L,), jnp.float32)
        for ch in range(nch):
            cur = pend[ch]
            if ch + 2 < nch:
                pend.append(fire(ch + 2))
            cur[0].wait()
            cur[1].wait()
            b = ch % 3
            for gi in range(_CH // _L):
                off = ch * _CH + gi * _L
                sl = pl.ds(off, _L)
                row = gi * _L + iota
                qv = plsc.load_gather(qbufs[b], [row, act_v[sl]])
                nv = plsc.load_gather(nbufs[b], [row, nact_v[sl]])
                acc = rew_v[pl.ds((T - 1) * rpw + off, _L)]
                for t in range(T - 2, -1, -1):
                    acc = rew_v[pl.ds(t * rpw + off, _L)] + g * acc
                nr = acc + gT * (1.0 - don_v[sl]) * nv
                diff = qv - nr
                td = diff * diff
                td_v[sl] = td
                lacc = lacc + td * w_v[sl]
        zeros = jnp.zeros((_L,), jnp.float32)
        for k in range(128 // _L):
            lacc_v[pl.ds(k * _L, _L)] = lacc if k == 0 else zeros

        pltpu.sync_copy(td_v, td_hbm.at[pl.ds(obase, rpw)])
        pltpu.sync_copy(lacc_v, lp_hbm.at[pl.ds(wid * 128, 128)])

    return sc_call


def kernel(q, next_n_q, action, next_n_action, reward, done, weight, gamma):
    B, N = q.shape
    T = reward.shape[0]
    gamma_f = jnp.asarray(gamma, jnp.float32)
    tpow = jnp.arange(16, dtype=jnp.float32)
    fac = jnp.where(tpow <= T, gamma_f ** tpow, 0.0)
    gvec = jnp.full((128,), gamma_f, jnp.float32)
    gTvec = jnp.full((128,), gamma_f ** T, jnp.float32)
    act = action.astype(jnp.int32)
    nact = next_n_action.astype(jnp.int32)
    done_f = done.astype(jnp.float32)
    rew_flat = reward.reshape(-1)

    sc_call = _build_sc_call(B, N, T, _RT)
    td_sc, lp_sc = sc_call(q, next_n_q, act, nact, rew_flat,
                           done_f, weight, gvec, gTvec)

    tc_call = _build_tc_call(B, N, T, _RT)
    td_tc, lp_tc = tc_call(q, next_n_q, act, nact, done_f, weight, fac,
                           *([rew_flat] * T))

    td_err = jnp.concatenate([td_tc, td_sc])
    loss = (jnp.sum(lp_tc) / jnp.float32(8 * 128) + jnp.sum(lp_sc)) \
        / jnp.float32(B)
    return loss, td_err

# --- scband reference (transcript-rebuilt; emitter-appended) ---
"""Pipeline reference for scband-qnstep-td-30073361007336 (READ-ONLY COPY).

The authoritative reference and input builder live on the scoring server;
editing this copy changes nothing except your own understanding.
"""

import jax, jax.numpy as jnp
import numpy as np


def setup_inputs(seed: int = 0) -> dict:
    key = jax.random.key(seed)
    ks = jax.random.split(key, 6)
    T, B, N = 10, 16384, 512
    q = jax.random.normal(ks[0], (B, N), dtype=jnp.float32)
    next_n_q = jax.random.normal(ks[1], (B, N), dtype=jnp.float32)
    action = jax.random.randint(ks[2], (B,), 0, N, dtype=jnp.int32)
    next_n_action = jax.random.randint(ks[3], (B,), 0, N, dtype=jnp.int32)
    reward = jax.random.normal(ks[4], (T, B), dtype=jnp.float32)
    done = jax.random.randint(ks[5], (B,), 0, 2, dtype=jnp.int32) == 1
    weight = jnp.ones((B,), dtype=jnp.float32)
    gamma = 0.99
    return {
        "q": q,
        "next_n_q": next_n_q,
        "action": action,
        "next_n_action": next_n_action,
        "reward": reward,
        "done": done,
        "weight": weight,
        "gamma": gamma,
    }


def reference(q, next_n_q, action, next_n_action, reward, done, weight, gamma):
    # Faithful jax translation of DI-engine hpc q_nstep_td_error (QNStepTD).
    # q: (B, N), next_n_q: (B, N), action/next_n_action: (B,), reward: (T, B),
    # done: (B,) bool, weight: (B,), gamma: float.
    B, N = q.shape
    T = reward.shape[0]
    idx = jnp.arange(B)
    # gather chosen Q values (SparseCore-friendly row gathers)
    q_s_a = q[idx, action]
    target_q_s_a = next_n_q[idx, next_n_action]
    # n-step discounted return: sum_t gamma^t r_t + gamma^T * (1 - done) * Q'(s_{t+n}, a')
    factors = jnp.power(jnp.float32(gamma), jnp.arange(T, dtype=jnp.float32))
    nstep_return = jnp.sum(factors[:, None] * reward, axis=0)
    nstep_return = nstep_return + (jnp.float32(gamma) ** T) * (1.0 - done.astype(jnp.float32)) * target_q_s_a
    # target is detached (backward only produces grad_q in the HPC kernel)
    nstep_return = jax.lax.stop_gradient(nstep_return)
    # MSELoss(reduction='none') per sample, then weighted mean
    td_error_per_sample = (q_s_a - nstep_return) ** 2
    loss = jnp.mean(td_error_per_sample * weight)
    return loss, td_error_per_sample

if __name__ == "__main__":
    import jax
    _d = setup_inputs()
    print(jax.jit(kernel)(*tuple(_d.values())))

</pallas_src>

<mosaic_0001>
#map = affine_map<(d0, d1) -> (0, 0)>
#map1 = affine_map<(d0, d1) -> (0)>
module attributes {stable_mosaic.version = 14 : i64} {
  func.func @sc_call(%arg0: i32, %arg1: i32, %arg2: memref<16384x512xf32, #tpu.memory_space<hbm>>, %arg3: memref<16384x512xf32, #tpu.memory_space<hbm>>, %arg4: memref<16384xi32, #tpu.memory_space<hbm>>, %arg5: memref<16384xi32, #tpu.memory_space<hbm>>, %arg6: memref<163840xf32, #tpu.memory_space<hbm>>, %arg7: memref<16384xf32, #tpu.memory_space<hbm>>, %arg8: memref<16384xf32, #tpu.memory_space<hbm>>, %arg9: memref<128xf32, #tpu.memory_space<hbm>>, %arg10: memref<128xf32, #tpu.memory_space<hbm>>, %arg11: memref<8192xf32, #tpu.memory_space<hbm>>, %arg12: memref<4096xf32, #tpu.memory_space<hbm>>, %arg13: memref<256xi32, #tpu.memory_space<vmem>>, %arg14: memref<256xi32, #tpu.memory_space<vmem>>, %arg15: memref<32x512xf32, #tpu.memory_space<vmem>>, %arg16: memref<32x512xf32, #tpu.memory_space<vmem>>, %arg17: memref<32x512xf32, #tpu.memory_space<vmem>>, %arg18: memref<32x512xf32, #tpu.memory_space<vmem>>, %arg19: memref<32x512xf32, #tpu.memory_space<vmem>>, %arg20: memref<32x512xf32, #tpu.memory_space<vmem>>, %arg21: memref<2560xf32, #tpu.memory_space<vmem>>, %arg22: memref<256xf32, #tpu.memory_space<vmem>>, %arg23: memref<256xf32, #tpu.memory_space<vmem>>, %arg24: memref<256xf32, #tpu.memory_space<vmem>>, %arg25: memref<128xf32, #tpu.memory_space<vmem>>, %arg26: memref<128xf32, #tpu.memory_space<vmem>>, %arg27: memref<128xf32, #tpu.memory_space<vmem>>, %arg28: memref<!tpu.dma_semaphore, #tpu.memory_space<semaphore_mem>>, %arg29: memref<!tpu.dma_semaphore, #tpu.memory_space<semaphore_mem>>, %arg30: memref<!tpu.dma_semaphore, #tpu.memory_space<semaphore_mem>>, %arg31: memref<!tpu.dma_semaphore, #tpu.memory_space<semaphore_mem>>, %arg32: memref<!tpu.dma_semaphore, #tpu.memory_space<semaphore_mem>>, %arg33: memref<!tpu.dma_semaphore, #tpu.memory_space<semaphore_mem>>, %arg34: memref<!tpu.dma_semaphore, #tpu.memory_space<semaphore_mem>>) attributes {dimension_semantics = [#tpu.dimension_semantics<core_parallel>, #tpu.dimension_semantics<subcore_parallel>], iteration_bounds = array<i64: 2, 16>, scalar_prefetch = 0 : i64, scratch_operands = 22 : i64, tpu.core_type = #tpu.core_type<sc_vector_subcore>, window_params = [{transform_indices = #map}, {transform_indices = #map}, {transform_indices = #map1}, {transform_indices = #map1}, {transform_indices = #map1}, {transform_indices = #map1}, {transform_indices = #map1}, {transform_indices = #map1}, {transform_indices = #map1}, {transform_indices = #map1}, {transform_indices = #map1}]} {
    %mul3A = arith.constant 2 : i32
    %mul3A_0 = arith.muli %arg1, %mul3A : i32
    %add3A = arith.addi %mul3A_0, %arg0 : i32
    %mul3A_1 = arith.constant 256 : i32
    %mul3A_2 = arith.muli %add3A, %mul3A_1 : i32
    %add3A_3 = arith.constant 8192 : i32
    %add3A_4 = arith.addi %add3A_3, %mul3A_2 : i32
    %mul3A_5 = arith.constant 256 : i32
    %mul3A_6 = arith.muli %add3A, %mul3A_5 : i32
    %add3A_7 = arith.constant 0 : i32
    %add3A_8 = arith.addi %add3A_4, %add3A_7 : i32
    %dma_start3A = arith.constant 0 : i32
    %dma_start3A_9 = tpu.memref_slice %arg2[%add3A_8, %dma_start3A] : memref<16384x512xf32, #tpu.memory_space<hbm>> -> memref<32x512xf32, #tpu.memory_space<hbm>>
    %dma_start3A_10 = arith.constant 0 : i32
    %dma_start3A_11 = tpu.memref_slice %arg2[%add3A_8, %dma_start3A_10] : memref<16384x512xf32, #tpu.memory_space<hbm>> -> memref<32x512xf32, #tpu.memory_space<hbm>>
    tpu.enqueue_dma source(%dma_start3A_11 : memref<32x512xf32, #tpu.memory_space<hbm>>) target(%arg15 : memref<32x512xf32, #tpu.memory_space<vmem>>) target_semaphore(%arg29 : memref<!tpu.dma_semaphore, #tpu.memory_space<semaphore_mem>>)
    %add3A_12 = arith.constant 0 : i32
    %add3A_13 = arith.addi %add3A_4, %add3A_12 : i32
    %dma_start3A_14 = arith.constant 0 : i32
    %dma_start3A_15 = tpu.memref_slice %arg3[%add3A_13, %dma_start3A_14] : memref<16384x512xf32, #tpu.memory_space<hbm>> -> memref<32x512xf32, #tpu.memory_space<hbm>>
    %dma_start3A_16 = arith.constant 0 : i32
    %dma_start3A_17 = tpu.memref_slice %arg3[%add3A_13, %dma_start3A_16] : memref<16384x512xf32, #tpu.memory_space<hbm>> -> memref<32x512xf32, #tpu.memory_space<hbm>>
    tpu.enqueue_dma source(%dma_start3A_17 : memref<32x512xf32, #tpu.memory_space<hbm>>) target(%arg18 : memref<32x512xf32, #tpu.memory_space<vmem>>) target_semaphore(%arg32 : memref<!tpu.dma_semaphore, #tpu.memory_space<semaphore_mem>>)
    %add3A_18 = arith.constant 32 : i32
    %add3A_19 = arith.addi %add3A_4, %add3A_18 : i32
    %dma_start3A_20 = arith.constant 0 : i32
    %dma_start3A_21 = tpu.memref_slice %arg2[%add3A_19, %dma_start3A_20] : memref<16384x512xf32, #tpu.memory_space<hbm>> -> memref<32x512xf32, #tpu.memory_space<hbm>>
    %dma_start3A_22 = arith.constant 0 : i32
    %dma_start3A_23 = tpu.memref_slice %arg2[%add3A_19, %dma_start3A_22] : memref<16384x512xf32, #tpu.memory_space<hbm>> -> memref<32x512xf32, #tpu.memory_space<hbm>>
    tpu.enqueue_dma source(%dma_start3A_23 : memref<32x512xf32, #tpu.memory_space<hbm>>) target(%arg16 : memref<32x512xf32, #tpu.memory_space<vmem>>) target_semaphore(%arg30 : memref<!tpu.dma_semaphore, #tpu.memory_space<semaphore_mem>>)
    %add3A_24 = arith.constant 32 : i32
    %add3A_25 = arith.addi %add3A_4, %add3A_24 : i32
    %dma_start3A_26 = arith.constant 0 : i32
    %dma_start3A_27 = tpu.memref_slice %arg3[%add3A_25, %dma_start3A_26] : memref<16384x512xf32, #tpu.memory_space<hbm>> -> memref<32x512xf32, #tpu.memory_space<hbm>>
    %dma_start3A_28 = arith.constant 0 : i32
    %dma_start3A_29 = tpu.memref_slice %arg3[%add3A_25, %dma_start3A_28] : memref<16384x512xf32, #tpu.memory_space<hbm>> -> memref<32x512xf32, #tpu.memory_space<hbm>>
    tpu.enqueue_dma source(%dma_start3A_29 : memref<32x512xf32, #tpu.memory_space<hbm>>) target(%arg19 : memref<32x512xf32, #tpu.memory_space<vmem>>) target_semaphore(%arg33 : memref<!tpu.dma_semaphore, #tpu.memory_space<semaphore_mem>>)
    %dma_start3A_30 = tpu.memref_slice %arg4[%add3A_4] : memref<16384xi32, #tpu.memory_space<hbm>> -> memref<256xi32, #tpu.memory_space<hbm>>
    %dma_start3A_31 = tpu.memref_slice %arg4[%add3A_4] : memref<16384xi32, #tpu.memory_space<hbm>> -> memref<256xi32, #tpu.memory_space<hbm>>
    tpu.enqueue_dma source(%dma_start3A_31 : memref<256xi32, #tpu.memory_space<hbm>>) target(%arg13 : memref<256xi32, #tpu.memory_space<vmem>>) target_semaphore(%arg28 : memref<!tpu.dma_semaphore, #tpu.memory_space<semaphore_mem>>)
    %dma_start3A_32 = tpu.memref_slice %arg5[%add3A_4] : memref<16384xi32, #tpu.memory_space<hbm>> -> memref<256xi32, #tpu.memory_space<hbm>>
    %dma_start3A_33 = tpu.memref_slice %arg5[%add3A_4] : memref<16384xi32, #tpu.memory_space<hbm>> -> memref<256xi32, #tpu.memory_space<hbm>>
    tpu.enqueue_dma source(%dma_start3A_33 : memref<256xi32, #tpu.memory_space<hbm>>) target(%arg14 : memref<256xi32, #tpu.memory_space<vmem>>) target_semaphore(%arg28 : memref<!tpu.dma_semaphore, #tpu.memory_space<semaphore_mem>>)
    %dma_start3A_34 = tpu.memref_slice %arg7[%add3A_4] : memref<16384xf32, #tpu.memory_space<hbm>> -> memref<256xf32, #tpu.memory_space<hbm>>
    %dma_start3A_35 = tpu.memref_slice %arg7[%add3A_4] : memref<16384xf32, #tpu.memory_space<hbm>> -> memref<256xf32, #tpu.memory_space<hbm>>
    tpu.enqueue_dma source(%dma_start3A_35 : memref<256xf32, #tpu.memory_space<hbm>>) target(%arg22 : memref<256xf32, #tpu.memory_space<vmem>>) target_semaphore(%arg28 : memref<!tpu.dma_semaphore, #tpu.memory_space<semaphore_mem>>)
    %dma_start3A_36 = tpu.memref_slice %arg8[%add3A_4] : memref<16384xf32, #tpu.memory_space<hbm>> -> memref<256xf32, #tpu.memory_space<hbm>>
    %dma_start3A_37 = tpu.memref_slice %arg8[%add3A_4] : memref<16384xf32, #tpu.memory_space<hbm>> -> memref<256xf32, #tpu.memory_space<hbm>>
    tpu.enqueue_dma source(%dma_start3A_37 : memref<256xf32, #tpu.memory_space<hbm>>) target(%arg23 : memref<256xf32, #tpu.memory_space<vmem>>) target_semaphore(%arg28 : memref<!tpu.dma_semaphore, #tpu.memory_space<semaphore_mem>>)
    tpu.enqueue_dma source(%arg9 : memref<128xf32, #tpu.memory_space<hbm>>) target(%arg25 : memref<128xf32, #tpu.memory_space<vmem>>) target_semaphore(%arg28 : memref<!tpu.dma_semaphore, #tpu.memory_space<semaphore_mem>>)
    tpu.enqueue_dma source(%arg10 : memref<128xf32, #tpu.memory_space<hbm>>) target(%arg26 : memref<128xf32, #tpu.memory_space<vmem>>) target_semaphore(%arg28 : memref<!tpu.dma_semaphore, #tpu.memory_space<semaphore_mem>>)
    %add3A_38 = arith.constant 0 : i32
    %add3A_39 = arith.addi %add3A_38, %add3A_4 : i32
    %dma_start3A_40 = arith.constant 0 : i32
    %dma_start3A_41 = tpu.memref_slice %arg21[%dma_start3A_40] : memref<2560xf32, #tpu.memory_space<vmem>> -> memref<256xf32, #tpu.memory_space<vmem>>
    %dma_start3A_42 = tpu.memref_slice %arg6[%add3A_39] : memref<163840xf32, #tpu.memory_space<hbm>> -> memref<256xf32, #tpu.memory_space<hbm>>
    %dma_start3A_43 = arith.constant 0 : i32
    %dma_start3A_44 = tpu.memref_slice %arg21[%dma_start3A_43] : memref<2560xf32, #tpu.memory_space<vmem>> -> memref<256xf32, #tpu.memory_space<vmem>>
    %dma_start3A_45 = tpu.memref_slice %arg6[%add3A_39] : memref<163840xf32, #tpu.memory_space<hbm>> -> memref<256xf32, #tpu.memory_space<hbm>>
    tpu.enqueue_dma source(%dma_start3A_45 : memref<256xf32, #tpu.memory_space<hbm>>) target(%dma_start3A_44 : memref<256xf32, #tpu.memory_space<vmem>>) target_semaphore(%arg28 : memref<!tpu.dma_semaphore, #tpu.memory_space<semaphore_mem>>)
    %add3A_46 = arith.constant 16384 : i32
    %add3A_47 = arith.addi %add3A_46, %add3A_4 : i32
    %dma_start3A_48 = arith.constant 256 : i32
    %dma_start3A_49 = tpu.memref_slice %arg21[%dma_start3A_48] : memref<2560xf32, #tpu.memory_space<vmem>> -> memref<256xf32, #tpu.memory_space<vmem>>
    %dma_start3A_50 = tpu.memref_slice %arg6[%add3A_47] : memref<163840xf32, #tpu.memory_space<hbm>> -> memref<256xf32, #tpu.memory_space<hbm>>
    %dma_start3A_51 = arith.constant 256 : i32
    %dma_start3A_52 = tpu.memref_slice %arg21[%dma_start3A_51] : memref<2560xf32, #tpu.memory_space<vmem>> -> memref<256xf32, #tpu.memory_space<vmem>>
    %dma_start3A_53 = tpu.memref_slice %arg6[%add3A_47] : memref<163840xf32, #tpu.memory_space<hbm>> -> memref<256xf32, #tpu.memory_space<hbm>>
    tpu.enqueue_dma source(%dma_start3A_53 : memref<256xf32, #tpu.memory_space<hbm>>) target(%dma_start3A_52 : memref<256xf32, #tpu.memory_space<vmem>>) target_semaphore(%arg28 : memref<!tpu.dma_semaphore, #tpu.memory_space<semaphore_mem>>)
    %add3A_54 = arith.constant 32768 : i32
    %add3A_55 = arith.addi %add3A_54, %add3A_4 : i32
    %dma_start3A_56 = arith.constant 512 : i32
    %dma_start3A_57 = tpu.memref_slice %arg21[%dma_start3A_56] : memref<2560xf32, #tpu.memory_space<vmem>> -> memref<256xf32, #tpu.memory_space<vmem>>
    %dma_start3A_58 = tpu.memref_slice %arg6[%add3A_55] : memref<163840xf32, #tpu.memory_space<hbm>> -> memref<256xf32, #tpu.memory_space<hbm>>
    %dma_start3A_59 = arith.constant 512 : i32
    %dma_start3A_60 = tpu.memref_slice %arg21[%dma_start3A_59] : memref<2560xf32, #tpu.memory_space<vmem>> -> memref<256xf32, #tpu.memory_space<vmem>>
    %dma_start3A_61 = tpu.memref_slice %arg6[%add3A_55] : memref<163840xf32, #tpu.memory_space<hbm>> -> memref<256xf32, #tpu.memory_space<hbm>>
    tpu.enqueue_dma source(%dma_start3A_61 : memref<256xf32, #tpu.memory_space<hbm>>) target(%dma_start3A_60 : memref<256xf32, #tpu.memory_space<vmem>>) target_semaphore(%arg28 : memref<!tpu.dma_semaphore, #tpu.memory_space<semaphore_mem>>)
    %add3A_62 = arith.constant 49152 : i32
    %add3A_63 = arith.addi %add3A_62, %add3A_4 : i32
    %dma_start3A_64 = arith.constant 768 : i32
    %dma_start3A_65 = tpu.memref_slice %arg21[%dma_start3A_64] : memref<2560xf32, #tpu.memory_space<vmem>> -> memref<256xf32, #tpu.memory_space<vmem>>
    %dma_start3A_66 = tpu.memref_slice %arg6[%add3A_63] : memref<163840xf32, #tpu.memory_space<hbm>> -> memref<256xf32, #tpu.memory_space<hbm>>
    %dma_start3A_67 = arith.constant 768 : i32
    %dma_start3A_68 = tpu.memref_slice %arg21[%dma_start3A_67] : memref<2560xf32, #tpu.memory_space<vmem>> -> memref<256xf32, #tpu.memory_space<vmem>>
    %dma_start3A_69 = tpu.memref_slice %arg6[%add3A_63] : memref<163840xf32, #tpu.memory_space<hbm>> -> memref<256xf32, #tpu.memory_space<hbm>>
    tpu.enqueue_dma source(%dma_start3A_69 : memref<256xf32, #tpu.memory_space<hbm>>) target(%dma_start3A_68 : memref<256xf32, #tpu.memory_space<vmem>>) target_semaphore(%arg28 : memref<!tpu.dma_semaphore, #tpu.memory_space<semaphore_mem>>)
    %add3A_70 = arith.constant 65536 : i32
    %add3A_71 = arith.addi %add3A_70, %add3A_4 : i32
    %dma_start3A_72 = arith.constant 1024 : i32
    %dma_start3A_73 = tpu.memref_slice %arg21[%dma_start3A_72] : memref<2560xf32, #tpu.memory_space<vmem>> -> memref<256xf32, #tpu.memory_space<vmem>>
    %dma_start3A_74 = tpu.memref_slice %arg6[%add3A_71] : memref<163840xf32, #tpu.memory_space<hbm>> -> memref<256xf32, #tpu.memory_space<hbm>>
    %dma_start3A_75 = arith.constant 1024 : i32
    %dma_start3A_76 = tpu.memref_slice %arg21[%dma_start3A_75] : memref<2560xf32, #tpu.memory_space<vmem>> -> memref<256xf32, #tpu.memory_space<vmem>>
    %dma_start3A_77 = tpu.memref_slice %arg6[%add3A_71] : memref<163840xf32, #tpu.memory_space<hbm>> -> memref<256xf32, #tpu.memory_space<hbm>>
    tpu.enqueue_dma source(%dma_start3A_77 : memref<256xf32, #tpu.memory_space<hbm>>) target(%dma_start3A_76 : memref<256xf32, #tpu.memory_space<vmem>>) target_semaphore(%arg28 : memref<!tpu.dma_semaphore, #tpu.memory_space<semaphore_mem>>)
    %add3A_78 = arith.constant 81920 : i32
    %add3A_79 = arith.addi %add3A_78, %add3A_4 : i32
    %dma_start3A_80 = arith.constant 1280 : i32
    %dma_start3A_81 = tpu.memref_slice %arg21[%dma_start3A_80] : memref<2560xf32, #tpu.memory_space<vmem>> -> memref<256xf32, #tpu.memory_space<vmem>>
    %dma_start3A_82 = tpu.memref_slice %arg6[%add3A_79] : memref<163840xf32, #tpu.memory_space<hbm>> -> memref<256xf32, #tpu.memory_space<hbm>>
    %dma_start3A_83 = arith.constant 1280 : i32
    %dma_start3A_84 = tpu.memref_slice %arg21[%dma_start3A_83] : memref<2560xf32, #tpu.memory_space<vmem>> -> memref<256xf32, #tpu.memory_space<vmem>>
    %dma_start3A_85 = tpu.memref_slice %arg6[%add3A_79] : memref<163840xf32, #tpu.memory_space<hbm>> -> memref<256xf32, #tpu.memory_space<hbm>>
    tpu.enqueue_dma source(%dma_start3A_85 : memref<256xf32, #tpu.memory_space<hbm>>) target(%dma_start3A_84 : memref<256xf32, #tpu.memory_space<vmem>>) target_semaphore(%arg28 : memref<!tpu.dma_semaphore, #tpu.memory_space<semaphore_mem>>)
    %add3A_86 = arith.constant 98304 : i32
    %add3A_87 = arith.addi %add3A_86, %add3A_4 : i32
    %dma_start3A_88 = arith.constant 1536 : i32
    %dma_start3A_89 = tpu.memref_slice %arg21[%dma_start3A_88] : memref<2560xf32, #tpu.memory_space<vmem>> -> memref<256xf32, #tpu.memory_space<vmem>>
    %dma_start3A_90 = tpu.memref_slice %arg6[%add3A_87] : memref<163840xf32, #tpu.memory_space<hbm>> -> memref<256xf32, #tpu.memory_space<hbm>>
    %dma_start3A_91 = arith.constant 1536 : i32
    %dma_start3A_92 = tpu.memref_slice %arg21[%dma_start3A_91] : memref<2560xf32, #tpu.memory_space<vmem>> -> memref<256xf32, #tpu.memory_space<vmem>>
    %dma_start3A_93 = tpu.memref_slice %arg6[%add3A_87] : memref<163840xf32, #tpu.memory_space<hbm>> -> memref<256xf32, #tpu.memory_space<hbm>>
    tpu.enqueue_dma source(%dma_start3A_93 : memref<256xf32, #tpu.memory_space<hbm>>) target(%dma_start3A_92 : memref<256xf32, #tpu.memory_space<vmem>>) target_semaphore(%arg28 : memref<!tpu.dma_semaphore, #tpu.memory_space<semaphore_mem>>)
    %add3A_94 = arith.constant 114688 : i32
    %add3A_95 = arith.addi %add3A_94, %add3A_4 : i32
    %dma_start3A_96 = arith.constant 1792 : i32
    %dma_start3A_97 = tpu.memref_slice %arg21[%dma_start3A_96] : memref<2560xf32, #tpu.memory_space<vmem>> -> memref<256xf32, #tpu.memory_space<vmem>>
    %dma_start3A_98 = tpu.memref_slice %arg6[%add3A_95] : memref<163840xf32, #tpu.memory_space<hbm>> -> memref<256xf32, #tpu.memory_space<hbm>>
    %dma_start3A_99 = arith.constant 1792 : i32
    %dma_start3A_100 = tpu.memref_slice %arg21[%dma_start3A_99] : memref<2560xf32, #tpu.memory_space<vmem>> -> memref<256xf32, #tpu.memory_space<vmem>>
    %dma_start3A_101 = tpu.memref_slice %arg6[%add3A_95] : memref<163840xf32, #tpu.memory_space<hbm>> -> memref<256xf32, #tpu.memory_space<hbm>>
    tpu.enqueue_dma source(%dma_start3A_101 : memref<256xf32, #tpu.memory_space<hbm>>) target(%dma_start3A_100 : memref<256xf32, #tpu.memory_space<vmem>>) target_semaphore(%arg28 : memref<!tpu.dma_semaphore, #tpu.memory_space<semaphore_mem>>)
    %add3A_102 = arith.constant 131072 : i32
    %add3A_103 = arith.addi %add3A_102, %add3A_4 : i32
    %dma_start3A_104 = arith.constant 2048 : i32
    %dma_start3A_105 = tpu.memref_slice %arg21[%dma_start3A_104] : memref<2560xf32, #tpu.memory_space<vmem>> -> memref<256xf32, #tpu.memory_space<vmem>>
    %dma_start3A_106 = tpu.memref_slice %arg6[%add3A_103] : memref<163840xf32, #tpu.memory_space<hbm>> -> memref<256xf32, #tpu.memory_space<hbm>>
    %dma_start3A_107 = arith.constant 2048 : i32
    %dma_start3A_108 = tpu.memref_slice %arg21[%dma_start3A_107] : memref<2560xf32, #tpu.memory_space<vmem>> -> memref<256xf32, #tpu.memory_space<vmem>>
    %dma_start3A_109 = tpu.memref_slice %arg6[%add3A_103] : memref<163840xf32, #tpu.memory_space<hbm>> -> memref<256xf32, #tpu.memory_space<hbm>>
    tpu.enqueue_dma source(%dma_start3A_109 : memref<256xf32, #tpu.memory_space<hbm>>) target(%dma_start3A_108 : memref<256xf32, #tpu.memory_space<vmem>>) target_semaphore(%arg28 : memref<!tpu.dma_semaphore, #tpu.memory_space<semaphore_mem>>)
    %add3A_110 = arith.constant 147456 : i32
    %add3A_111 = arith.addi %add3A_110, %add3A_4 : i32
    %dma_start3A_112 = arith.constant 2304 : i32
    %dma_start3A_113 = tpu.memref_slice %arg21[%dma_start3A_112] : memref<2560xf32, #tpu.memory_space<vmem>> -> memref<256xf32, #tpu.memory_space<vmem>>
    %dma_start3A_114 = tpu.memref_slice %arg6[%add3A_111] : memref<163840xf32, #tpu.memory_space<hbm>> -> memref<256xf32, #tpu.memory_space<hbm>>
    %dma_start3A_115 = arith.constant 2304 : i32
    %dma_start3A_116 = tpu.memref_slice %arg21[%dma_start3A_115] : memref<2560xf32, #tpu.memory_space<vmem>> -> memref<256xf32, #tpu.memory_space<vmem>>
    %dma_start3A_117 = tpu.memref_slice %arg6[%add3A_111] : memref<163840xf32, #tpu.memory_space<hbm>> -> memref<256xf32, #tpu.memory_space<hbm>>
    tpu.enqueue_dma source(%dma_start3A_117 : memref<256xf32, #tpu.memory_space<hbm>>) target(%dma_start3A_116 : memref<256xf32, #tpu.memory_space<vmem>>) target_semaphore(%arg28 : memref<!tpu.dma_semaphore, #tpu.memory_space<semaphore_mem>>)
    %dma_wait3A = tpu.memref_slice %arg4[%add3A_4] : memref<16384xi32, #tpu.memory_space<hbm>> -> memref<256xi32, #tpu.memory_space<hbm>>
    %dma_wait3A_118 = tpu.memref_slice %arg4[%add3A_4] : memref<16384xi32, #tpu.memory_space<hbm>> -> memref<256xi32, #tpu.memory_space<hbm>>
    tpu.wait_dma2 semaphore(%arg28 : memref<!tpu.dma_semaphore, #tpu.memory_space<semaphore_mem>>) src(%dma_wait3A_118 : memref<256xi32, #tpu.memory_space<hbm>>) dst(%arg13 : memref<256xi32, #tpu.memory_space<vmem>>)
    %dma_wait3A_119 = tpu.memref_slice %arg5[%add3A_4] : memref<16384xi32, #tpu.memory_space<hbm>> -> memref<256xi32, #tpu.memory_space<hbm>>
    %dma_wait3A_120 = tpu.memref_slice %arg5[%add3A_4] : memref<16384xi32, #tpu.memory_space<hbm>> -> memref<256xi32, #tpu.memory_space<hbm>>
    tpu.wait_dma2 semaphore(%arg28 : memref<!tpu.dma_semaphore, #tpu.memory_space<semaphore_mem>>) src(%dma_wait3A_120 : memref<256xi32, #tpu.memory_space<hbm>>) dst(%arg14 : memref<256xi32, #tpu.memory_space<vmem>>)
    %dma_wait3A_121 = tpu.memref_slice %arg7[%add3A_4] : memref<16384xf32, #tpu.memory_space<hbm>> -> memref<256xf32, #tpu.memory_space<hbm>>
    %dma_wait3A_122 = tpu.memref_slice %arg7[%add3A_4] : memref<16384xf32, #tpu.memory_space<hbm>> -> memref<256xf32, #tpu.memory_space<hbm>>
    tpu.wait_dma2 semaphore(%arg28 : memref<!tpu.dma_semaphore, #tpu.memory_space<semaphore_mem>>) src(%dma_wait3A_122 : memref<256xf32, #tpu.memory_space<hbm>>) dst(%arg22 : memref<256xf32, #tpu.memory_space<vmem>>)
    %dma_wait3A_123 = tpu.memref_slice %arg8[%add3A_4] : memref<16384xf32, #tpu.memory_space<hbm>> -> memref<256xf32, #tpu.memory_space<hbm>>
    %dma_wait3A_124 = tpu.memref_slice %arg8[%add3A_4] : memref<16384xf32, #tpu.memory_space<hbm>> -> memref<256xf32, #tpu.memory_space<hbm>>
    tpu.wait_dma2 semaphore(%arg28 : memref<!tpu.dma_semaphore, #tpu.memory_space<semaphore_mem>>) src(%dma_wait3A_124 : memref<256xf32, #tpu.memory_space<hbm>>) dst(%arg23 : memref<256xf32, #tpu.memory_space<vmem>>)
    tpu.wait_dma2 semaphore(%arg28 : memref<!tpu.dma_semaphore, #tpu.memory_space<semaphore_mem>>) src(%arg9 : memref<128xf32, #tpu.memory_space<hbm>>) dst(%arg25 : memref<128xf32, #tpu.memory_space<vmem>>)
    tpu.wait_dma2 semaphore(%arg28 : memref<!tpu.dma_semaphore, #tpu.memory_space<semaphore_mem>>) src(%arg10 : memref<128xf32, #tpu.memory_space<hbm>>) dst(%arg26 : memref<128xf32, #tpu.memory_space<vmem>>)
    %dma_wait3A_125 = arith.constant 0 : i32
    %dma_wait3A_126 = tpu.memref_slice %arg21[%dma_wait3A_125] : memref<2560xf32, #tpu.memory_space<vmem>> -> memref<256xf32, #tpu.memory_space<vmem>>
    %dma_wait3A_127 = tpu.memref_slice %arg6[%add3A_39] : memref<163840xf32, #tpu.memory_space<hbm>> -> memref<256xf32, #tpu.memory_space<hbm>>
    %dma_wait3A_128 = arith.constant 0 : i32
    %dma_wait3A_129 = tpu.memref_slice %arg21[%dma_wait3A_128] : memref<2560xf32, #tpu.memory_space<vmem>> -> memref<256xf32, #tpu.memory_space<vmem>>
    %dma_wait3A_130 = tpu.memref_slice %arg6[%add3A_39] : memref<163840xf32, #tpu.memory_space<hbm>> -> memref<256xf32, #tpu.memory_space<hbm>>
    tpu.wait_dma2 semaphore(%arg28 : memref<!tpu.dma_semaphore, #tpu.memory_space<semaphore_mem>>) src(%dma_wait3A_130 : memref<256xf32, #tpu.memory_space<hbm>>) dst(%dma_wait3A_129 : memref<256xf32, #tpu.memory_space<vmem>>)
    %dma_wait3A_131 = arith.constant 256 : i32
    %dma_wait3A_132 = tpu.memref_slice %arg21[%dma_wait3A_131] : memref<2560xf32, #tpu.memory_space<vmem>> -> memref<256xf32, #tpu.memory_space<vmem>>
    %dma_wait3A_133 = tpu.memref_slice %arg6[%add3A_47] : memref<163840xf32, #tpu.memory_space<hbm>> -> memref<256xf32, #tpu.memory_space<hbm>>
    %dma_wait3A_134 = arith.constant 256 : i32
    %dma_wait3A_135 = tpu.memref_slice %arg21[%dma_wait3A_134] : memref<2560xf32, #tpu.memory_space<vmem>> -> memref<256xf32, #tpu.memory_space<vmem>>
    %dma_wait3A_136 = tpu.memref_slice %arg6[%add3A_47] : memref<163840xf32, #tpu.memory_space<hbm>> -> memref<256xf32, #tpu.memory_space<hbm>>
    tpu.wait_dma2 semaphore(%arg28 : memref<!tpu.dma_semaphore, #tpu.memory_space<semaphore_mem>>) src(%dma_wait3A_136 : memref<256xf32, #tpu.memory_space<hbm>>) dst(%dma_wait3A_135 : memref<256xf32, #tpu.memory_space<vmem>>)
    %dma_wait3A_137 = arith.constant 512 : i32
    %dma_wait3A_138 = tpu.memref_slice %arg21[%dma_wait3A_137] : memref<2560xf32, #tpu.memory_space<vmem>> -> memref<256xf32, #tpu.memory_space<vmem>>
    %dma_wait3A_139 = tpu.memref_slice %arg6[%add3A_55] : memref<163840xf32, #tpu.memory_space<hbm>> -> memref<256xf32, #tpu.memory_space<hbm>>
    %dma_wait3A_140 = arith.constant 512 : i32
    %dma_wait3A_141 = tpu.memref_slice %arg21[%dma_wait3A_140] : memref<2560xf32, #tpu.memory_space<vmem>> -> memref<256xf32, #tpu.memory_space<vmem>>
    %dma_wait3A_142 = tpu.memref_slice %arg6[%add3A_55] : memref<163840xf32, #tpu.memory_space<hbm>> -> memref<256xf32, #tpu.memory_space<hbm>>
    tpu.wait_dma2 semaphore(%arg28 : memref<!tpu.dma_semaphore, #tpu.memory_space<semaphore_mem>>) src(%dma_wait3A_142 : memref<256xf32, #tpu.memory_space<hbm>>) dst(%dma_wait3A_141 : memref<256xf32, #tpu.memory_space<vmem>>)
    %dma_wait3A_143 = arith.constant 768 : i32
    %dma_wait3A_144 = tpu.memref_slice %arg21[%dma_wait3A_143] : memref<2560xf32, #tpu.memory_space<vmem>> -> memref<256xf32, #tpu.memory_space<vmem>>
    %dma_wait3A_145 = tpu.memref_slice %arg6[%add3A_63] : memref<163840xf32, #tpu.memory_space<hbm>> -> memref<256xf32, #tpu.memory_space<hbm>>
    %dma_wait3A_146 = arith.constant 768 : i32
    %dma_wait3A_147 = tpu.memref_slice %arg21[%dma_wait3A_146] : memref<2560xf32, #tpu.memory_space<vmem>> -> memref<256xf32, #tpu.memory_space<vmem>>
    %dma_wait3A_148 = tpu.memref_slice %arg6[%add3A_63] : memref<163840xf32, #tpu.memory_space<hbm>> -> memref<256xf32, #tpu.memory_space<hbm>>
    tpu.wait_dma2 semaphore(%arg28 : memref<!tpu.dma_semaphore, #tpu.memory_space<semaphore_mem>>) src(%dma_wait3A_148 : memref<256xf32, #tpu.memory_space<hbm>>) dst(%dma_wait3A_147 : memref<256xf32, #tpu.memory_space<vmem>>)
    %dma_wait3A_149 = arith.constant 1024 : i32
    %dma_wait3A_150 = tpu.memref_slice %arg21[%dma_wait3A_149] : memref<2560xf32, #tpu.memory_space<vmem>> -> memref<256xf32, #tpu.memory_space<vmem>>
    %dma_wait3A_151 = tpu.memref_slice %arg6[%add3A_71] : memref<163840xf32, #tpu.memory_space<hbm>> -> memref<256xf32, #tpu.memory_space<hbm>>
    %dma_wait3A_152 = arith.constant 1024 : i32
    %dma_wait3A_153 = tpu.memref_slice %arg21[%dma_wait3A_152] : memref<2560xf32, #tpu.memory_space<vmem>> -> memref<256xf32, #tpu.memory_space<vmem>>
    %dma_wait3A_154 = tpu.memref_slice %arg6[%add3A_71] : memref<163840xf32, #tpu.memory_space<hbm>> -> memref<256xf32, #tpu.memory_space<hbm>>
    tpu.wait_dma2 semaphore(%arg28 : memref<!tpu.dma_semaphore, #tpu.memory_space<semaphore_mem>>) src(%dma_wait3A_154 : memref<256xf32, #tpu.memory_space<hbm>>) dst(%dma_wait3A_153 : memref<256xf32, #tpu.memory_space<vmem>>)
    %dma_wait3A_155 = arith.constant 1280 : i32
    %dma_wait3A_156 = tpu.memref_slice %arg21[%dma_wait3A_155] : memref<2560xf32, #tpu.memory_space<vmem>> -> memref<256xf32, #tpu.memory_space<vmem>>
    %dma_wait3A_157 = tpu.memref_slice %arg6[%add3A_79] : memref<163840xf32, #tpu.memory_space<hbm>> -> memref<256xf32, #tpu.memory_space<hbm>>
    %dma_wait3A_158 = arith.constant 1280 : i32
    %dma_wait3A_159 = tpu.memref_slice %arg21[%dma_wait3A_158] : memref<2560xf32, #tpu.memory_space<vmem>> -> memref<256xf32, #tpu.memory_space<vmem>>
    %dma_wait3A_160 = tpu.memref_slice %arg6[%add3A_79] : memref<163840xf32, #tpu.memory_space<hbm>> -> memref<256xf32, #tpu.memory_space<hbm>>
    tpu.wait_dma2 semaphore(%arg28 : memref<!tpu.dma_semaphore, #tpu.memory_space<semaphore_mem>>) src(%dma_wait3A_160 : memref<256xf32, #tpu.memory_space<hbm>>) dst(%dma_wait3A_159 : memref<256xf32, #tpu.memory_space<vmem>>)
    %dma_wait3A_161 = arith.constant 1536 : i32
    %dma_wait3A_162 = tpu.memref_slice %arg21[%dma_wait3A_161] : memref<2560xf32, #tpu.memory_space<vmem>> -> memref<256xf32, #tpu.memory_space<vmem>>
    %dma_wait3A_163 = tpu.memref_slice %arg6[%add3A_87] : memref<163840xf32, #tpu.memory_space<hbm>> -> memref<256xf32, #tpu.memory_space<hbm>>
    %dma_wait3A_164 = arith.constant 1536 : i32
    %dma_wait3A_165 = tpu.memref_slice %arg21[%dma_wait3A_164] : memref<2560xf32, #tpu.memory_space<vmem>> -> memref<256xf32, #tpu.memory_space<vmem>>
    %dma_wait3A_166 = tpu.memref_slice %arg6[%add3A_87] : memref<163840xf32, #tpu.memory_space<hbm>> -> memref<256xf32, #tpu.memory_space<hbm>>
    tpu.wait_dma2 semaphore(%arg28 : memref<!tpu.dma_semaphore, #tpu.memory_space<semaphore_mem>>) src(%dma_wait3A_166 : memref<256xf32, #tpu.memory_space<hbm>>) dst(%dma_wait3A_165 : memref<256xf32, #tpu.memory_space<vmem>>)
    %dma_wait3A_167 = arith.constant 1792 : i32
    %dma_wait3A_168 = tpu.memref_slice %arg21[%dma_wait3A_167] : memref<2560xf32, #tpu.memory_space<vmem>> -> memref<256xf32, #tpu.memory_space<vmem>>
    %dma_wait3A_169 = tpu.memref_slice %arg6[%add3A_95] : memref<163840xf32, #tpu.memory_space<hbm>> -> memref<256xf32, #tpu.memory_space<hbm>>
    %dma_wait3A_170 = arith.constant 1792 : i32
    %dma_wait3A_171 = tpu.memref_slice %arg21[%dma_wait3A_170] : memref<2560xf32, #tpu.memory_space<vmem>> -> memref<256xf32, #tpu.memory_space<vmem>>
    %dma_wait3A_172 = tpu.memref_slice %arg6[%add3A_95] : memref<163840xf32, #tpu.memory_space<hbm>> -> memref<256xf32, #tpu.memory_space<hbm>>
    tpu.wait_dma2 semaphore(%arg28 : memref<!tpu.dma_semaphore, #tpu.memory_space<semaphore_mem>>) src(%dma_wait3A_172 : memref<256xf32, #tpu.memory_space<hbm>>) dst(%dma_wait3A_171 : memref<256xf32, #tpu.memory_space<vmem>>)
    %dma_wait3A_173 = arith.constant 2048 : i32
    %dma_wait3A_174 = tpu.memref_slice %arg21[%dma_wait3A_173] : memref<2560xf32, #tpu.memory_space<vmem>> -> memref<256xf32, #tpu.memory_space<vmem>>
    %dma_wait3A_175 = tpu.memref_slice %arg6[%add3A_103] : memref<163840xf32, #tpu.memory_space<hbm>> -> memref<256xf32, #tpu.memory_space<hbm>>
    %dma_wait3A_176 = arith.constant 2048 : i32
    %dma_wait3A_177 = tpu.memref_slice %arg21[%dma_wait3A_176] : memref<2560xf32, #tpu.memory_space<vmem>> -> memref<256xf32, #tpu.memory_space<vmem>>
    %dma_wait3A_178 = tpu.memref_slice %arg6[%add3A_103] : memref<163840xf32, #tpu.memory_space<hbm>> -> memref<256xf32, #tpu.memory_space<hbm>>
    tpu.wait_dma2 semaphore(%arg28 : memref<!tpu.dma_semaphore, #tpu.memory_space<semaphore_mem>>) src(%dma_wait3A_178 : memref<256xf32, #tpu.memory_space<hbm>>) dst(%dma_wait3A_177 : memref<256xf32, #tpu.memory_space<vmem>>)
    %dma_wait3A_179 = arith.constant 2304 : i32
    %dma_wait3A_180 = tpu.memref_slice %arg21[%dma_wait3A_179] : memref<2560xf32, #tpu.memory_space<vmem>> -> memref<256xf32, #tpu.memory_space<vmem>>
    %dma_wait3A_181 = tpu.memref_slice %arg6[%add3A_111] : memref<163840xf32, #tpu.memory_space<hbm>> -> memref<256xf32, #tpu.memory_space<hbm>>
    %dma_wait3A_182 = arith.constant 2304 : i32
    %dma_wait3A_183 = tpu.memref_slice %arg21[%dma_wait3A_182] : memref<2560xf32, #tpu.memory_space<vmem>> -> memref<256xf32, #tpu.memory_space<vmem>>
    %dma_wait3A_184 = tpu.memref_slice %arg6[%add3A_111] : memref<163840xf32, #tpu.memory_space<hbm>> -> memref<256xf32, #tpu.memory_space<hbm>>
    tpu.wait_dma2 semaphore(%arg28 : memref<!tpu.dma_semaphore, #tpu.memory_space<semaphore_mem>>) src(%dma_wait3A_184 : memref<256xf32, #tpu.memory_space<hbm>>) dst(%dma_wait3A_183 : memref<256xf32, #tpu.memory_space<vmem>>)
    %get3A = arith.constant 0 : index
    %get3A_185 = tpu.vector_load %arg25[%get3A] {strides = array<i32>} : memref<128xf32, #tpu.memory_space<vmem>>, vector<16xf32>,
    %get3A_186 = arith.constant 0 : index
    %get3A_187 = tpu.vector_load %arg26[%get3A_186] {strides = array<i32>} : memref<128xf32, #tpu.memory_space<vmem>>, vector<16xf32>,
    %iota3A = tpu.iota {dimensions = array<i32: 0>} : vector<16xi32>
    %broadcast_in_dim3A = arith.constant 0.000000e+00 : f32
    %broadcast_in_dim3A_188 = vector.broadcast %broadcast_in_dim3A : f32 to vector<16xf32>
    %add3A_189 = arith.constant 64 : i32
    %add3A_190 = arith.addi %add3A_4, %add3A_189 : i32
    %dma_start3A_191 = arith.constant 0 : i32
    %dma_start3A_192 = tpu.memref_slice %arg2[%add3A_190, %dma_start3A_191] : memref<16384x512xf32, #tpu.memory_space<hbm>> -> memref<32x512xf32, #tpu.memory_space<hbm>>
    %dma_start3A_193 = arith.constant 0 : i32
    %dma_start3A_194 = tpu.memref_slice %arg2[%add3A_190, %dma_start3A_193] : memref<16384x512xf32, #tpu.memory_space<hbm>> -> memref<32x512xf32, #tpu.memory_space<hbm>>
    tpu.enqueue_dma source(%dma_start3A_194 : memref<32x512xf32, #tpu.memory_space<hbm>>) target(%arg17 : memref<32x512xf32, #tpu.memory_space<vmem>>) target_semaphore(%arg31 : memref<!tpu.dma_semaphore, #tpu.memory_space<semaphore_mem>>)
    %add3A_195 = arith.constant 64 : i32
    %add3A_196 = arith.addi %add3A_4, %add3A_195 : i32
    %dma_start3A_197 = arith.constant 0 : i32
    %dma_start3A_198 = tpu.memref_slice %arg3[%add3A_196, %dma_start3A_197] : memref<16384x512xf32, #tpu.memory_space<hbm>> -> memref<32x512xf32, #tpu.memory_space<hbm>>
    %dma_start3A_199 = arith.constant 0 : i32
    %dma_start3A_200 = tpu.memref_slice %arg3[%add3A_196, %dma_start3A_199] : memref<16384x512xf32, #tpu.memory_space<hbm>> -> memref<32x512xf32, #tpu.memory_space<hbm>>
    tpu.enqueue_dma source(%dma_start3A_200 : memref<32x512xf32, #tpu.memory_space<hbm>>) target(%arg20 : memref<32x512xf32, #tpu.memory_space<vmem>>) target_semaphore(%arg34 : memref<!tpu.dma_semaphore, #tpu.memory_space<semaphore_mem>>)
    %dma_wait3A_201 = arith.constant 0 : i32
    %dma_wait3A_202 = tpu.memref_slice %arg2[%add3A_8, %dma_wait3A_201] : memref<16384x512xf32, #tpu.memory_space<hbm>> -> memref<32x512xf32, #tpu.memory_space<hbm>>
    %dma_wait3A_203 = arith.constant 0 : i32
    %dma_wait3A_204 = tpu.memref_slice %arg2[%add3A_8, %dma_wait3A_203] : memref<16384x512xf32, #tpu.memory_space<hbm>> -> memref<32x512xf32, #tpu.memory_space<hbm>>
    tpu.wait_dma2 semaphore(%arg29 : memref<!tpu.dma_semaphore, #tpu.memory_space<semaphore_mem>>) src(%dma_wait3A_204 : memref<32x512xf32, #tpu.memory_space<hbm>>) dst(%arg15 : memref<32x512xf32, #tpu.memory_space<vmem>>)
    %dma_wait3A_205 = arith.constant 0 : i32
    %dma_wait3A_206 = tpu.memref_slice %arg3[%add3A_13, %dma_wait3A_205] : memref<16384x512xf32, #tpu.memory_space<hbm>> -> memref<32x512xf32, #tpu.memory_space<hbm>>
    %dma_wait3A_207 = arith.constant 0 : i32
    %dma_wait3A_208 = tpu.memref_slice %arg3[%add3A_13, %dma_wait3A_207] : memref<16384x512xf32, #tpu.memory_space<hbm>> -> memref<32x512xf32, #tpu.memory_space<hbm>>
    tpu.wait_dma2 semaphore(%arg32 : memref<!tpu.dma_semaphore, #tpu.memory_space<semaphore_mem>>) src(%dma_wait3A_208 : memref<32x512xf32, #tpu.memory_space<hbm>>) dst(%arg18 : memref<32x512xf32, #tpu.memory_space<vmem>>)
    %add3A_209 = arith.constant 0 : i32
    %add3A_210 = vector.broadcast %add3A_209 : i32 to vector<16xi32>
    %add3A_211 = arith.addi %add3A_210, %iota3A : vector<16xi32>
    %get3A_212 = arith.constant 0 : index
    %get3A_213 = tpu.vector_load %arg13[%get3A_212] {strides = array<i32>} : memref<256xi32, #tpu.memory_space<vmem>>, vector<16xi32>,
    %gather3A = tpu.vector_load_idx %arg15[%add3A_211, %get3A_213] : memref<32x512xf32, #tpu.memory_space<vmem>>[vector<16xi32>, vector<16xi32>], vector<16xf32>,
    %get3A_214 = arith.constant 0 : index
    %get3A_215 = tpu.vector_load %arg14[%get3A_214] {strides = array<i32>} : memref<256xi32, #tpu.memory_space<vmem>>, vector<16xi32>,
    %gather3A_216 = tpu.vector_load_idx %arg18[%add3A_211, %get3A_215] : memref<32x512xf32, #tpu.memory_space<vmem>>[vector<16xi32>, vector<16xi32>], vector<16xf32>,
    %get3A_217 = arith.constant 2304 : index
    %get3A_218 = tpu.vector_load %arg21[%get3A_217] {strides = array<i32>} : memref<2560xf32, #tpu.memory_space<vmem>>, vector<16xf32>,
    %get3A_219 = arith.constant 2048 : index
    %get3A_220 = tpu.vector_load %arg21[%get3A_219] {strides = array<i32>} : memref<2560xf32, #tpu.memory_space<vmem>>, vector<16xf32>,
    %mul3A_221 = arith.mulf %get3A_185, %get3A_218 : vector<16xf32>
    %add3A_222 = arith.addf %get3A_220, %mul3A_221 : vector<16xf32>
    %get3A_223 = arith.constant 1792 : index
    %get3A_224 = tpu.vector_load %arg21[%get3A_223] {strides = array<i32>} : memref<2560xf32, #tpu.memory_space<vmem>>, vector<16xf32>,
    %mul3A_225 = arith.mulf %get3A_185, %add3A_222 : vector<16xf32>
    %add3A_226 = arith.addf %get3A_224, %mul3A_225 : vector<16xf32>
    %get3A_227 = arith.constant 1536 : index
    %get3A_228 = tpu.vector_load %arg21[%get3A_227] {strides = array<i32>} : memref<2560xf32, #tpu.memory_space<vmem>>, vector<16xf32>,
    %mul3A_229 = arith.mulf %get3A_185, %add3A_226 : vector<16xf32>
    %add3A_230 = arith.addf %get3A_228, %mul3A_229 : vector<16xf32>
    %get3A_231 = arith.constant 1280 : index
    %get3A_232 = tpu.vector_load %arg21[%get3A_231] {strides = array<i32>} : memref<2560xf32, #tpu.memory_space<vmem>>, vector<16xf32>,
    %mul3A_233 = arith.mulf %get3A_185, %add3A_230 : vector<16xf32>
    %add3A_234 = arith.addf %get3A_232, %mul3A_233 : vector<16xf32>
    %get3A_235 = arith.constant 1024 : index
    %get3A_236 = tpu.vector_load %arg21[%get3A_235] {strides = array<i32>} : memref<2560xf32, #tpu.memory_space<vmem>>, vector<16xf32>,
    %mul3A_237 = arith.mulf %get3A_185, %add3A_234 : vector<16xf32>
    %add3A_238 = arith.addf %get3A_236, %mul3A_237 : vector<16xf32>
    %get3A_239 = arith.constant 768 : index
    %get3A_240 = tpu.vector_load %arg21[%get3A_239] {strides = array<i32>} : memref<2560xf32, #tpu.memory_space<vmem>>, vector<16xf32>,
    %mul3A_241 = arith.mulf %get3A_185, %add3A_238 : vector<16xf32>
    %add3A_242 = arith.addf %get3A_240, %mul3A_241 : vector<16xf32>
    %get3A_243 = arith.constant 512 : index
    %get3A_244 = tpu.vector_load %arg21[%get3A_243] {strides = array<i32>} : memref<2560xf32, #tpu.memory_space<vmem>>, vector<16xf32>,
    %mul3A_245 = arith.mulf %get3A_185, %add3A_242 : vector<16xf32>
    %add3A_246 = arith.addf %get3A_244, %mul3A_245 : vector<16xf32>
    %get3A_247 = arith.constant 256 : index
    %get3A_248 = tpu.vector_load %arg21[%get3A_247] {strides = array<i32>} : memref<2560xf32, #tpu.memory_space<vmem>>, vector<16xf32>,
    %mul3A_249 = arith.mulf %get3A_185, %add3A_246 : vector<16xf32>
    %add3A_250 = arith.addf %get3A_248, %mul3A_249 : vector<16xf32>
    %get3A_251 = arith.constant 0 : index
    %get3A_252 = tpu.vector_load %arg21[%get3A_251] {strides = array<i32>} : memref<2560xf32, #tpu.memory_space<vmem>>, vector<16xf32>,
    %mul3A_253 = arith.mulf %get3A_185, %add3A_250 : vector<16xf32>
    %add3A_254 = arith.addf %get3A_252, %mul3A_253 : vector<16xf32>
    %get3A_255 = arith.constant 0 : index
    %get3A_256 = tpu.vector_load %arg22[%get3A_255] {strides = array<i32>} : memref<256xf32, #tpu.memory_space<vmem>>, vector<16xf32>,
    %sub3A = arith.constant 1.000000e+00 : f32
    %sub3A_257 = vector.broadcast %sub3A : f32 to vector<16xf32>
    %sub3A_258 = arith.subf %sub3A_257, %get3A_256 : vector<16xf32>
    %mul3A_259 = arith.mulf %get3A_187, %sub3A_258 : vector<16xf32>
    %mul3A_260 = arith.mulf %mul3A_259, %gather3A_216 : vector<16xf32>
    %add3A_261 = arith.addf %add3A_254, %mul3A_260 : vector<16xf32>
    %sub3A_262 = arith.subf %gather3A, %add3A_261 : vector<16xf32>
    %mul3A_263 = arith.mulf %sub3A_262, %sub3A_262 : vector<16xf32>
    %swap3A = arith.constant 0 : index
    %swap3A_264 = tpu.vector_load %arg24[%swap3A] {strides = array<i32>} : memref<256xf32, #tpu.memory_space<vmem>>, vector<16xf32>,
    tpu.vector_store %arg24[%swap3A], %mul3A_263 {strides = array<i32>} : memref<256xf32, #tpu.memory_space<vmem>>, vector<16xf32>,
    %get3A_265 = arith.constant 0 : index
    %get3A_266 = tpu.vector_load %arg23[%get3A_265] {strides = array<i32>} : memref<256xf32, #tpu.memory_space<vmem>>, vector<16xf32>,
    %mul3A_267 = arith.mulf %mul3A_263, %get3A_266 : vector<16xf32>
    %add3A_268 = arith.addf %broadcast_in_dim3A_188, %mul3A_267 : vector<16xf32>
    %add3A_269 = arith.constant 16 : i32
    %add3A_270 = vector.broadcast %add3A_269 : i32 to vector<16xi32>
    %add3A_271 = arith.addi %add3A_270, %iota3A : vector<16xi32>
    %get3A_272 = arith.constant 16 : index
    %get3A_273 = tpu.vector_load %arg13[%get3A_272] {strides = array<i32>} : memref<256xi32, #tpu.memory_space<vmem>>, vector<16xi32>,
    %gather3A_274 = tpu.vector_load_idx %arg15[%add3A_271, %get3A_273] : memref<32x512xf32, #tpu.memory_space<vmem>>[vector<16xi32>, vector<16xi32>], vector<16xf32>,
    %get3A_275 = arith.constant 16 : index
    %get3A_276 = tpu.vector_load %arg14[%get3A_275] {strides = array<i32>} : memref<256xi32, #tpu.memory_space<vmem>>, vector<16xi32>,
    %gather3A_277 = tpu.vector_load_idx %arg18[%add3A_271, %get3A_276] : memref<32x512xf32, #tpu.memory_space<vmem>>[vector<16xi32>, vector<16xi32>], vector<16xf32>,
    %get3A_278 = arith.constant 2320 : index
    %get3A_279 = tpu.vector_load %arg21[%get3A_278] {strides = array<i32>} : memref<2560xf32, #tpu.memory_space<vmem>>, vector<16xf32>,
    %get3A_280 = arith.constant 2064 : index
    %get3A_281 = tpu.vector_load %arg21[%get3A_280] {strides = array<i32>} : memref<2560xf32, #tpu.memory_space<vmem>>, vector<16xf32>,
    %mul3A_282 = arith.mulf %get3A_185, %get3A_279 : vector<16xf32>
    %add3A_283 = arith.addf %get3A_281, %mul3A_282 : vector<16xf32>
    %get3A_284 = arith.constant 1808 : index
    %get3A_285 = tpu.vector_load %arg21[%get3A_284] {strides = array<i32>} : memref<2560xf32, #tpu.memory_space<vmem>>, vector<16xf32>,
    %mul3A_286 = arith.mulf %get3A_185, %add3A_283 : vector<16xf32>
    %add3A_287 = arith.addf %get3A_285, %mul3A_286 : vector<16xf32>
    %get3A_288 = arith.constant 1552 : index
    %get3A_289 = tpu.vector_load %arg21[%get3A_288] {strides = array<i32>} : memref<2560xf32, #tpu.memory_space<vmem>>, vector<16xf32>,
    %mul3A_290 = arith.mulf %get3A_185, %add3A_287 : vector<16xf32>
    %add3A_291 = arith.addf %get3A_289, %mul3A_290 : vector<16xf32>
    %get3A_292 = arith.constant 1296 : index
    %get3A_293 = tpu.vector_load %arg21[%get3A_292] {strides = array<i32>} : memref<2560xf32, #tpu.memory_space<vmem>>, vector<16xf32>,
    %mul3A_294 = arith.mulf %get3A_185, %add3A_291 : vector<16xf32>
    %add3A_295 = arith.addf %get3A_293, %mul3A_294 : vector<16xf32>
    %get3A_296 = arith.constant 1040 : index
    %get3A_297 = tpu.vector_load %arg21[%get3A_296] {strides = array<i32>} : memref<2560xf32, #tpu.memory_space<vmem>>, vector<16xf32>,
    %mul3A_298 = arith.mulf %get3A_185, %add3A_295 : vector<16xf32>
    %add3A_299 = arith.addf %get3A_297, %mul3A_298 : vector<16xf32>
    %get3A_300 = arith.constant 784 : index
    %get3A_301 = tpu.vector_load %arg21[%get3A_300] {strides = array<i32>} : memref<2560xf32, #tpu.memory_space<vmem>>, vector<16xf32>,
    %mul3A_302 = arith.mulf %get3A_185, %add3A_299 : vector<16xf32>
    %add3A_303 = arith.addf %get3A_301, %mul3A_302 : vector<16xf32>
    %get3A_304 = arith.constant 528 : index
    %get3A_305 = tpu.vector_load %arg21[%get3A_304] {strides = array<i32>} : memref<2560xf32, #tpu.memory_space<vmem>>, vector<16xf32>,
    %mul3A_306 = arith.mulf %get3A_185, %add3A_303 : vector<16xf32>
    %add3A_307 = arith.addf %get3A_305, %mul3A_306 : vector<16xf32>
    %get3A_308 = arith.constant 272 : index
    %get3A_309 = tpu.vector_load %arg21[%get3A_308] {strides = array<i32>} : memref<2560xf32, #tpu.memory_space<vmem>>, vector<16xf32>,
    %mul3A_310 = arith.mulf %get3A_185, %add3A_307 : vector<16xf32>
    %add3A_311 = arith.addf %get3A_309, %mul3A_310 : vector<16xf32>
    %get3A_312 = arith.constant 16 : index
    %get3A_313 = tpu.vector_load %arg21[%get3A_312] {strides = array<i32>} : memref<2560xf32, #tpu.memory_space<vmem>>, vector<16xf32>,
    %mul3A_314 = arith.mulf %get3A_185, %add3A_311 : vector<16xf32>
    %add3A_315 = arith.addf %get3A_313, %mul3A_314 : vector<16xf32>
    %get3A_316 = arith.constant 16 : index
    %get3A_317 = tpu.vector_load %arg22[%get3A_316] {strides = array<i32>} : memref<256xf32, #tpu.memory_space<vmem>>, vector<16xf32>,
    %sub3A_318 = arith.constant 1.000000e+00 : f32
    %sub3A_319 = vector.broadcast %sub3A_318 : f32 to vector<16xf32>
    %sub3A_320 = arith.subf %sub3A_319, %get3A_317 : vector<16xf32>
    %mul3A_321 = arith.mulf %get3A_187, %sub3A_320 : vector<16xf32>
    %mul3A_322 = arith.mulf %mul3A_321, %gather3A_277 : vector<16xf32>
    %add3A_323 = arith.addf %add3A_315, %mul3A_322 : vector<16xf32>
    %sub3A_324 = arith.subf %gather3A_274, %add3A_323 : vector<16xf32>
    %mul3A_325 = arith.mulf %sub3A_324, %sub3A_324 : vector<16xf32>
    %swap3A_326 = arith.constant 16 : index
    %swap3A_327 = tpu.vector_load %arg24[%swap3A_326] {strides = array<i32>} : memref<256xf32, #tpu.memory_space<vmem>>, vector<16xf32>,
    tpu.vector_store %arg24[%swap3A_326], %mul3A_325 {strides = array<i32>} : memref<256xf32, #tpu.memory_space<vmem>>, vector<16xf32>,
    %get3A_328 = arith.constant 16 : index
    %get3A_329 = tpu.vector_load %arg23[%get3A_328] {strides = array<i32>} : memref<256xf32, #tpu.memory_space<vmem>>, vector<16xf32>,
    %mul3A_330 = arith.mulf %mul3A_325, %get3A_329 : vector<16xf32>
    %add3A_331 = arith.addf %add3A_268, %mul3A_330 : vector<16xf32>
    %add3A_332 = arith.constant 96 : i32
    %add3A_333 = arith.addi %add3A_4, %add3A_332 : i32
    %dma_start3A_334 = arith.constant 0 : i32
    %dma_start3A_335 = tpu.memref_slice %arg2[%add3A_333, %dma_start3A_334] : memref<16384x512xf32, #tpu.memory_space<hbm>> -> memref<32x512xf32, #tpu.memory_space<hbm>>
    %dma_start3A_336 = arith.constant 0 : i32
    %dma_start3A_337 = tpu.memref_slice %arg2[%add3A_333, %dma_start3A_336] : memref<16384x512xf32, #tpu.memory_space<hbm>> -> memref<32x512xf32, #tpu.memory_space<hbm>>
    tpu.enqueue_dma source(%dma_start3A_337 : memref<32x512xf32, #tpu.memory_space<hbm>>) target(%arg15 : memref<32x512xf32, #tpu.memory_space<vmem>>) target_semaphore(%arg29 : memref<!tpu.dma_semaphore, #tpu.memory_space<semaphore_mem>>)
    %add3A_338 = arith.constant 96 : i32
    %add3A_339 = arith.addi %add3A_4, %add3A_338 : i32
    %dma_start3A_340 = arith.constant 0 : i32
    %dma_start3A_341 = tpu.memref_slice %arg3[%add3A_339, %dma_start3A_340] : memref<16384x512xf32, #tpu.memory_space<hbm>> -> memref<32x512xf32, #tpu.memory_space<hbm>>
    %dma_start3A_342 = arith.constant 0 : i32
    %dma_start3A_343 = tpu.memref_slice %arg3[%add3A_339, %dma_start3A_342] : memref<16384x512xf32, #tpu.memory_space<hbm>> -> memref<32x512xf32, #tpu.memory_space<hbm>>
    tpu.enqueue_dma source(%dma_start3A_343 : memref<32x512xf32, #tpu.memory_space<hbm>>) target(%arg18 : memref<32x512xf32, #tpu.memory_space<vmem>>) target_semaphore(%arg32 : memref<!tpu.dma_semaphore, #tpu.memory_space<semaphore_mem>>)
    %dma_wait3A_344 = arith.constant 0 : i32
    %dma_wait3A_345 = tpu.memref_slice %arg2[%add3A_19, %dma_wait3A_344] : memref<16384x512xf32, #tpu.memory_space<hbm>> -> memref<32x512xf32, #tpu.memory_space<hbm>>
    %dma_wait3A_346 = arith.constant 0 : i32
    %dma_wait3A_347 = tpu.memref_slice %arg2[%add3A_19, %dma_wait3A_346] : memref<16384x512xf32, #tpu.memory_space<hbm>> -> memref<32x512xf32, #tpu.memory_space<hbm>>
    tpu.wait_dma2 semaphore(%arg30 : memref<!tpu.dma_semaphore, #tpu.memory_space<semaphore_mem>>) src(%dma_wait3A_347 : memref<32x512xf32, #tpu.memory_space<hbm>>) dst(%arg16 : memref<32x512xf32, #tpu.memory_space<vmem>>)
    %dma_wait3A_348 = arith.constant 0 : i32
    %dma_wait3A_349 = tpu.memref_slice %arg3[%add3A_25, %dma_wait3A_348] : memref<16384x512xf32, #tpu.memory_space<hbm>> -> memref<32x512xf32, #tpu.memory_space<hbm>>
    %dma_wait3A_350 = arith.constant 0 : i32
    %dma_wait3A_351 = tpu.memref_slice %arg3[%add3A_25, %dma_wait3A_350] : memref<16384x512xf32, #tpu.memory_space<hbm>> -> memref<32x512xf32, #tpu.memory_space<hbm>>
    tpu.wait_dma2 semaphore(%arg33 : memref<!tpu.dma_semaphore, #tpu.memory_space<semaphore_mem>>) src(%dma_wait3A_351 : memref<32x512xf32, #tpu.memory_space<hbm>>) dst(%arg19 : memref<32x512xf32, #tpu.memory_space<vmem>>)
    %add3A_352 = arith.constant 0 : i32
    %add3A_353 = vector.broadcast %add3A_352 : i32 to vector<16xi32>
    %add3A_354 = arith.addi %add3A_353, %iota3A : vector<16xi32>
    %get3A_355 = arith.constant 32 : index
    %get3A_356 = tpu.vector_load %arg13[%get3A_355] {strides = array<i32>} : memref<256xi32, #tpu.memory_space<vmem>>, vector<16xi32>,
    %gather3A_357 = tpu.vector_load_idx %arg16[%add3A_354, %get3A_356] : memref<32x512xf32, #tpu.memory_space<vmem>>[vector<16xi32>, vector<16xi32>], vector<16xf32>,
    %get3A_358 = arith.constant 32 : index
    %get3A_359 = tpu.vector_load %arg14[%get3A_358] {strides = array<i32>} : memref<256xi32, #tpu.memory_space<vmem>>, vector<16xi32>,
    %gather3A_360 = tpu.vector_load_idx %arg19[%add3A_354, %get3A_359] : memref<32x512xf32, #tpu.memory_space<vmem>>[vector<16xi32>, vector<16xi32>], vector<16xf32>,
    %get3A_361 = arith.constant 2336 : index
    %get3A_362 = tpu.vector_load %arg21[%get3A_361] {strides = array<i32>} : memref<2560xf32, #tpu.memory_space<vmem>>, vector<16xf32>,
    %get3A_363 = arith.constant 2080 : index
    %get3A_364 = tpu.vector_load %arg21[%get3A_363] {strides = array<i32>} : memref<2560xf32, #tpu.memory_space<vmem>>, vector<16xf32>,
    %mul3A_365 = arith.mulf %get3A_185, %get3A_362 : vector<16xf32>
    %add3A_366 = arith.addf %get3A_364, %mul3A_365 : vector<16xf32>
    %get3A_367 = arith.constant 1824 : index
    %get3A_368 = tpu.vector_load %arg21[%get3A_367] {strides = array<i32>} : memref<2560xf32, #tpu.memory_space<vmem>>, vector<16xf32>,
    %mul3A_369 = arith.mulf %get3A_185, %add3A_366 : vector<16xf32>
    %add3A_370 = arith.addf %get3A_368, %mul3A_369 : vector<16xf32>
    %get3A_371 = arith.constant 1568 : index
    %get3A_372 = tpu.vector_load %arg21[%get3A_371] {strides = array<i32>} : memref<2560xf32, #tpu.memory_space<vmem>>, vector<16xf32>,
    %mul3A_373 = arith.mulf %get3A_185, %add3A_370 : vector<16xf32>
    %add3A_374 = arith.addf %get3A_372, %mul3A_373 : vector<16xf32>
    %get3A_375 = arith.constant 1312 : index
    %get3A_376 = tpu.vector_load %arg21[%get3A_375] {strides = array<i32>} : memref<2560xf32, #tpu.memory_space<vmem>>, vector<16xf32>,
    %mul3A_377 = arith.mulf %get3A_185, %add3A_374 : vector<16xf32>
    %add3A_378 = arith.addf %get3A_376, %mul3A_377 : vector<16xf32>
    %get3A_379 = arith.constant 1056 : index
    %get3A_380 = tpu.vector_load %arg21[%get3A_379] {strides = array<i32>} : memref<2560xf32, #tpu.memory_space<vmem>>, vector<16xf32>,
    %mul3A_381 = arith.mulf %get3A_185, %add3A_378 : vector<16xf32>
    %add3A_382 = arith.addf %get3A_380, %mul3A_381 : vector<16xf32>
    %get3A_383 = arith.constant 800 : index
    %get3A_384 = tpu.vector_load %arg21[%get3A_383] {strides = array<i32>} : memref<2560xf32, #tpu.memory_space<vmem>>, vector<16xf32>,
    %mul3A_385 = arith.mulf %get3A_185, %add3A_382 : vector<16xf32>
    %add3A_386 = arith.addf %get3A_384, %mul3A_385 : vector<16xf32>
    %get3A_387 = arith.constant 544 : index
    %get3A_388 = tpu.vector_load %arg21[%get3A_387] {strides = array<i32>} : memref<2560xf32, #tpu.memory_space<vmem>>, vector<16xf32>,
    %mul3A_389 = arith.mulf %get3A_185, %add3A_386 : vector<16xf32>
    %add3A_390 = arith.addf %get3A_388, %mul3A_389 : vector<16xf32>
    %get3A_391 = arith.constant 288 : index
    %get3A_392 = tpu.vector_load %arg21[%get3A_391] {strides = array<i32>} : memref<2560xf32, #tpu.memory_space<vmem>>, vector<16xf32>,
    %mul3A_393 = arith.mulf %get3A_185, %add3A_390 : vector<16xf32>
    %add3A_394 = arith.addf %get3A_392, %mul3A_393 : vector<16xf32>
    %get3A_395 = arith.constant 32 : index
    %get3A_396 = tpu.vector_load %arg21[%get3A_395] {strides = array<i32>} : memref<2560xf32, #tpu.memory_space<vmem>>, vector<16xf32>,
    %mul3A_397 = arith.mulf %get3A_185, %add3A_394 : vector<16xf32>
    %add3A_398 = arith.addf %get3A_396, %mul3A_397 : vector<16xf32>
    %get3A_399 = arith.constant 32 : index
    %get3A_400 = tpu.vector_load %arg22[%get3A_399] {strides = array<i32>} : memref<256xf32, #tpu.memory_space<vmem>>, vector<16xf32>,
    %sub3A_401 = arith.constant 1.000000e+00 : f32
    %sub3A_402 = vector.broadcast %sub3A_401 : f32 to vector<16xf32>
    %sub3A_403 = arith.subf %sub3A_402, %get3A_400 : vector<16xf32>
    %mul3A_404 = arith.mulf %get3A_187, %sub3A_403 : vector<16xf32>
    %mul3A_405 = arith.mulf %mul3A_404, %gather3A_360 : vector<16xf32>
    %add3A_406 = arith.addf %add3A_398, %mul3A_405 : vector<16xf32>
    %sub3A_407 = arith.subf %gather3A_357, %add3A_406 : vector<16xf32>
    %mul3A_408 = arith.mulf %sub3A_407, %sub3A_407 : vector<16xf32>
    %swap3A_409 = arith.constant 32 : index
    %swap3A_410 = tpu.vector_load %arg24[%swap3A_409] {strides = array<i32>} : memref<256xf32, #tpu.memory_space<vmem>>, vector<16xf32>,
    tpu.vector_store %arg24[%swap3A_409], %mul3A_408 {strides = array<i32>} : memref<256xf32, #tpu.memory_space<vmem>>, vector<16xf32>,
    %get3A_411 = arith.constant 32 : index
    %get3A_412 = tpu.vector_load %arg23[%get3A_411] {strides = array<i32>} : memref<256xf32, #tpu.memory_space<vmem>>, vector<16xf32>,
    %mul3A_413 = arith.mulf %mul3A_408, %get3A_412 : vector<16xf32>
    %add3A_414 = arith.addf %add3A_331, %mul3A_413 : vector<16xf32>
    %add3A_415 = arith.constant 16 : i32
    %add3A_416 = vector.broadcast %add3A_415 : i32 to vector<16xi32>
    %add3A_417 = arith.addi %add3A_416, %iota3A : vector<16xi32>
    %get3A_418 = arith.constant 48 : index
    %get3A_419 = tpu.vector_load %arg13[%get3A_418] {strides = array<i32>} : memref<256xi32, #tpu.memory_space<vmem>>, vector<16xi32>,
    %gather3A_420 = tpu.vector_load_idx %arg16[%add3A_417, %get3A_419] : memref<32x512xf32, #tpu.memory_space<vmem>>[vector<16xi32>, vector<16xi32>], vector<16xf32>,
    %get3A_421 = arith.constant 48 : index
    %get3A_422 = tpu.vector_load %arg14[%get3A_421] {strides = array<i32>} : memref<256xi32, #tpu.memory_space<vmem>>, vector<16xi32>,
    %gather3A_423 = tpu.vector_load_idx %arg19[%add3A_417, %get3A_422] : memref<32x512xf32, #tpu.memory_space<vmem>>[vector<16xi32>, vector<16xi32>], vector<16xf32>,
    %get3A_424 = arith.constant 2352 : index
    %get3A_425 = tpu.vector_load %arg21[%get3A_424] {strides = array<i32>} : memref<2560xf32, #tpu.memory_space<vmem>>, vector<16xf32>,
    %get3A_426 = arith.constant 2096 : index
    %get3A_427 = tpu.vector_load %arg21[%get3A_426] {strides = array<i32>} : memref<2560xf32, #tpu.memory_space<vmem>>, vector<16xf32>,
    %mul3A_428 = arith.mulf %get3A_185, %get3A_425 : vector<16xf32>
    %add3A_429 = arith.addf %get3A_427, %mul3A_428 : vector<16xf32>
    %get3A_430 = arith.constant 1840 : index
    %get3A_431 = tpu.vector_load %arg21[%get3A_430] {strides = array<i32>} : memref<2560xf32, #tpu.memory_space<vmem>>, vector<16xf32>,
    %mul3A_432 = arith.mulf %get3A_185, %add3A_429 : vector<16xf32>
    %add3A_433 = arith.addf %get3A_431, %mul3A_432 : vector<16xf32>
    %get3A_434 = arith.constant 1584 : index
    %get3A_435 = tpu.vector_load %arg21[%get3A_434] {strides = array<i32>} : memref<2560xf32, #tpu.memory_space<vmem>>, vector<16xf32>,
    %mul3A_436 = arith.mulf %get3A_185, %add3A_433 : vector<16xf32>
    %add3A_437 = arith.addf %get3A_435, %mul3A_436 : vector<16xf32>
    %get3A_438 = arith.constant 1328 : index
    %get3A_439 = tpu.vector_load %arg21[%get3A_438] {strides = array<i32>} : memref<2560xf32, #tpu.memory_space<vmem>>, vector<16xf32>,
    %mul3A_440 = arith.mulf %get3A_185, %add3A_437 : vector<16xf32>
    %add3A_441 = arith.addf %get3A_439, %mul3A_440 : vector<16xf32>
    %get3A_442 = arith.constant 1072 : index
    %get3A_443 = tpu.vector_load %arg21[%get3A_442] {strides = array<i32>} : memref<2560xf32, #tpu.memory_space<vmem>>, vector<16xf32>,
    %mul3A_444 = arith.mulf %get3A_185, %add3A_441 : vector<16xf32>
    %add3A_445 = arith.addf %get3A_443, %mul3A_444 : vector<16xf32>
    %get3A_446 = arith.constant 816 : index
    %get3A_447 = tpu.vector_load %arg21[%get3A_446] {strides = array<i32>} : memref<2560xf32, #tpu.memory_space<vmem>>, vector<16xf32>,
    %mul3A_448 = arith.mulf %get3A_185, %add3A_445 : vector<16xf32>
    %add3A_449 = arith.addf %get3A_447, %mul3A_448 : vector<16xf32>
    %get3A_450 = arith.constant 560 : index
    %get3A_451 = tpu.vector_load %arg21[%get3A_450] {strides = array<i32>} : memref<2560xf32, #tpu.memory_space<vmem>>, vector<16xf32>,
    %mul3A_452 = arith.mulf %get3A_185, %add3A_449 : vector<16xf32>
    %add3A_453 = arith.addf %get3A_451, %mul3A_452 : vector<16xf32>
    %get3A_454 = arith.constant 304 : index
    %get3A_455 = tpu.vector_load %arg21[%get3A_454] {strides = array<i32>} : memref<2560xf32, #tpu.memory_space<vmem>>, vector<16xf32>,
    %mul3A_456 = arith.mulf %get3A_185, %add3A_453 : vector<16xf32>
    %add3A_457 = arith.addf %get3A_455, %mul3A_456 : vector<16xf32>
    %get3A_458 = arith.constant 48 : index
    %get3A_459 = tpu.vector_load %arg21[%get3A_458] {strides = array<i32>} : memref<2560xf32, #tpu.memory_space<vmem>>, vector<16xf32>,
    %mul3A_460 = arith.mulf %get3A_185, %add3A_457 : vector<16xf32>
    %add3A_461 = arith.addf %get3A_459, %mul3A_460 : vector<16xf32>
    %get3A_462 = arith.constant 48 : index
    %get3A_463 = tpu.vector_load %arg22[%get3A_462] {strides = array<i32>} : memref<256xf32, #tpu.memory_space<vmem>>, vector<16xf32>,
    %sub3A_464 = arith.constant 1.000000e+00 : f32
    %sub3A_465 = vector.broadcast %sub3A_464 : f32 to vector<16xf32>
    %sub3A_466 = arith.subf %sub3A_465, %get3A_463 : vector<16xf32>
    %mul3A_467 = arith.mulf %get3A_187, %sub3A_466 : vector<16xf32>
    %mul3A_468 = arith.mulf %mul3A_467, %gather3A_423 : vector<16xf32>
    %add3A_469 = arith.addf %add3A_461, %mul3A_468 : vector<16xf32>
    %sub3A_470 = arith.subf %gather3A_420, %add3A_469 : vector<16xf32>
    %mul3A_471 = arith.mulf %sub3A_470, %sub3A_470 : vector<16xf32>
    %swap3A_472 = arith.constant 48 : index
    %swap3A_473 = tpu.vector_load %arg24[%swap3A_472] {strides = array<i32>} : memref<256xf32, #tpu.memory_space<vmem>>, vector<16xf32>,
    tpu.vector_store %arg24[%swap3A_472], %mul3A_471 {strides = array<i32>} : memref<256xf32, #tpu.memory_space<vmem>>, vector<16xf32>,
    %get3A_474 = arith.constant 48 : index
    %get3A_475 = tpu.vector_load %arg23[%get3A_474] {strides = array<i32>} : memref<256xf32, #tpu.memory_space<vmem>>, vector<16xf32>,
    %mul3A_476 = arith.mulf %mul3A_471, %get3A_475 : vector<16xf32>
    %add3A_477 = arith.addf %add3A_414, %mul3A_476 : vector<16xf32>
    %add3A_478 = arith.constant 128 : i32
    %add3A_479 = arith.addi %add3A_4, %add3A_478 : i32
    %dma_start3A_480 = arith.constant 0 : i32
    %dma_start3A_481 = tpu.memref_slice %arg2[%add3A_479, %dma_start3A_480] : memref<16384x512xf32, #tpu.memory_space<hbm>> -> memref<32x512xf32, #tpu.memory_space<hbm>>
    %dma_start3A_482 = arith.constant 0 : i32
    %dma_start3A_483 = tpu.memref_slice %arg2[%add3A_479, %dma_start3A_482] : memref<16384x512xf32, #tpu.memory_space<hbm>> -> memref<32x512xf32, #tpu.memory_space<hbm>>
    tpu.enqueue_dma source(%dma_start3A_483 : memref<32x512xf32, #tpu.memory_space<hbm>>) target(%arg16 : memref<32x512xf32, #tpu.memory_space<vmem>>) target_semaphore(%arg30 : memref<!tpu.dma_semaphore, #tpu.memory_space<semaphore_mem>>)
    %add3A_484 = arith.constant 128 : i32
    %add3A_485 = arith.addi %add3A_4, %add3A_484 : i32
    %dma_start3A_486 = arith.constant 0 : i32
    %dma_start3A_487 = tpu.memref_slice %arg3[%add3A_485, %dma_start3A_486] : memref<16384x512xf32, #tpu.memory_space<hbm>> -> memref<32x512xf32, #tpu.memory_space<hbm>>
    %dma_start3A_488 = arith.constant 0 : i32
    %dma_start3A_489 = tpu.memref_slice %arg3[%add3A_485, %dma_start3A_488] : memref<16384x512xf32, #tpu.memory_space<hbm>> -> memref<32x512xf32, #tpu.memory_space<hbm>>
    tpu.enqueue_dma source(%dma_start3A_489 : memref<32x512xf32, #tpu.memory_space<hbm>>) target(%arg19 : memref<32x512xf32, #tpu.memory_space<vmem>>) target_semaphore(%arg33 : memref<!tpu.dma_semaphore, #tpu.memory_space<semaphore_mem>>)
    %dma_wait3A_490 = arith.constant 0 : i32
    %dma_wait3A_491 = tpu.memref_slice %arg2[%add3A_190, %dma_wait3A_490] : memref<16384x512xf32, #tpu.memory_space<hbm>> -> memref<32x512xf32, #tpu.memory_space<hbm>>
    %dma_wait3A_492 = arith.constant 0 : i32
    %dma_wait3A_493 = tpu.memref_slice %arg2[%add3A_190, %dma_wait3A_492] : memref<16384x512xf32, #tpu.memory_space<hbm>> -> memref<32x512xf32, #tpu.memory_space<hbm>>
    tpu.wait_dma2 semaphore(%arg31 : memref<!tpu.dma_semaphore, #tpu.memory_space<semaphore_mem>>) src(%dma_wait3A_493 : memref<32x512xf32, #tpu.memory_space<hbm>>) dst(%arg17 : memref<32x512xf32, #tpu.memory_space<vmem>>)
    %dma_wait3A_494 = arith.constant 0 : i32
    %dma_wait3A_495 = tpu.memref_slice %arg3[%add3A_196, %dma_wait3A_494] : memref<16384x512xf32, #tpu.memory_space<hbm>> -> memref<32x512xf32, #tpu.memory_space<hbm>>
    %dma_wait3A_496 = arith.constant 0 : i32
    %dma_wait3A_497 = tpu.memref_slice %arg3[%add3A_196, %dma_wait3A_496] : memref<16384x512xf32, #tpu.memory_space<hbm>> -> memref<32x512xf32, #tpu.memory_space<hbm>>
    tpu.wait_dma2 semaphore(%arg34 : memref<!tpu.dma_semaphore, #tpu.memory_space<semaphore_mem>>) src(%dma_wait3A_497 : memref<32x512xf32, #tpu.memory_space<hbm>>) dst(%arg20 : memref<32x512xf32, #tpu.memory_space<vmem>>)
    %add3A_498 = arith.constant 0 : i32
    %add3A_499 = vector.broadcast %add3A_498 : i32 to vector<16xi32>
    %add3A_500 = arith.addi %add3A_499, %iota3A : vector<16xi32>
    %get3A_501 = arith.constant 64 : index
    %get3A_502 = tpu.vector_load %arg13[%get3A_501] {strides = array<i32>} : memref<256xi32, #tpu.memory_space<vmem>>, vector<16xi32>,
    %gather3A_503 = tpu.vector_load_idx %arg17[%add3A_500, %get3A_502] : memref<32x512xf32, #tpu.memory_space<vmem>>[vector<16xi32>, vector<16xi32>], vector<16xf32>,
    %get3A_504 = arith.constant 64 : index
    %get3A_505 = tpu.vector_load %arg14[%get3A_504] {strides = array<i32>} : memref<256xi32, #tpu.memory_space<vmem>>, vector<16xi32>,
    %gather3A_506 = tpu.vector_load_idx %arg20[%add3A_500, %get3A_505] : memref<32x512xf32, #tpu.memory_space<vmem>>[vector<16xi32>, vector<16xi32>], vector<16xf32>,
    %get3A_507 = arith.constant 2368 : index
    %get3A_508 = tpu.vector_load %arg21[%get3A_507] {strides = array<i32>} : memref<2560xf32, #tpu.memory_space<vmem>>, vector<16xf32>,
    %get3A_509 = arith.constant 2112 : index
    %get3A_510 = tpu.vector_load %arg21[%get3A_509] {strides = array<i32>} : memref<2560xf32, #tpu.memory_space<vmem>>, vector<16xf32>,
    %mul3A_511 = arith.mulf %get3A_185, %get3A_508 : vector<16xf32>
    %add3A_512 = arith.addf %get3A_510, %mul3A_511 : vector<16xf32>
    %get3A_513 = arith.constant 1856 : index
    %get3A_514 = tpu.vector_load %arg21[%get3A_513] {strides = array<i32>} : memref<2560xf32, #tpu.memory_space<vmem>>, vector<16xf32>,
    %mul3A_515 = arith.mulf %get3A_185, %add3A_512 : vector<16xf32>
    %add3A_516 = arith.addf %get3A_514, %mul3A_515 : vector<16xf32>
    %get3A_517 = arith.constant 1600 : index
    %get3A_518 = tpu.vector_load %arg21[%get3A_517] {strides = array<i32>} : memref<2560xf32, #tpu.memory_space<vmem>>, vector<16xf32>,
    %mul3A_519 = arith.mulf %get3A_185, %add3A_516 : vector<16xf32>
    %add3A_520 = arith.addf %get3A_518, %mul3A_519 : vector<16xf32>
    %get3A_521 = arith.constant 1344 : index
    %get3A_522 = tpu.vector_load %arg21[%get3A_521] {strides = array<i32>} : memref<2560xf32, #tpu.memory_space<vmem>>, vector<16xf32>,
    %mul3A_523 = arith.mulf %get3A_185, %add3A_520 : vector<16xf32>
    %add3A_524 = arith.addf %get3A_522, %mul3A_523 : vector<16xf32>
    %get3A_525 = arith.constant 1088 : index
    %get3A_526 = tpu.vector_load %arg21[%get3A_525] {strides = array<i32>} : memref<2560xf32, #tpu.memory_space<vmem>>, vector<16xf32>,
    %mul3A_527 = arith.mulf %get3A_185, %add3A_524 : vector<16xf32>
    %add3A_528 = arith.addf %get3A_526, %mul3A_527 : vector<16xf32>
    %get3A_529 = arith.constant 832 : index
    %get3A_530 = tpu.vector_load %arg21[%get3A_529] {strides = array<i32>} : memref<2560xf32, #tpu.memory_space<vmem>>, vector<16xf32>,
    %mul3A_531 = arith.mulf %get3A_185, %add3A_528 : vector<16xf32>
    %add3A_532 = arith.addf %get3A_530, %mul3A_531 : vector<16xf32>
    %get3A_533 = arith.constant 576 : index
    %get3A_534 = tpu.vector_load %arg21[%get3A_533] {strides = array<i32>} : memref<2560xf32, #tpu.memory_space<vmem>>, vector<16xf32>,
    %mul3A_535 = arith.mulf %get3A_185, %add3A_532 : vector<16xf32>
    %add3A_536 = arith.addf %get3A_534, %mul3A_535 : vector<16xf32>
    %get3A_537 = arith.constant 320 : index
    %get3A_538 = tpu.vector_load %arg21[%get3A_537] {strides = array<i32>} : memref<2560xf32, #tpu.memory_space<vmem>>, vector<16xf32>,
    %mul3A_539 = arith.mulf %get3A_185, %add3A_536 : vector<16xf32>
    %add3A_540 = arith.addf %get3A_538, %mul3A_539 : vector<16xf32>
    %get3A_541 = arith.constant 64 : index
    %get3A_542 = tpu.vector_load %arg21[%get3A_541] {strides = array<i32>} : memref<2560xf32, #tpu.memory_space<vmem>>, vector<16xf32>,
    %mul3A_543 = arith.mulf %get3A_185, %add3A_540 : vector<16xf32>
    %add3A_544 = arith.addf %get3A_542, %mul3A_543 : vector<16xf32>
    %get3A_545 = arith.constant 64 : index
    %get3A_546 = tpu.vector_load %arg22[%get3A_545] {strides = array<i32>} : memref<256xf32, #tpu.memory_space<vmem>>, vector<16xf32>,
    %sub3A_547 = arith.constant 1.000000e+00 : f32
    %sub3A_548 = vector.broadcast %sub3A_547 : f32 to vector<16xf32>
    %sub3A_549 = arith.subf %sub3A_548, %get3A_546 : vector<16xf32>
    %mul3A_550 = arith.mulf %get3A_187, %sub3A_549 : vector<16xf32>
    %mul3A_551 = arith.mulf %mul3A_550, %gather3A_506 : vector<16xf32>
    %add3A_552 = arith.addf %add3A_544, %mul3A_551 : vector<16xf32>
    %sub3A_553 = arith.subf %gather3A_503, %add3A_552 : vector<16xf32>
    %mul3A_554 = arith.mulf %sub3A_553, %sub3A_553 : vector<16xf32>
    %swap3A_555 = arith.constant 64 : index
    %swap3A_556 = tpu.vector_load %arg24[%swap3A_555] {strides = array<i32>} : memref<256xf32, #tpu.memory_space<vmem>>, vector<16xf32>,
    tpu.vector_store %arg24[%swap3A_555], %mul3A_554 {strides = array<i32>} : memref<256xf32, #tpu.memory_space<vmem>>, vector<16xf32>,
    %get3A_557 = arith.constant 64 : index
    %get3A_558 = tpu.vector_load %arg23[%get3A_557] {strides = array<i32>} : memref<256xf32, #tpu.memory_space<vmem>>, vector<16xf32>,
    %mul3A_559 = arith.mulf %mul3A_554, %get3A_558 : vector<16xf32>
    %add3A_560 = arith.addf %add3A_477, %mul3A_559 : vector<16xf32>
    %add3A_561 = arith.constant 16 : i32
    %add3A_562 = vector.broadcast %add3A_561 : i32 to vector<16xi32>
    %add3A_563 = arith.addi %add3A_562, %iota3A : vector<16xi32>
    %get3A_564 = arith.constant 80 : index
    %get3A_565 = tpu.vector_load %arg13[%get3A_564] {strides = array<i32>} : memref<256xi32, #tpu.memory_space<vmem>>, vector<16xi32>,
    %gather3A_566 = tpu.vector_load_idx %arg17[%add3A_563, %get3A_565] : memref<32x512xf32, #tpu.memory_space<vmem>>[vector<16xi32>, vector<16xi32>], vector<16xf32>,
    %get3A_567 = arith.constant 80 : index
    %get3A_568 = tpu.vector_load %arg14[%get3A_567] {strides = array<i32>} : memref<256xi32, #tpu.memory_space<vmem>>, vector<16xi32>,
    %gather3A_569 = tpu.vector_load_idx %arg20[%add3A_563, %get3A_568] : memref<32x512xf32, #tpu.memory_space<vmem>>[vector<16xi32>, vector<16xi32>], vector<16xf32>,
    %get3A_570 = arith.constant 2384 : index
    %get3A_571 = tpu.vector_load %arg21[%get3A_570] {strides = array<i32>} : memref<2560xf32, #tpu.memory_space<vmem>>, vector<16xf32>,
    %get3A_572 = arith.constant 2128 : index
    %get3A_573 = tpu.vector_load %arg21[%get3A_572] {strides = array<i32>} : memref<2560xf32, #tpu.memory_space<vmem>>, vector<16xf32>,
    %mul3A_574 = arith.mulf %get3A_185, %get3A_571 : vector<16xf32>
    %add3A_575 = arith.addf %get3A_573, %mul3A_574 : vector<16xf32>
    %get3A_576 = arith.constant 1872 : index
    %get3A_577 = tpu.vector_load %arg21[%get3A_576] {strides = array<i32>} : memref<2560xf32, #tpu.memory_space<vmem>>, vector<16xf32>,
    %mul3A_578 = arith.mulf %get3A_185, %add3A_575 : vector<16xf32>
    %add3A_579 = arith.addf %get3A_577, %mul3A_578 : vector<16xf32>
    %get3A_580 = arith.constant 1616 : index
    %get3A_581 = tpu.vector_load %arg21[%get3A_580] {strides = array<i32>} : memref<2560xf32, #tpu.memory_space<vmem>>, vector<16xf32>,
    %mul3A_582 = arith.mulf %get3A_185, %add3A_579 : vector<16xf32>
    %add3A_583 = arith.addf %get3A_581, %mul3A_582 : vector<16xf32>
    %get3A_584 = arith.constant 1360 : index
    %get3A_585 = tpu.vector_load %arg21[%get3A_584] {strides = array<i32>} : memref<2560xf32, #tpu.memory_space<vmem>>, vector<16xf32>,
    %mul3A_586 = arith.mulf %get3A_185, %add3A_583 : vector<16xf32>
    %add3A_587 = arith.addf %get3A_585, %mul3A_586 : vector<16xf32>
    %get3A_588 = arith.constant 1104 : index
    %get3A_589 = tpu.vector_load %arg21[%get3A_588] {strides = array<i32>} : memref<2560xf32, #tpu.memory_space<vmem>>, vector<16xf32>,
    %mul3A_590 = arith.mulf %get3A_185, %add3A_587 : vector<16xf32>
    %add3A_591 = arith.addf %get3A_589, %mul3A_590 : vector<16xf32>
    %get3A_592 = arith.constant 848 : index
    %get3A_593 = tpu.vector_load %arg21[%get3A_592] {strides = array<i32>} : memref<2560xf32, #tpu.memory_space<vmem>>, vector<16xf32>,
    %mul3A_594 = arith.mulf %get3A_185, %add3A_591 : vector<16xf32>
    %add3A_595 = arith.addf %get3A_593, %mul3A_594 : vector<16xf32>
    %get3A_596 = arith.constant 592 : index
    %get3A_597 = tpu.vector_load %arg21[%get3A_596] {strides = array<i32>} : memref<2560xf32, #tpu.memory_space<vmem>>, vector<16xf32>,
    %mul3A_598 = arith.mulf %get3A_185, %add3A_595 : vector<16xf32>
    %add3A_599 = arith.addf %get3A_597, %mul3A_598 : vector<16xf32>
    %get3A_600 = arith.constant 336 : index
    %get3A_601 = tpu.vector_load %arg21[%get3A_600] {strides = array<i32>} : memref<2560xf32, #tpu.memory_space<vmem>>, vector<16xf32>,
    %mul3A_602 = arith.mulf %get3A_185, %add3A_599 : vector<16xf32>
    %add3A_603 = arith.addf %get3A_601, %mul3A_602 : vector<16xf32>
    %get3A_604 = arith.constant 80 : index
    %get3A_605 = tpu.vector_load %arg21[%get3A_604] {strides = array<i32>} : memref<2560xf32, #tpu.memory_space<vmem>>, vector<16xf32>,
    %mul3A_606 = arith.mulf %get3A_185, %add3A_603 : vector<16xf32>
    %add3A_607 = arith.addf %get3A_605, %mul3A_606 : vector<16xf32>
    %get3A_608 = arith.constant 80 : index
    %get3A_609 = tpu.vector_load %arg22[%get3A_608] {strides = array<i32>} : memref<256xf32, #tpu.memory_space<vmem>>, vector<16xf32>,
    %sub3A_610 = arith.constant 1.000000e+00 : f32
    %sub3A_611 = vector.broadcast %sub3A_610 : f32 to vector<16xf32>
    %sub3A_612 = arith.subf %sub3A_611, %get3A_609 : vector<16xf32>
    %mul3A_613 = arith.mulf %get3A_187, %sub3A_612 : vector<16xf32>
    %mul3A_614 = arith.mulf %mul3A_613, %gather3A_569 : vector<16xf32>
    %add3A_615 = arith.addf %add3A_607, %mul3A_614 : vector<16xf32>
    %sub3A_616 = arith.subf %gather3A_566, %add3A_615 : vector<16xf32>
    %mul3A_617 = arith.mulf %sub3A_616, %sub3A_616 : vector<16xf32>
    %swap3A_618 = arith.constant 80 : index
    %swap3A_619 = tpu.vector_load %arg24[%swap3A_618] {strides = array<i32>} : memref<256xf32, #tpu.memory_space<vmem>>, vector<16xf32>,
    tpu.vector_store %arg24[%swap3A_618], %mul3A_617 {strides = array<i32>} : memref<256xf32, #tpu.memory_space<vmem>>, vector<16xf32>,
    %get3A_620 = arith.constant 80 : index
    %get3A_621 = tpu.vector_load %arg23[%get3A_620] {strides = array<i32>} : memref<256xf32, #tpu.memory_space<vmem>>, vector<16xf32>,
    %mul3A_622 = arith.mulf %mul3A_617, %get3A_621 : vector<16xf32>
    %add3A_623 = arith.addf %add3A_560, %mul3A_622 : vector<16xf32>
    %add3A_624 = arith.constant 160 : i32
    %add3A_625 = arith.addi %add3A_4, %add3A_624 : i32
    %dma_start3A_626 = arith.constant 0 : i32
    %dma_start3A_627 = tpu.memref_slice %arg2[%add3A_625, %dma_start3A_626] : memref<16384x512xf32, #tpu.memory_space<hbm>> -> memref<32x512xf32, #tpu.memory_space<hbm>>
    %dma_start3A_628 = arith.constant 0 : i32
    %dma_start3A_629 = tpu.memref_slice %arg2[%add3A_625, %dma_start3A_628] : memref<16384x512xf32, #tpu.memory_space<hbm>> -> memref<32x512xf32, #tpu.memory_space<hbm>>
    tpu.enqueue_dma source(%dma_start3A_629 : memref<32x512xf32, #tpu.memory_space<hbm>>) target(%arg17 : memref<32x512xf32, #tpu.memory_space<vmem>>) target_semaphore(%arg31 : memref<!tpu.dma_semaphore, #tpu.memory_space<semaphore_mem>>)
    %add3A_630 = arith.constant 160 : i32
    %add3A_631 = arith.addi %add3A_4, %add3A_630 : i32
    %dma_start3A_632 = arith.constant 0 : i32
    %dma_start3A_633 = tpu.memref_slice %arg3[%add3A_631, %dma_start3A_632] : memref<16384x512xf32, #tpu.memory_space<hbm>> -> memref<32x512xf32, #tpu.memory_space<hbm>>
    %dma_start3A_634 = arith.constant 0 : i32
    %dma_start3A_635 = tpu.memref_slice %arg3[%add3A_631, %dma_start3A_634] : memref<16384x512xf32, #tpu.memory_space<hbm>> -> memref<32x512xf32, #tpu.memory_space<hbm>>
    tpu.enqueue_dma source(%dma_start3A_635 : memref<32x512xf32, #tpu.memory_space<hbm>>) target(%arg20 : memref<32x512xf32, #tpu.memory_space<vmem>>) target_semaphore(%arg34 : memref<!tpu.dma_semaphore, #tpu.memory_space<semaphore_mem>>)
    %dma_wait3A_636 = arith.constant 0 : i32
    %dma_wait3A_637 = tpu.memref_slice %arg2[%add3A_333, %dma_wait3A_636] : memref<16384x512xf32, #tpu.memory_space<hbm>> -> memref<32x512xf32, #tpu.memory_space<hbm>>
    %dma_wait3A_638 = arith.constant 0 : i32
    %dma_wait3A_639 = tpu.memref_slice %arg2[%add3A_333, %dma_wait3A_638] : memref<16384x512xf32, #tpu.memory_space<hbm>> -> memref<32x512xf32, #tpu.memory_space<hbm>>
    tpu.wait_dma2 semaphore(%arg29 : memref<!tpu.dma_semaphore, #tpu.memory_space<semaphore_mem>>) src(%dma_wait3A_639 : memref<32x512xf32, #tpu.memory_space<hbm>>) dst(%arg15 : memref<32x512xf32, #tpu.memory_space<vmem>>)
    %dma_wait3A_640 = arith.constant 0 : i32
    %dma_wait3A_641 = tpu.memref_slice %arg3[%add3A_339, %dma_wait3A_640] : memref<16384x512xf32, #tpu.memory_space<hbm>> -> memref<32x512xf32, #tpu.memory_space<hbm>>
    %dma_wait3A_642 = arith.constant 0 : i32
    %dma_wait3A_643 = tpu.memref_slice %arg3[%add3A_339, %dma_wait3A_642] : memref<16384x512xf32, #tpu.memory_space<hbm>> -> memref<32x512xf32, #tpu.memory_space<hbm>>
    tpu.wait_dma2 semaphore(%arg32 : memref<!tpu.dma_semaphore, #tpu.memory_space<semaphore_mem>>) src(%dma_wait3A_643 : memref<32x512xf32, #tpu.memory_space<hbm>>) dst(%arg18 : memref<32x512xf32, #tpu.memory_space<vmem>>)
    %add3A_644 = arith.constant 0 : i32
    %add3A_645 = vector.broadcast %add3A_644 : i32 to vector<16xi32>
    %add3A_646 = arith.addi %add3A_645, %iota3A : vector<16xi32>
    %get3A_647 = arith.constant 96 : index
    %get3A_648 = tpu.vector_load %arg13[%get3A_647] {strides = array<i32>} : memref<256xi32, #tpu.memory_space<vmem>>, vector<16xi32>,
    %gather3A_649 = tpu.vector_load_idx %arg15[%add3A_646, %get3A_648] : memref<32x512xf32, #tpu.memory_space<vmem>>[vector<16xi32>, vector<16xi32>], vector<16xf32>,
    %get3A_650 = arith.constant 96 : index
    %get3A_651 = tpu.vector_load %arg14[%get3A_650] {strides = array<i32>} : memref<256xi32, #tpu.memory_space<vmem>>, vector<16xi32>,
    %gather3A_652 = tpu.vector_load_idx %arg18[%add3A_646, %get3A_651] : memref<32x512xf32, #tpu.memory_space<vmem>>[vector<16xi32>, vector<16xi32>], vector<16xf32>,
    %get3A_653 = arith.constant 2400 : index
    %get3A_654 = tpu.vector_load %arg21[%get3A_653] {strides = array<i32>} : memref<2560xf32, #tpu.memory_space<vmem>>, vector<16xf32>,
    %get3A_655 = arith.constant 2144 : index
    %get3A_656 = tpu.vector_load %arg21[%get3A_655] {strides = array<i32>} : memref<2560xf32, #tpu.memory_space<vmem>>, vector<16xf32>,
    %mul3A_657 = arith.mulf %get3A_185, %get3A_654 : vector<16xf32>
    %add3A_658 = arith.addf %get3A_656, %mul3A_657 : vector<16xf32>
    %get3A_659 = arith.constant 1888 : index
    %get3A_660 = tpu.vector_load %arg21[%get3A_659] {strides = array<i32>} : memref<2560xf32, #tpu.memory_space<vmem>>, vector<16xf32>,
    %mul3A_661 = arith.mulf %get3A_185, %add3A_658 : vector<16xf32>
    %add3A_662 = arith.addf %get3A_660, %mul3A_661 : vector<16xf32>
    %get3A_663 = arith.constant 1632 : index
    %get3A_664 = tpu.vector_load %arg21[%get3A_663] {strides = array<i32>} : memref<2560xf32, #tpu.memory_space<vmem>>, vector<16xf32>,
    %mul3A_665 = arith.mulf %get3A_185, %add3A_662 : vector<16xf32>
    %add3A_666 = arith.addf %get3A_664, %mul3A_665 : vector<16xf32>
    %get3A_667 = arith.constant 1376 : index
    %get3A_668 = tpu.vector_load %arg21[%get3A_667] {strides = array<i32>} : memref<2560xf32, #tpu.memory_space<vmem>>, vector<16xf32>,
    %mul3A_669 = arith.mulf %get3A_185, %add3A_666 : vector<16xf32>
    %add3A_670 = arith.addf %get3A_668, %mul3A_669 : vector<16xf32>
    %get3A_671 = arith.constant 1120 : index
    %get3A_672 = tpu.vector_load %arg21[%get3A_671] {strides = array<i32>} : memref<2560xf32, #tpu.memory_space<vmem>>, vector<16xf32>,
    %mul3A_673 = arith.mulf %get3A_185, %add3A_670 : vector<16xf32>
    %add3A_674 = arith.addf %get3A_672, %mul3A_673 : vector<16xf32>
    %get3A_675 = arith.constant 864 : index
    %get3A_676 = tpu.vector_load %arg21[%get3A_675] {strides = array<i32>} : memref<2560xf32, #tpu.memory_space<vmem>>, vector<16xf32>,
    %mul3A_677 = arith.mulf %get3A_185, %add3A_674 : vector<16xf32>
    %add3A_678 = arith.addf %get3A_676, %mul3A_677 : vector<16xf32>
    %get3A_679 = arith.constant 608 : index
    %get3A_680 = tpu.vector_load %arg21[%get3A_679] {strides = array<i32>} : memref<2560xf32, #tpu.memory_space<vmem>>, vector<16xf32>,
    %mul3A_681 = arith.mulf %get3A_185, %add3A_678 : vector<16xf32>
    %add3A_682 = arith.addf %get3A_680, %mul3A_681 : vector<16xf32>
    %get3A_683 = arith.constant 352 : index
    %get3A_684 = tpu.vector_load %arg21[%get3A_683] {strides = array<i32>} : memref<2560xf32, #tpu.memory_space<vmem>>, vector<16xf32>,
    %mul3A_685 = arith.mulf %get3A_185, %add3A_682 : vector<16xf32>
    %add3A_686 = arith.addf %get3A_684, %mul3A_685 : vector<16xf32>
    %get3A_687 = arith.constant 96 : index
    %get3A_688 = tpu.vector_load %arg21[%get3A_687] {strides = array<i32>} : memref<2560xf32, #tpu.memory_space<vmem>>, vector<16xf32>,
    %mul3A_689 = arith.mulf %get3A_185, %add3A_686 : vector<16xf32>
    %add3A_690 = arith.addf %get3A_688, %mul3A_689 : vector<16xf32>
    %get3A_691 = arith.constant 96 : index
    %get3A_692 = tpu.vector_load %arg22[%get3A_691] {strides = array<i32>} : memref<256xf32, #tpu.memory_space<vmem>>, vector<16xf32>,
    %sub3A_693 = arith.constant 1.000000e+00 : f32
    %sub3A_694 = vector.broadcast %sub3A_693 : f32 to vector<16xf32>
    %sub3A_695 = arith.subf %sub3A_694, %get3A_692 : vector<16xf32>
    %mul3A_696 = arith.mulf %get3A_187, %sub3A_695 : vector<16xf32>
    %mul3A_697 = arith.mulf %mul3A_696, %gather3A_652 : vector<16xf32>
    %add3A_698 = arith.addf %add3A_690, %mul3A_697 : vector<16xf32>
    %sub3A_699 = arith.subf %gather3A_649, %add3A_698 : vector<16xf32>
    %mul3A_700 = arith.mulf %sub3A_699, %sub3A_699 : vector<16xf32>
    %swap3A_701 = arith.constant 96 : index
    %swap3A_702 = tpu.vector_load %arg24[%swap3A_701] {strides = array<i32>} : memref<256xf32, #tpu.memory_space<vmem>>, vector<16xf32>,
    tpu.vector_store %arg24[%swap3A_701], %mul3A_700 {strides = array<i32>} : memref<256xf32, #tpu.memory_space<vmem>>, vector<16xf32>,
    %get3A_703 = arith.constant 96 : index
    %get3A_704 = tpu.vector_load %arg23[%get3A_703] {strides = array<i32>} : memref<256xf32, #tpu.memory_space<vmem>>, vector<16xf32>,
    %mul3A_705 = arith.mulf %mul3A_700, %get3A_704 : vector<16xf32>
    %add3A_706 = arith.addf %add3A_623, %mul3A_705 : vector<16xf32>
    %add3A_707 = arith.constant 16 : i32
    %add3A_708 = vector.broadcast %add3A_707 : i32 to vector<16xi32>
    %add3A_709 = arith.addi %add3A_708, %iota3A : vector<16xi32>
    %get3A_710 = arith.constant 112 : index
    %get3A_711 = tpu.vector_load %arg13[%get3A_710] {strides = array<i32>} : memref<256xi32, #tpu.memory_space<vmem>>, vector<16xi32>,
    %gather3A_712 = tpu.vector_load_idx %arg15[%add3A_709, %get3A_711] : memref<32x512xf32, #tpu.memory_space<vmem>>[vector<16xi32>, vector<16xi32>], vector<16xf32>,
    %get3A_713 = arith.constant 112 : index
    %get3A_714 = tpu.vector_load %arg14[%get3A_713] {strides = array<i32>} : memref<256xi32, #tpu.memory_space<vmem>>, vector<16xi32>,
    %gather3A_715 = tpu.vector_load_idx %arg18[%add3A_709, %get3A_714] : memref<32x512xf32, #tpu.memory_space<vmem>>[vector<16xi32>, vector<16xi32>], vector<16xf32>,
    %get3A_716 = arith.constant 2416 : index
    %get3A_717 = tpu.vector_load %arg21[%get3A_716] {strides = array<i32>} : memref<2560xf32, #tpu.memory_space<vmem>>, vector<16xf32>,
    %get3A_718 = arith.constant 2160 : index
    %get3A_719 = tpu.vector_load %arg21[%get3A_718] {strides = array<i32>} : memref<2560xf32, #tpu.memory_space<vmem>>, vector<16xf32>,
    %mul3A_720 = arith.mulf %get3A_185, %get3A_717 : vector<16xf32>
    %add3A_721 = arith.addf %get3A_719, %mul3A_720 : vector<16xf32>
    %get3A_722 = arith.constant 1904 : index
    %get3A_723 = tpu.vector_load %arg21[%get3A_722] {strides = array<i32>} : memref<2560xf32, #tpu.memory_space<vmem>>, vector<16xf32>,
    %mul3A_724 = arith.mulf %get3A_185, %add3A_721 : vector<16xf32>
    %add3A_725 = arith.addf %get3A_723, %mul3A_724 : vector<16xf32>
    %get3A_726 = arith.constant 1648 : index
    %get3A_727 = tpu.vector_load %arg21[%get3A_726] {strides = array<i32>} : memref<2560xf32, #tpu.memory_space<vmem>>, vector<16xf32>,
    %mul3A_728 = arith.mulf %get3A_185, %add3A_725 : vector<16xf32>
    %add3A_729 = arith.addf %get3A_727, %mul3A_728 : vector<16xf32>
    %get3A_730 = arith.constant 1392 : index
    %get3A_731 = tpu.vector_load %arg21[%get3A_730] {strides = array<i32>} : memref<2560xf32, #tpu.memory_space<vmem>>, vector<16xf32>,
    %mul3A_732 = arith.mulf %get3A_185, %add3A_729 : vector<16xf32>
    %add3A_733 = arith.addf %get3A_731, %mul3A_732 : vector<16xf32>
    %get3A_734 = arith.constant 1136 : index
    %get3A_735 = tpu.vector_load %arg21[%get3A_734] {strides = array<i32>} : memref<2560xf32, #tpu.memory_space<vmem>>, vector<16xf32>,
    %mul3A_736 = arith.mulf %get3A_185, %add3A_733 : vector<16xf32>
    %add3A_737 = arith.addf %get3A_735, %mul3A_736 : vector<16xf32>
    %get3A_738 = arith.constant 880 : index
    %get3A_739 = tpu.vector_load %arg21[%get3A_738] {strides = array<i32>} : memref<2560xf32, #tpu.memory_space<vmem>>, vector<16xf32>,
    %mul3A_740 = arith.mulf %get3A_185, %add3A_737 : vector<16xf32>
    %add3A_741 = arith.addf %get3A_739, %mul3A_740 : vector<16xf32>
    %get3A_742 = arith.constant 624 : index
    %get3A_743 = tpu.vector_load %arg21[%get3A_742] {strides = array<i32>} : memref<2560xf32, #tpu.memory_space<vmem>>, vector<16xf32>,
    %mul3A_744 = arith.mulf %get3A_185, %add3A_741 : vector<16xf32>
    %add3A_745 = arith.addf %get3A_743, %mul3A_744 : vector<16xf32>
    %get3A_746 = arith.constant 368 : index
    %get3A_747 = tpu.vector_load %arg21[%get3A_746] {strides = array<i32>} : memref<2560xf32, #tpu.memory_space<vmem>>, vector<16xf32>,
    %mul3A_748 = arith.mulf %get3A_185, %add3A_745 : vector<16xf32>
    %add3A_749 = arith.addf %get3A_747, %mul3A_748 : vector<16xf32>
    %get3A_750 = arith.constant 112 : index
    %get3A_751 = tpu.vector_load %arg21[%get3A_750] {strides = array<i32>} : memref<2560xf32, #tpu.memory_space<vmem>>, vector<16xf32>,
    %mul3A_752 = arith.mulf %get3A_185, %add3A_749 : vector<16xf32>
    %add3A_753 = arith.addf %get3A_751, %mul3A_752 : vector<16xf32>
    %get3A_754 = arith.constant 112 : index
    %get3A_755 = tpu.vector_load %arg22[%get3A_754] {strides = array<i32>} : memref<256xf32, #tpu.memory_space<vmem>>, vector<16xf32>,
    %sub3A_756 = arith.constant 1.000000e+00 : f32
    %sub3A_757 = vector.broadcast %sub3A_756 : f32 to vector<16xf32>
    %sub3A_758 = arith.subf %sub3A_757, %get3A_755 : vector<16xf32>
    %mul3A_759 = arith.mulf %get3A_187, %sub3A_758 : vector<16xf32>
    %mul3A_760 = arith.mulf %mul3A_759, %gather3A_715 : vector<16xf32>
    %add3A_761 = arith.addf %add3A_753, %mul3A_760 : vector<16xf32>
    %sub3A_762 = arith.subf %gather3A_712, %add3A_761 : vector<16xf32>
    %mul3A_763 = arith.mulf %sub3A_762, %sub3A_762 : vector<16xf32>
    %swap3A_764 = arith.constant 112 : index
    %swap3A_765 = tpu.vector_load %arg24[%swap3A_764] {strides = array<i32>} : memref<256xf32, #tpu.memory_space<vmem>>, vector<16xf32>,
    tpu.vector_store %arg24[%swap3A_764], %mul3A_763 {strides = array<i32>} : memref<256xf32, #tpu.memory_space<vmem>>, vector<16xf32>,
    %get3A_766 = arith.constant 112 : index
    %get3A_767 = tpu.vector_load %arg23[%get3A_766] {strides = array<i32>} : memref<256xf32, #tpu.memory_space<vmem>>, vector<16xf32>,
    %mul3A_768 = arith.mulf %mul3A_763, %get3A_767 : vector<16xf32>
    %add3A_769 = arith.addf %add3A_706, %mul3A_768 : vector<16xf32>
    %add3A_770 = arith.constant 192 : i32
    %add3A_771 = arith.addi %add3A_4, %add3A_770 : i32
    %dma_start3A_772 = arith.constant 0 : i32
    %dma_start3A_773 = tpu.memref_slice %arg2[%add3A_771, %dma_start3A_772] : memref<16384x512xf32, #tpu.memory_space<hbm>> -> memref<32x512xf32, #tpu.memory_space<hbm>>
    %dma_start3A_774 = arith.constant 0 : i32
    %dma_start3A_775 = tpu.memref_slice %arg2[%add3A_771, %dma_start3A_774] : memref<16384x512xf32, #tpu.memory_space<hbm>> -> memref<32x512xf32, #tpu.memory_space<hbm>>
    tpu.enqueue_dma source(%dma_start3A_775 : memref<32x512xf32, #tpu.memory_space<hbm>>) target(%arg15 : memref<32x512xf32, #tpu.memory_space<vmem>>) target_semaphore(%arg29 : memref<!tpu.dma_semaphore, #tpu.memory_space<semaphore_mem>>)
    %add3A_776 = arith.constant 192 : i32
    %add3A_777 = arith.addi %add3A_4, %add3A_776 : i32
    %dma_start3A_778 = arith.constant 0 : i32
    %dma_start3A_779 = tpu.memref_slice %arg3[%add3A_777, %dma_start3A_778] : memref<16384x512xf32, #tpu.memory_space<hbm>> -> memref<32x512xf32, #tpu.memory_space<hbm>>
    %dma_start3A_780 = arith.constant 0 : i32
    %dma_start3A_781 = tpu.memref_slice %arg3[%add3A_777, %dma_start3A_780] : memref<16384x512xf32, #tpu.memory_space<hbm>> -> memref<32x512xf32, #tpu.memory_space<hbm>>
    tpu.enqueue_dma source(%dma_start3A_781 : memref<32x512xf32, #tpu.memory_space<hbm>>) target(%arg18 : memref<32x512xf32, #tpu.memory_space<vmem>>) target_semaphore(%arg32 : memref<!tpu.dma_semaphore, #tpu.memory_space<semaphore_mem>>)
    %dma_wait3A_782 = arith.constant 0 : i32
    %dma_wait3A_783 = tpu.memref_slice %arg2[%add3A_479, %dma_wait3A_782] : memref<16384x512xf32, #tpu.memory_space<hbm>> -> memref<32x512xf32, #tpu.memory_space<hbm>>
    %dma_wait3A_784 = arith.constant 0 : i32
    %dma_wait3A_785 = tpu.memref_slice %arg2[%add3A_479, %dma_wait3A_784] : memref<16384x512xf32, #tpu.memory_space<hbm>> -> memref<32x512xf32, #tpu.memory_space<hbm>>
    tpu.wait_dma2 semaphore(%arg30 : memref<!tpu.dma_semaphore, #tpu.memory_space<semaphore_mem>>) src(%dma_wait3A_785 : memref<32x512xf32, #tpu.memory_space<hbm>>) dst(%arg16 : memref<32x512xf32, #tpu.memory_space<vmem>>)
    %dma_wait3A_786 = arith.constant 0 : i32
    %dma_wait3A_787 = tpu.memref_slice %arg3[%add3A_485, %dma_wait3A_786] : memref<16384x512xf32, #tpu.memory_space<hbm>> -> memref<32x512xf32, #tpu.memory_space<hbm>>
    %dma_wait3A_788 = arith.constant 0 : i32
    %dma_wait3A_789 = tpu.memref_slice %arg3[%add3A_485, %dma_wait3A_788] : memref<16384x512xf32, #tpu.memory_space<hbm>> -> memref<32x512xf32, #tpu.memory_space<hbm>>
    tpu.wait_dma2 semaphore(%arg33 : memref<!tpu.dma_semaphore, #tpu.memory_space<semaphore_mem>>) src(%dma_wait3A_789 : memref<32x512xf32, #tpu.memory_space<hbm>>) dst(%arg19 : memref<32x512xf32, #tpu.memory_space<vmem>>)
    %add3A_790 = arith.constant 0 : i32
    %add3A_791 = vector.broadcast %add3A_790 : i32 to vector<16xi32>
    %add3A_792 = arith.addi %add3A_791, %iota3A : vector<16xi32>
    %get3A_793 = arith.constant 128 : index
    %get3A_794 = tpu.vector_load %arg13[%get3A_793] {strides = array<i32>} : memref<256xi32, #tpu.memory_space<vmem>>, vector<16xi32>,
    %gather3A_795 = tpu.vector_load_idx %arg16[%add3A_792, %get3A_794] : memref<32x512xf32, #tpu.memory_space<vmem>>[vector<16xi32>, vector<16xi32>], vector<16xf32>,
    %get3A_796 = arith.constant 128 : index
    %get3A_797 = tpu.vector_load %arg14[%get3A_796] {strides = array<i32>} : memref<256xi32, #tpu.memory_space<vmem>>, vector<16xi32>,
    %gather3A_798 = tpu.vector_load_idx %arg19[%add3A_792, %get3A_797] : memref<32x512xf32, #tpu.memory_space<vmem>>[vector<16xi32>, vector<16xi32>], vector<16xf32>,
    %get3A_799 = arith.constant 2432 : index
    %get3A_800 = tpu.vector_load %arg21[%get3A_799] {strides = array<i32>} : memref<2560xf32, #tpu.memory_space<vmem>>, vector<16xf32>,
    %get3A_801 = arith.constant 2176 : index
    %get3A_802 = tpu.vector_load %arg21[%get3A_801] {strides = array<i32>} : memref<2560xf32, #tpu.memory_space<vmem>>, vector<16xf32>,
    %mul3A_803 = arith.mulf %get3A_185, %get3A_800 : vector<16xf32>
    %add3A_804 = arith.addf %get3A_802, %mul3A_803 : vector<16xf32>
    %get3A_805 = arith.constant 1920 : index
    %get3A_806 = tpu.vector_load %arg21[%get3A_805] {strides = array<i32>} : memref<2560xf32, #tpu.memory_space<vmem>>, vector<16xf32>,
    %mul3A_807 = arith.mulf %get3A_185, %add3A_804 : vector<16xf32>
    %add3A_808 = arith.addf %get3A_806, %mul3A_807 : vector<16xf32>
    %get3A_809 = arith.constant 1664 : index
    %get3A_810 = tpu.vector_load %arg21[%get3A_809] {strides = array<i32>} : memref<2560xf32, #tpu.memory_space<vmem>>, vector<16xf32>,
    %mul3A_811 = arith.mulf %get3A_185, %add3A_808 : vector<16xf32>
    %add3A_812 = arith.addf %get3A_810, %mul3A_811 : vector<16xf32>
    %get3A_813 = arith.constant 1408 : index
    %get3A_814 = tpu.vector_load %arg21[%get3A_813] {strides = array<i32>} : memref<2560xf32, #tpu.memory_space<vmem>>, vector<16xf32>,
    %mul3A_815 = arith.mulf %get3A_185, %add3A_812 : vector<16xf32>
    %add3A_816 = arith.addf %get3A_814, %mul3A_815 : vector<16xf32>
    %get3A_817 = arith.constant 1152 : index
    %get3A_818 = tpu.vector_load %arg21[%get3A_817] {strides = array<i32>} : memref<2560xf32, #tpu.memory_space<vmem>>, vector<16xf32>,
    %mul3A_819 = arith.mulf %get3A_185, %add3A_816 : vector<16xf32>
    %add3A_820 = arith.addf %get3A_818, %mul3A_819 : vector<16xf32>
    %get3A_821 = arith.constant 896 : index
    %get3A_822 = tpu.vector_load %arg21[%get3A_821] {strides = array<i32>} : memref<2560xf32, #tpu.memory_space<vmem>>, vector<16xf32>,
    %mul3A_823 = arith.mulf %get3A_185, %add3A_820 : vector<16xf32>
    %add3A_824 = arith.addf %get3A_822, %mul3A_823 : vector<16xf32>
    %get3A_825 = arith.constant 640 : index
    %get3A_826 = tpu.vector_load %arg21[%get3A_825] {strides = array<i32>} : memref<2560xf32, #tpu.memory_space<vmem>>, vector<16xf32>,
    %mul3A_827 = arith.mulf %get3A_185, %add3A_824 : vector<16xf32>
    %add3A_828 = arith.addf %get3A_826, %mul3A_827 : vector<16xf32>
    %get3A_829 = arith.constant 384 : index
    %get3A_830 = tpu.vector_load %arg21[%get3A_829] {strides = array<i32>} : memref<2560xf32, #tpu.memory_space<vmem>>, vector<16xf32>,
    %mul3A_831 = arith.mulf %get3A_185, %add3A_828 : vector<16xf32>
    %add3A_832 = arith.addf %get3A_830, %mul3A_831 : vector<16xf32>
    %get3A_833 = arith.constant 128 : index
    %get3A_834 = tpu.vector_load %arg21[%get3A_833] {strides = array<i32>} : memref<2560xf32, #tpu.memory_space<vmem>>, vector<16xf32>,
    %mul3A_835 = arith.mulf %get3A_185, %add3A_832 : vector<16xf32>
    %add3A_836 = arith.addf %get3A_834, %mul3A_835 : vector<16xf32>
    %get3A_837 = arith.constant 128 : index
    %get3A_838 = tpu.vector_load %arg22[%get3A_837] {strides = array<i32>} : memref<256xf32, #tpu.memory_space<vmem>>, vector<16xf32>,
    %sub3A_839 = arith.constant 1.000000e+00 : f32
    %sub3A_840 = vector.broadcast %sub3A_839 : f32 to vector<16xf32>
    %sub3A_841 = arith.subf %sub3A_840, %get3A_838 : vector<16xf32>
    %mul3A_842 = arith.mulf %get3A_187, %sub3A_841 : vector<16xf32>
    %mul3A_843 = arith.mulf %mul3A_842, %gather3A_798 : vector<16xf32>
    %add3A_844 = arith.addf %add3A_836, %mul3A_843 : vector<16xf32>
    %sub3A_845 = arith.subf %gather3A_795, %add3A_844 : vector<16xf32>
    %mul3A_846 = arith.mulf %sub3A_845, %sub3A_845 : vector<16xf32>
    %swap3A_847 = arith.constant 128 : index
    %swap3A_848 = tpu.vector_load %arg24[%swap3A_847] {strides = array<i32>} : memref<256xf32, #tpu.memory_space<vmem>>, vector<16xf32>,
    tpu.vector_store %arg24[%swap3A_847], %mul3A_846 {strides = array<i32>} : memref<256xf32, #tpu.memory_space<vmem>>, vector<16xf32>,
    %get3A_849 = arith.constant 128 : index
    %get3A_850 = tpu.vector_load %arg23[%get3A_849] {strides = array<i32>} : memref<256xf32, #tpu.memory_space<vmem>>, vector<16xf32>,
    %mul3A_851 = arith.mulf %mul3A_846, %get3A_850 : vector<16xf32>
    %add3A_852 = arith.addf %add3A_769, %mul3A_851 : vector<16xf32>
    %add3A_853 = arith.constant 16 : i32
    %add3A_854 = vector.broadcast %add3A_853 : i32 to vector<16xi32>
    %add3A_855 = arith.addi %add3A_854, %iota3A : vector<16xi32>
    %get3A_856 = arith.constant 144 : index
    %get3A_857 = tpu.vector_load %arg13[%get3A_856] {strides = array<i32>} : memref<256xi32, #tpu.memory_space<vmem>>, vector<16xi32>,
    %gather3A_858 = tpu.vector_load_idx %arg16[%add3A_855, %get3A_857] : memref<32x512xf32, #tpu.memory_space<vmem>>[vector<16xi32>, vector<16xi32>], vector<16xf32>,
    %get3A_859 = arith.constant 144 : index
    %get3A_860 = tpu.vector_load %arg14[%get3A_859] {strides = array<i32>} : memref<256xi32, #tpu.memory_space<vmem>>, vector<16xi32>,
    %gather3A_861 = tpu.vector_load_idx %arg19[%add3A_855, %get3A_860] : memref<32x512xf32, #tpu.memory_space<vmem>>[vector<16xi32>, vector<16xi32>], vector<16xf32>,
    %get3A_862 = arith.constant 2448 : index
    %get3A_863 = tpu.vector_load %arg21[%get3A_862] {strides = array<i32>} : memref<2560xf32, #tpu.memory_space<vmem>>, vector<16xf32>,
    %get3A_864 = arith.constant 2192 : index
    %get3A_865 = tpu.vector_load %arg21[%get3A_864] {strides = array<i32>} : memref<2560xf32, #tpu.memory_space<vmem>>, vector<16xf32>,
    %mul3A_866 = arith.mulf %get3A_185, %get3A_863 : vector<16xf32>
    %add3A_867 = arith.addf %get3A_865, %mul3A_866 : vector<16xf32>
    %get3A_868 = arith.constant 1936 : index
    %get3A_869 = tpu.vector_load %arg21[%get3A_868] {strides = array<i32>} : memref<2560xf32, #tpu.memory_space<vmem>>, vector<16xf32>,
    %mul3A_870 = arith.mulf %get3A_185, %add3A_867 : vector<16xf32>
    %add3A_871 = arith.addf %get3A_869, %mul3A_870 : vector<16xf32>
    %get3A_872 = arith.constant 1680 : index
    %get3A_873 = tpu.vector_load %arg21[%get3A_872] {strides = array<i32>} : memref<2560xf32, #tpu.memory_space<vmem>>, vector<16xf32>,
    %mul3A_874 = arith.mulf %get3A_185, %add3A_871 : vector<16xf32>
    %add3A_875 = arith.addf %get3A_873, %mul3A_874 : vector<16xf32>
    %get3A_876 = arith.constant 1424 : index
    %get3A_877 = tpu.vector_load %arg21[%get3A_876] {strides = array<i32>} : memref<2560xf32, #tpu.memory_space<vmem>>, vector<16xf32>,
    %mul3A_878 = arith.mulf %get3A_185, %add3A_875 : vector<16xf32>
    %add3A_879 = arith.addf %get3A_877, %mul3A_878 : vector<16xf32>
    %get3A_880 = arith.constant 1168 : index
    %get3A_881 = tpu.vector_load %arg21[%get3A_880] {strides = array<i32>} : memref<2560xf32, #tpu.memory_space<vmem>>, vector<16xf32>,
    %mul3A_882 = arith.mulf %get3A_185, %add3A_879 : vector<16xf32>
    %add3A_883 = arith.addf %get3A_881, %mul3A_882 : vector<16xf32>
    %get3A_884 = arith.constant 912 : index
    %get3A_885 = tpu.vector_load %arg21[%get3A_884] {strides = array<i32>} : memref<2560xf32, #tpu.memory_space<vmem>>, vector<16xf32>,
    %mul3A_886 = arith.mulf %get3A_185, %add3A_883 : vector<16xf32>
    %add3A_887 = arith.addf %get3A_885, %mul3A_886 : vector<16xf32>
    %get3A_888 = arith.constant 656 : index
    %get3A_889 = tpu.vector_load %arg21[%get3A_888] {strides = array<i32>} : memref<2560xf32, #tpu.memory_space<vmem>>, vector<16xf32>,
    %mul3A_890 = arith.mulf %get3A_185, %add3A_887 : vector<16xf32>
    %add3A_891 = arith.addf %get3A_889, %mul3A_890 : vector<16xf32>
    %get3A_892 = arith.constant 400 : index
    %get3A_893 = tpu.vector_load %arg21[%get3A_892] {strides = array<i32>} : memref<2560xf32, #tpu.memory_space<vmem>>, vector<16xf32>,
    %mul3A_894 = arith.mulf %get3A_185, %add3A_891 : vector<16xf32>
    %add3A_895 = arith.addf %get3A_893, %mul3A_894 : vector<16xf32>
    %get3A_896 = arith.constant 144 : index
    %get3A_897 = tpu.vector_load %arg21[%get3A_896] {strides = array<i32>} : memref<2560xf32, #tpu.memory_space<vmem>>, vector<16xf32>,
    %mul3A_898 = arith.mulf %get3A_185, %add3A_895 : vector<16xf32>
    %add3A_899 = arith.addf %get3A_897, %mul3A_898 : vector<16xf32>
    %get3A_900 = arith.constant 144 : index
    %get3A_901 = tpu.vector_load %arg22[%get3A_900] {strides = array<i32>} : memref<256xf32, #tpu.memory_space<vmem>>, vector<16xf32>,
    %sub3A_902 = arith.constant 1.000000e+00 : f32
    %sub3A_903 = vector.broadcast %sub3A_902 : f32 to vector<16xf32>
    %sub3A_904 = arith.subf %sub3A_903, %get3A_901 : vector<16xf32>
    %mul3A_905 = arith.mulf %get3A_187, %sub3A_904 : vector<16xf32>
    %mul3A_906 = arith.mulf %mul3A_905, %gather3A_861 : vector<16xf32>
    %add3A_907 = arith.addf %add3A_899, %mul3A_906 : vector<16xf32>
    %sub3A_908 = arith.subf %gather3A_858, %add3A_907 : vector<16xf32>
    %mul3A_909 = arith.mulf %sub3A_908, %sub3A_908 : vector<16xf32>
    %swap3A_910 = arith.constant 144 : index
    %swap3A_911 = tpu.vector_load %arg24[%swap3A_910] {strides = array<i32>} : memref<256xf32, #tpu.memory_space<vmem>>, vector<16xf32>,
    tpu.vector_store %arg24[%swap3A_910], %mul3A_909 {strides = array<i32>} : memref<256xf32, #tpu.memory_space<vmem>>, vector<16xf32>,
    %get3A_912 = arith.constant 144 : index
    %get3A_913 = tpu.vector_load %arg23[%get3A_912] {strides = array<i32>} : memref<256xf32, #tpu.memory_space<vmem>>, vector<16xf32>,
    %mul3A_914 = arith.mulf %mul3A_909, %get3A_913 : vector<16xf32>
    %add3A_915 = arith.addf %add3A_852, %mul3A_914 : vector<16xf32>
    %add3A_916 = arith.constant 224 : i32
    %add3A_917 = arith.addi %add3A_4, %add3A_916 : i32
    %dma_start3A_918 = arith.constant 0 : i32
    %dma_start3A_919 = tpu.memref_slice %arg2[%add3A_917, %dma_start3A_918] : memref<16384x512xf32, #tpu.memory_space<hbm>> -> memref<32x512xf32, #tpu.memory_space<hbm>>
    %dma_start3A_920 = arith.constant 0 : i32
    %dma_start3A_921 = tpu.memref_slice %arg2[%add3A_917, %dma_start3A_920] : memref<16384x512xf32, #tpu.memory_space<hbm>> -> memref<32x512xf32, #tpu.memory_space<hbm>>
    tpu.enqueue_dma source(%dma_start3A_921 : memref<32x512xf32, #tpu.memory_space<hbm>>) target(%arg16 : memref<32x512xf32, #tpu.memory_space<vmem>>) target_semaphore(%arg30 : memref<!tpu.dma_semaphore, #tpu.memory_space<semaphore_mem>>)
    %add3A_922 = arith.constant 224 : i32
    %add3A_923 = arith.addi %add3A_4, %add3A_922 : i32
    %dma_start3A_924 = arith.constant 0 : i32
    %dma_start3A_925 = tpu.memref_slice %arg3[%add3A_923, %dma_start3A_924] : memref<16384x512xf32, #tpu.memory_space<hbm>> -> memref<32x512xf32, #tpu.memory_space<hbm>>
    %dma_start3A_926 = arith.constant 0 : i32
    %dma_start3A_927 = tpu.memref_slice %arg3[%add3A_923, %dma_start3A_926] : memref<16384x512xf32, #tpu.memory_space<hbm>> -> memref<32x512xf32, #tpu.memory_space<hbm>>
    tpu.enqueue_dma source(%dma_start3A_927 : memref<32x512xf32, #tpu.memory_space<hbm>>) target(%arg19 : memref<32x512xf32, #tpu.memory_space<vmem>>) target_semaphore(%arg33 : memref<!tpu.dma_semaphore, #tpu.memory_space<semaphore_mem>>)
    %dma_wait3A_928 = arith.constant 0 : i32
    %dma_wait3A_929 = tpu.memref_slice %arg2[%add3A_625, %dma_wait3A_928] : memref<16384x512xf32, #tpu.memory_space<hbm>> -> memref<32x512xf32, #tpu.memory_space<hbm>>
    %dma_wait3A_930 = arith.constant 0 : i32
    %dma_wait3A_931 = tpu.memref_slice %arg2[%add3A_625, %dma_wait3A_930] : memref<16384x512xf32, #tpu.memory_space<hbm>> -> memref<32x512xf32, #tpu.memory_space<hbm>>
    tpu.wait_dma2 semaphore(%arg31 : memref<!tpu.dma_semaphore, #tpu.memory_space<semaphore_mem>>) src(%dma_wait3A_931 : memref<32x512xf32, #tpu.memory_space<hbm>>) dst(%arg17 : memref<32x512xf32, #tpu.memory_space<vmem>>)
    %dma_wait3A_932 = arith.constant 0 : i32
    %dma_wait3A_933 = tpu.memref_slice %arg3[%add3A_631, %dma_wait3A_932] : memref<16384x512xf32, #tpu.memory_space<hbm>> -> memref<32x512xf32, #tpu.memory_space<hbm>>
    %dma_wait3A_934 = arith.constant 0 : i32
    %dma_wait3A_935 = tpu.memref_slice %arg3[%add3A_631, %dma_wait3A_934] : memref<16384x512xf32, #tpu.memory_space<hbm>> -> memref<32x512xf32, #tpu.memory_space<hbm>>
    tpu.wait_dma2 semaphore(%arg34 : memref<!tpu.dma_semaphore, #tpu.memory_space<semaphore_mem>>) src(%dma_wait3A_935 : memref<32x512xf32, #tpu.memory_space<hbm>>) dst(%arg20 : memref<32x512xf32, #tpu.memory_space<vmem>>)
    %add3A_936 = arith.constant 0 : i32
    %add3A_937 = vector.broadcast %add3A_936 : i32 to vector<16xi32>
    %add3A_938 = arith.addi %add3A_937, %iota3A : vector<16xi32>
    %get3A_939 = arith.constant 160 : index
    %get3A_940 = tpu.vector_load %arg13[%get3A_939] {strides = array<i32>} : memref<256xi32, #tpu.memory_space<vmem>>, vector<16xi32>,
    %gather3A_941 = tpu.vector_load_idx %arg17[%add3A_938, %get3A_940] : memref<32x512xf32, #tpu.memory_space<vmem>>[vector<16xi32>, vector<16xi32>], vector<16xf32>,
    %get3A_942 = arith.constant 160 : index
    %get3A_943 = tpu.vector_load %arg14[%get3A_942] {strides = array<i32>} : memref<256xi32, #tpu.memory_space<vmem>>, vector<16xi32>,
    %gather3A_944 = tpu.vector_load_idx %arg20[%add3A_938, %get3A_943] : memref<32x512xf32, #tpu.memory_space<vmem>>[vector<16xi32>, vector<16xi32>], vector<16xf32>,
    %get3A_945 = arith.constant 2464 : index
    %get3A_946 = tpu.vector_load %arg21[%get3A_945] {strides = array<i32>} : memref<2560xf32, #tpu.memory_space<vmem>>, vector<16xf32>,
    %get3A_947 = arith.constant 2208 : index
    %get3A_948 = tpu.vector_load %arg21[%get3A_947] {strides = array<i32>} : memref<2560xf32, #tpu.memory_space<vmem>>, vector<16xf32>,
    %mul3A_949 = arith.mulf %get3A_185, %get3A_946 : vector<16xf32>
    %add3A_950 = arith.addf %get3A_948, %mul3A_949 : vector<16xf32>
    %get3A_951 = arith.constant 1952 : index
    %get3A_952 = tpu.vector_load %arg21[%get3A_951] {strides = array<i32>} : memref<2560xf32, #tpu.memory_space<vmem>>, vector<16xf32>,
    %mul3A_953 = arith.mulf %get3A_185, %add3A_950 : vector<16xf32>
    %add3A_954 = arith.addf %get3A_952, %mul3A_953 : vector<16xf32>
    %get3A_955 = arith.constant 1696 : index
    %get3A_956 = tpu.vector_load %arg21[%get3A_955] {strides = array<i32>} : memref<2560xf32, #tpu.memory_space<vmem>>, vector<16xf32>,
    %mul3A_957 = arith.mulf %get3A_185, %add3A_954 : vector<16xf32>
    %add3A_958 = arith.addf %get3A_956, %mul3A_957 : vector<16xf32>
    %get3A_959 = arith.constant 1440 : index
    %get3A_960 = tpu.vector_load %arg21[%get3A_959] {strides = array<i32>} : memref<2560xf32, #tpu.memory_space<vmem>>, vector<16xf32>,
    %mul3A_961 = arith.mulf %get3A_185, %add3A_958 : vector<16xf32>
    %add3A_962 = arith.addf %get3A_960, %mul3A_961 : vector<16xf32>
    %get3A_963 = arith.constant 1184 : index
    %get3A_964 = tpu.vector_load %arg21[%get3A_963] {strides = array<i32>} : memref<2560xf32, #tpu.memory_space<vmem>>, vector<16xf32>,
    %mul3A_965 = arith.mulf %get3A_185, %add3A_962 : vector<16xf32>
    %add3A_966 = arith.addf %get3A_964, %mul3A_965 : vector<16xf32>
    %get3A_967 = arith.constant 928 : index
    %get3A_968 = tpu.vector_load %arg21[%get3A_967] {strides = array<i32>} : memref<2560xf32, #tpu.memory_space<vmem>>, vector<16xf32>,
    %mul3A_969 = arith.mulf %get3A_185, %add3A_966 : vector<16xf32>
    %add3A_970 = arith.addf %get3A_968, %mul3A_969 : vector<16xf32>
    %get3A_971 = arith.constant 672 : index
    %get3A_972 = tpu.vector_load %arg21[%get3A_971] {strides = array<i32>} : memref<2560xf32, #tpu.memory_space<vmem>>, vector<16xf32>,
    %mul3A_973 = arith.mulf %get3A_185, %add3A_970 : vector<16xf32>
    %add3A_974 = arith.addf %get3A_972, %mul3A_973 : vector<16xf32>
    %get3A_975 = arith.constant 416 : index
    %get3A_976 = tpu.vector_load %arg21[%get3A_975] {strides = array<i32>} : memref<2560xf32, #tpu.memory_space<vmem>>, vector<16xf32>,
    %mul3A_977 = arith.mulf %get3A_185, %add3A_974 : vector<16xf32>
    %add3A_978 = arith.addf %get3A_976, %mul3A_977 : vector<16xf32>
    %get3A_979 = arith.constant 160 : index
    %get3A_980 = tpu.vector_load %arg21[%get3A_979] {strides = array<i32>} : memref<2560xf32, #tpu.memory_space<vmem>>, vector<16xf32>,
    %mul3A_981 = arith.mulf %get3A_185, %add3A_978 : vector<16xf32>
    %add3A_982 = arith.addf %get3A_980, %mul3A_981 : vector<16xf32>
    %get3A_983 = arith.constant 160 : index
    %get3A_984 = tpu.vector_load %arg22[%get3A_983] {strides = array<i32>} : memref<256xf32, #tpu.memory_space<vmem>>, vector<16xf32>,
    %sub3A_985 = arith.constant 1.000000e+00 : f32
    %sub3A_986 = vector.broadcast %sub3A_985 : f32 to vector<16xf32>
    %sub3A_987 = arith.subf %sub3A_986, %get3A_984 : vector<16xf32>
    %mul3A_988 = arith.mulf %get3A_187, %sub3A_987 : vector<16xf32>
    %mul3A_989 = arith.mulf %mul3A_988, %gather3A_944 : vector<16xf32>
    %add3A_990 = arith.addf %add3A_982, %mul3A_989 : vector<16xf32>
    %sub3A_991 = arith.subf %gather3A_941, %add3A_990 : vector<16xf32>
    %mul3A_992 = arith.mulf %sub3A_991, %sub3A_991 : vector<16xf32>
    %swap3A_993 = arith.constant 160 : index
    %swap3A_994 = tpu.vector_load %arg24[%swap3A_993] {strides = array<i32>} : memref<256xf32, #tpu.memory_space<vmem>>, vector<16xf32>,
    tpu.vector_store %arg24[%swap3A_993], %mul3A_992 {strides = array<i32>} : memref<256xf32, #tpu.memory_space<vmem>>, vector<16xf32>,
    %get3A_995 = arith.constant 160 : index
    %get3A_996 = tpu.vector_load %arg23[%get3A_995] {strides = array<i32>} : memref<256xf32, #tpu.memory_space<vmem>>, vector<16xf32>,
    %mul3A_997 = arith.mulf %mul3A_992, %get3A_996 : vector<16xf32>
    %add3A_998 = arith.addf %add3A_915, %mul3A_997 : vector<16xf32>
    %add3A_999 = arith.constant 16 : i32
    %add3A_1000 = vector.broadcast %add3A_999 : i32 to vector<16xi32>
    %add3A_1001 = arith.addi %add3A_1000, %iota3A : vector<16xi32>
    %get3A_1002 = arith.constant 176 : index
    %get3A_1003 = tpu.vector_load %arg13[%get3A_1002] {strides = array<i32>} : memref<256xi32, #tpu.memory_space<vmem>>, vector<16xi32>,
    %gather3A_1004 = tpu.vector_load_idx %arg17[%add3A_1001, %get3A_1003] : memref<32x512xf32, #tpu.memory_space<vmem>>[vector<16xi32>, vector<16xi32>], vector<16xf32>,
    %get3A_1005 = arith.constant 176 : index
    %get3A_1006 = tpu.vector_load %arg14[%get3A_1005] {strides = array<i32>} : memref<256xi32, #tpu.memory_space<vmem>>, vector<16xi32>,
    %gather3A_1007 = tpu.vector_load_idx %arg20[%add3A_1001, %get3A_1006] : memref<32x512xf32, #tpu.memory_space<vmem>>[vector<16xi32>, vector<16xi32>], vector<16xf32>,
    %get3A_1008 = arith.constant 2480 : index
    %get3A_1009 = tpu.vector_load %arg21[%get3A_1008] {strides = array<i32>} : memref<2560xf32, #tpu.memory_space<vmem>>, vector<16xf32>,
    %get3A_1010 = arith.constant 2224 : index
    %get3A_1011 = tpu.vector_load %arg21[%get3A_1010] {strides = array<i32>} : memref<2560xf32, #tpu.memory_space<vmem>>, vector<16xf32>,
    %mul3A_1012 = arith.mulf %get3A_185, %get3A_1009 : vector<16xf32>
    %add3A_1013 = arith.addf %get3A_1011, %mul3A_1012 : vector<16xf32>
    %get3A_1014 = arith.constant 1968 : index
    %get3A_1015 = tpu.vector_load %arg21[%get3A_1014] {strides = array<i32>} : memref<2560xf32, #tpu.memory_space<vmem>>, vector<16xf32>,
    %mul3A_1016 = arith.mulf %get3A_185, %add3A_1013 : vector<16xf32>
    %add3A_1017 = arith.addf %get3A_1015, %mul3A_1016 : vector<16xf32>
    %get3A_1018 = arith.constant 1712 : index
    %get3A_1019 = tpu.vector_load %arg21[%get3A_1018] {strides = array<i32>} : memref<2560xf32, #tpu.memory_space<vmem>>, vector<16xf32>,
    %mul3A_1020 = arith.mulf %get3A_185, %add3A_1017 : vector<16xf32>
    %add3A_1021 = arith.addf %get3A_1019, %mul3A_1020 : vector<16xf32>
    %get3A_1022 = arith.constant 1456 : index
    %get3A_1023 = tpu.vector_load %arg21[%get3A_1022] {strides = array<i32>} : memref<2560xf32, #tpu.memory_space<vmem>>, vector<16xf32>,
    %mul3A_1024 = arith.mulf %get3A_185, %add3A_1021 : vector<16xf32>
    %add3A_1025 = arith.addf %get3A_1023, %mul3A_1024 : vector<16xf32>
    %get3A_1026 = arith.constant 1200 : index
    %get3A_1027 = tpu.vector_load %arg21[%get3A_1026] {strides = array<i32>} : memref<2560xf32, #tpu.memory_space<vmem>>, vector<16xf32>,
    %mul3A_1028 = arith.mulf %get3A_185, %add3A_1025 : vector<16xf32>
    %add3A_1029 = arith.addf %get3A_1027, %mul3A_1028 : vector<16xf32>
    %get3A_1030 = arith.constant 944 : index
    %get3A_1031 = tpu.vector_load %arg21[%get3A_1030] {strides = array<i32>} : memref<2560xf32, #tpu.memory_space<vmem>>, vector<16xf32>,
    %mul3A_1032 = arith.mulf %get3A_185, %add3A_1029 : vector<16xf32>
    %add3A_1033 = arith.addf %get3A_1031, %mul3A_1032 : vector<16xf32>
    %get3A_1034 = arith.constant 688 : index
    %get3A_1035 = tpu.vector_load %arg21[%get3A_1034] {strides = array<i32>} : memref<2560xf32, #tpu.memory_space<vmem>>, vector<16xf32>,
    %mul3A_1036 = arith.mulf %get3A_185, %add3A_1033 : vector<16xf32>
    %add3A_1037 = arith.addf %get3A_1035, %mul3A_1036 : vector<16xf32>
    %get3A_1038 = arith.constant 432 : index
    %get3A_1039 = tpu.vector_load %arg21[%get3A_1038] {strides = array<i32>} : memref<2560xf32, #tpu.memory_space<vmem>>, vector<16xf32>,
    %mul3A_1040 = arith.mulf %get3A_185, %add3A_1037 : vector<16xf32>
    %add3A_1041 = arith.addf %get3A_1039, %mul3A_1040 : vector<16xf32>
    %get3A_1042 = arith.constant 176 : index
    %get3A_1043 = tpu.vector_load %arg21[%get3A_1042] {strides = array<i32>} : memref<2560xf32, #tpu.memory_space<vmem>>, vector<16xf32>,
    %mul3A_1044 = arith.mulf %get3A_185, %add3A_1041 : vector<16xf32>
    %add3A_1045 = arith.addf %get3A_1043, %mul3A_1044 : vector<16xf32>
    %get3A_1046 = arith.constant 176 : index
    %get3A_1047 = tpu.vector_load %arg22[%get3A_1046] {strides = array<i32>} : memref<256xf32, #tpu.memory_space<vmem>>, vector<16xf32>,
    %sub3A_1048 = arith.constant 1.000000e+00 : f32
    %sub3A_1049 = vector.broadcast %sub3A_1048 : f32 to vector<16xf32>
    %sub3A_1050 = arith.subf %sub3A_1049, %get3A_1047 : vector<16xf32>
    %mul3A_1051 = arith.mulf %get3A_187, %sub3A_1050 : vector<16xf32>
    %mul3A_1052 = arith.mulf %mul3A_1051, %gather3A_1007 : vector<16xf32>
    %add3A_1053 = arith.addf %add3A_1045, %mul3A_1052 : vector<16xf32>
    %sub3A_1054 = arith.subf %gather3A_1004, %add3A_1053 : vector<16xf32>
    %mul3A_1055 = arith.mulf %sub3A_1054, %sub3A_1054 : vector<16xf32>
    %swap3A_1056 = arith.constant 176 : index
    %swap3A_1057 = tpu.vector_load %arg24[%swap3A_1056] {strides = array<i32>} : memref<256xf32, #tpu.memory_space<vmem>>, vector<16xf32>,
    tpu.vector_store %arg24[%swap3A_1056], %mul3A_1055 {strides = array<i32>} : memref<256xf32, #tpu.memory_space<vmem>>, vector<16xf32>,
    %get3A_1058 = arith.constant 176 : index
    %get3A_1059 = tpu.vector_load %arg23[%get3A_1058] {strides = array<i32>} : memref<256xf32, #tpu.memory_space<vmem>>, vector<16xf32>,
    %mul3A_1060 = arith.mulf %mul3A_1055, %get3A_1059 : vector<16xf32>
    %add3A_1061 = arith.addf %add3A_998, %mul3A_1060 : vector<16xf32>
    %dma_wait3A_1062 = arith.constant 0 : i32
    %dma_wait3A_1063 = tpu.memref_slice %arg2[%add3A_771, %dma_wait3A_1062] : memref<16384x512xf32, #tpu.memory_space<hbm>> -> memref<32x512xf32, #tpu.memory_space<hbm>>
    %dma_wait3A_1064 = arith.constant 0 : i32
    %dma_wait3A_1065 = tpu.memref_slice %arg2[%add3A_771, %dma_wait3A_1064] : memref<16384x512xf32, #tpu.memory_space<hbm>> -> memref<32x512xf32, #tpu.memory_space<hbm>>
    tpu.wait_dma2 semaphore(%arg29 : memref<!tpu.dma_semaphore, #tpu.memory_space<semaphore_mem>>) src(%dma_wait3A_1065 : memref<32x512xf32, #tpu.memory_space<hbm>>) dst(%arg15 : memref<32x512xf32, #tpu.memory_space<vmem>>)
    %dma_wait3A_1066 = arith.constant 0 : i32
    %dma_wait3A_1067 = tpu.memref_slice %arg3[%add3A_777, %dma_wait3A_1066] : memref<16384x512xf32, #tpu.memory_space<hbm>> -> memref<32x512xf32, #tpu.memory_space<hbm>>
    %dma_wait3A_1068 = arith.constant 0 : i32
    %dma_wait3A_1069 = tpu.memref_slice %arg3[%add3A_777, %dma_wait3A_1068] : memref<16384x512xf32, #tpu.memory_space<hbm>> -> memref<32x512xf32, #tpu.memory_space<hbm>>
    tpu.wait_dma2 semaphore(%arg32 : memref<!tpu.dma_semaphore, #tpu.memory_space<semaphore_mem>>) src(%dma_wait3A_1069 : memref<32x512xf32, #tpu.memory_space<hbm>>) dst(%arg18 : memref<32x512xf32, #tpu.memory_space<vmem>>)
    %add3A_1070 = arith.constant 0 : i32
    %add3A_1071 = vector.broadcast %add3A_1070 : i32 to vector<16xi32>
    %add3A_1072 = arith.addi %add3A_1071, %iota3A : vector<16xi32>
    %get3A_1073 = arith.constant 192 : index
    %get3A_1074 = tpu.vector_load %arg13[%get3A_1073] {strides = array<i32>} : memref<256xi32, #tpu.memory_space<vmem>>, vector<16xi32>,
    %gather3A_1075 = tpu.vector_load_idx %arg15[%add3A_1072, %get3A_1074] : memref<32x512xf32, #tpu.memory_space<vmem>>[vector<16xi32>, vector<16xi32>], vector<16xf32>,
    %get3A_1076 = arith.constant 192 : index
    %get3A_1077 = tpu.vector_load %arg14[%get3A_1076] {strides = array<i32>} : memref<256xi32, #tpu.memory_space<vmem>>, vector<16xi32>,
    %gather3A_1078 = tpu.vector_load_idx %arg18[%add3A_1072, %get3A_1077] : memref<32x512xf32, #tpu.memory_space<vmem>>[vector<16xi32>, vector<16xi32>], vector<16xf32>,
    %get3A_1079 = arith.constant 2496 : index
    %get3A_1080 = tpu.vector_load %arg21[%get3A_1079] {strides = array<i32>} : memref<2560xf32, #tpu.memory_space<vmem>>, vector<16xf32>,
    %get3A_1081 = arith.constant 2240 : index
    %get3A_1082 = tpu.vector_load %arg21[%get3A_1081] {strides = array<i32>} : memref<2560xf32, #tpu.memory_space<vmem>>, vector<16xf32>,
    %mul3A_1083 = arith.mulf %get3A_185, %get3A_1080 : vector<16xf32>
    %add3A_1084 = arith.addf %get3A_1082, %mul3A_1083 : vector<16xf32>
    %get3A_1085 = arith.constant 1984 : index
    %get3A_1086 = tpu.vector_load %arg21[%get3A_1085] {strides = array<i32>} : memref<2560xf32, #tpu.memory_space<vmem>>, vector<16xf32>,
    %mul3A_1087 = arith.mulf %get3A_185, %add3A_1084 : vector<16xf32>
    %add3A_1088 = arith.addf %get3A_1086, %mul3A_1087 : vector<16xf32>
    %get3A_1089 = arith.constant 1728 : index
    %get3A_1090 = tpu.vector_load %arg21[%get3A_1089] {strides = array<i32>} : memref<2560xf32, #tpu.memory_space<vmem>>, vector<16xf32>,
    %mul3A_1091 = arith.mulf %get3A_185, %add3A_1088 : vector<16xf32>
    %add3A_1092 = arith.addf %get3A_1090, %mul3A_1091 : vector<16xf32>
    %get3A_1093 = arith.constant 1472 : index
    %get3A_1094 = tpu.vector_load %arg21[%get3A_1093] {strides = array<i32>} : memref<2560xf32, #tpu.memory_space<vmem>>, vector<16xf32>,
    %mul3A_1095 = arith.mulf %get3A_185, %add3A_1092 : vector<16xf32>
    %add3A_1096 = arith.addf %get3A_1094, %mul3A_1095 : vector<16xf32>
    %get3A_1097 = arith.constant 1216 : index
    %get3A_1098 = tpu.vector_load %arg21[%get3A_1097] {strides = array<i32>} : memref<2560xf32, #tpu.memory_space<vmem>>, vector<16xf32>,
    %mul3A_1099 = arith.mulf %get3A_185, %add3A_1096 : vector<16xf32>
    %add3A_1100 = arith.addf %get3A_1098, %mul3A_1099 : vector<16xf32>
    %get3A_1101 = arith.constant 960 : index
    %get3A_1102 = tpu.vector_load %arg21[%get3A_1101] {strides = array<i32>} : memref<2560xf32, #tpu.memory_space<vmem>>, vector<16xf32>,
    %mul3A_1103 = arith.mulf %get3A_185, %add3A_1100 : vector<16xf32>
    %add3A_1104 = arith.addf %get3A_1102, %mul3A_1103 : vector<16xf32>
    %get3A_1105 = arith.constant 704 : index
    %get3A_1106 = tpu.vector_load %arg21[%get3A_1105] {strides = array<i32>} : memref<2560xf32, #tpu.memory_space<vmem>>, vector<16xf32>,
    %mul3A_1107 = arith.mulf %get3A_185, %add3A_1104 : vector<16xf32>
    %add3A_1108 = arith.addf %get3A_1106, %mul3A_1107 : vector<16xf32>
    %get3A_1109 = arith.constant 448 : index
    %get3A_1110 = tpu.vector_load %arg21[%get3A_1109] {strides = array<i32>} : memref<2560xf32, #tpu.memory_space<vmem>>, vector<16xf32>,
    %mul3A_1111 = arith.mulf %get3A_185, %add3A_1108 : vector<16xf32>
    %add3A_1112 = arith.addf %get3A_1110, %mul3A_1111 : vector<16xf32>
    %get3A_1113 = arith.constant 192 : index
    %get3A_1114 = tpu.vector_load %arg21[%get3A_1113] {strides = array<i32>} : memref<2560xf32, #tpu.memory_space<vmem>>, vector<16xf32>,
    %mul3A_1115 = arith.mulf %get3A_185, %add3A_1112 : vector<16xf32>
    %add3A_1116 = arith.addf %get3A_1114, %mul3A_1115 : vector<16xf32>
    %get3A_1117 = arith.constant 192 : index
    %get3A_1118 = tpu.vector_load %arg22[%get3A_1117] {strides = array<i32>} : memref<256xf32, #tpu.memory_space<vmem>>, vector<16xf32>,
    %sub3A_1119 = arith.constant 1.000000e+00 : f32
    %sub3A_1120 = vector.broadcast %sub3A_1119 : f32 to vector<16xf32>
    %sub3A_1121 = arith.subf %sub3A_1120, %get3A_1118 : vector<16xf32>
    %mul3A_1122 = arith.mulf %get3A_187, %sub3A_1121 : vector<16xf32>
    %mul3A_1123 = arith.mulf %mul3A_1122, %gather3A_1078 : vector<16xf32>
    %add3A_1124 = arith.addf %add3A_1116, %mul3A_1123 : vector<16xf32>
    %sub3A_1125 = arith.subf %gather3A_1075, %add3A_1124 : vector<16xf32>
    %mul3A_1126 = arith.mulf %sub3A_1125, %sub3A_1125 : vector<16xf32>
    %swap3A_1127 = arith.constant 192 : index
    %swap3A_1128 = tpu.vector_load %arg24[%swap3A_1127] {strides = array<i32>} : memref<256xf32, #tpu.memory_space<vmem>>, vector<16xf32>,
    tpu.vector_store %arg24[%swap3A_1127], %mul3A_1126 {strides = array<i32>} : memref<256xf32, #tpu.memory_space<vmem>>, vector<16xf32>,
    %get3A_1129 = arith.constant 192 : index
    %get3A_1130 = tpu.vector_load %arg23[%get3A_1129] {strides = array<i32>} : memref<256xf32, #tpu.memory_space<vmem>>, vector<16xf32>,
    %mul3A_1131 = arith.mulf %mul3A_1126, %get3A_1130 : vector<16xf32>
    %add3A_1132 = arith.addf %add3A_1061, %mul3A_1131 : vector<16xf32>
    %add3A_1133 = arith.constant 16 : i32
    %add3A_1134 = vector.broadcast %add3A_1133 : i32 to vector<16xi32>
    %add3A_1135 = arith.addi %add3A_1134, %iota3A : vector<16xi32>
    %get3A_1136 = arith.constant 208 : index
    %get3A_1137 = tpu.vector_load %arg13[%get3A_1136] {strides = array<i32>} : memref<256xi32, #tpu.memory_space<vmem>>, vector<16xi32>,
    %gather3A_1138 = tpu.vector_load_idx %arg15[%add3A_1135, %get3A_1137] : memref<32x512xf32, #tpu.memory_space<vmem>>[vector<16xi32>, vector<16xi32>], vector<16xf32>,
    %get3A_1139 = arith.constant 208 : index
    %get3A_1140 = tpu.vector_load %arg14[%get3A_1139] {strides = array<i32>} : memref<256xi32, #tpu.memory_space<vmem>>, vector<16xi32>,
    %gather3A_1141 = tpu.vector_load_idx %arg18[%add3A_1135, %get3A_1140] : memref<32x512xf32, #tpu.memory_space<vmem>>[vector<16xi32>, vector<16xi32>], vector<16xf32>,
    %get3A_1142 = arith.constant 2512 : index
    %get3A_1143 = tpu.vector_load %arg21[%get3A_1142] {strides = array<i32>} : memref<2560xf32, #tpu.memory_space<vmem>>, vector<16xf32>,
    %get3A_1144 = arith.constant 2256 : index
    %get3A_1145 = tpu.vector_load %arg21[%get3A_1144] {strides = array<i32>} : memref<2560xf32, #tpu.memory_space<vmem>>, vector<16xf32>,
    %mul3A_1146 = arith.mulf %get3A_185, %get3A_1143 : vector<16xf32>
    %add3A_1147 = arith.addf %get3A_1145, %mul3A_1146 : vector<16xf32>
    %get3A_1148 = arith.constant 2000 : index
    %get3A_1149 = tpu.vector_load %arg21[%get3A_1148] {strides = array<i32>} : memref<2560xf32, #tpu.memory_space<vmem>>, vector<16xf32>,
    %mul3A_1150 = arith.mulf %get3A_185, %add3A_1147 : vector<16xf32>
    %add3A_1151 = arith.addf %get3A_1149, %mul3A_1150 : vector<16xf32>
    %get3A_1152 = arith.constant 1744 : index
    %get3A_1153 = tpu.vector_load %arg21[%get3A_1152] {strides = array<i32>} : memref<2560xf32, #tpu.memory_space<vmem>>, vector<16xf32>,
    %mul3A_1154 = arith.mulf %get3A_185, %add3A_1151 : vector<16xf32>
    %add3A_1155 = arith.addf %get3A_1153, %mul3A_1154 : vector<16xf32>
    %get3A_1156 = arith.constant 1488 : index
    %get3A_1157 = tpu.vector_load %arg21[%get3A_1156] {strides = array<i32>} : memref<2560xf32, #tpu.memory_space<vmem>>, vector<16xf32>,
    %mul3A_1158 = arith.mulf %get3A_185, %add3A_1155 : vector<16xf32>
    %add3A_1159 = arith.addf %get3A_1157, %mul3A_1158 : vector<16xf32>
    %get3A_1160 = arith.constant 1232 : index
    %get3A_1161 = tpu.vector_load %arg21[%get3A_1160] {strides = array<i32>} : memref<2560xf32, #tpu.memory_space<vmem>>, vector<16xf32>,
    %mul3A_1162 = arith.mulf %get3A_185, %add3A_1159 : vector<16xf32>
    %add3A_1163 = arith.addf %get3A_1161, %mul3A_1162 : vector<16xf32>
    %get3A_1164 = arith.constant 976 : index
    %get3A_1165 = tpu.vector_load %arg21[%get3A_1164] {strides = array<i32>} : memref<2560xf32, #tpu.memory_space<vmem>>, vector<16xf32>,
    %mul3A_1166 = arith.mulf %get3A_185, %add3A_1163 : vector<16xf32>
    %add3A_1167 = arith.addf %get3A_1165, %mul3A_1166 : vector<16xf32>
    %get3A_1168 = arith.constant 720 : index
    %get3A_1169 = tpu.vector_load %arg21[%get3A_1168] {strides = array<i32>} : memref<2560xf32, #tpu.memory_space<vmem>>, vector<16xf32>,
    %mul3A_1170 = arith.mulf %get3A_185, %add3A_1167 : vector<16xf32>
    %add3A_1171 = arith.addf %get3A_1169, %mul3A_1170 : vector<16xf32>
    %get3A_1172 = arith.constant 464 : index
    %get3A_1173 = tpu.vector_load %arg21[%get3A_1172] {strides = array<i32>} : memref<2560xf32, #tpu.memory_space<vmem>>, vector<16xf32>,
    %mul3A_1174 = arith.mulf %get3A_185, %add3A_1171 : vector<16xf32>
    %add3A_1175 = arith.addf %get3A_1173, %mul3A_1174 : vector<16xf32>
    %get3A_1176 = arith.constant 208 : index
    %get3A_1177 = tpu.vector_load %arg21[%get3A_1176] {strides = array<i32>} : memref<2560xf32, #tpu.memory_space<vmem>>, vector<16xf32>,
    %mul3A_1178 = arith.mulf %get3A_185, %add3A_1175 : vector<16xf32>
    %add3A_1179 = arith.addf %get3A_1177, %mul3A_1178 : vector<16xf32>
    %get3A_1180 = arith.constant 208 : index
    %get3A_1181 = tpu.vector_load %arg22[%get3A_1180] {strides = array<i32>} : memref<256xf32, #tpu.memory_space<vmem>>, vector<16xf32>,
    %sub3A_1182 = arith.constant 1.000000e+00 : f32
    %sub3A_1183 = vector.broadcast %sub3A_1182 : f32 to vector<16xf32>
    %sub3A_1184 = arith.subf %sub3A_1183, %get3A_1181 : vector<16xf32>
    %mul3A_1185 = arith.mulf %get3A_187, %sub3A_1184 : vector<16xf32>
    %mul3A_1186 = arith.mulf %mul3A_1185, %gather3A_1141 : vector<16xf32>
    %add3A_1187 = arith.addf %add3A_1179, %mul3A_1186 : vector<16xf32>
    %sub3A_1188 = arith.subf %gather3A_1138, %add3A_1187 : vector<16xf32>
    %mul3A_1189 = arith.mulf %sub3A_1188, %sub3A_1188 : vector<16xf32>
    %swap3A_1190 = arith.constant 208 : index
    %swap3A_1191 = tpu.vector_load %arg24[%swap3A_1190] {strides = array<i32>} : memref<256xf32, #tpu.memory_space<vmem>>, vector<16xf32>,
    tpu.vector_store %arg24[%swap3A_1190], %mul3A_1189 {strides = array<i32>} : memref<256xf32, #tpu.memory_space<vmem>>, vector<16xf32>,
    %get3A_1192 = arith.constant 208 : index
    %get3A_1193 = tpu.vector_load %arg23[%get3A_1192] {strides = array<i32>} : memref<256xf32, #tpu.memory_space<vmem>>, vector<16xf32>,
    %mul3A_1194 = arith.mulf %mul3A_1189, %get3A_1193 : vector<16xf32>
    %add3A_1195 = arith.addf %add3A_1132, %mul3A_1194 : vector<16xf32>
    %dma_wait3A_1196 = arith.constant 0 : i32
    %dma_wait3A_1197 = tpu.memref_slice %arg2[%add3A_917, %dma_wait3A_1196] : memref<16384x512xf32, #tpu.memory_space<hbm>> -> memref<32x512xf32, #tpu.memory_space<hbm>>
    %dma_wait3A_1198 = arith.constant 0 : i32
    %dma_wait3A_1199 = tpu.memref_slice %arg2[%add3A_917, %dma_wait3A_1198] : memref<16384x512xf32, #tpu.memory_space<hbm>> -> memref<32x512xf32, #tpu.memory_space<hbm>>
    tpu.wait_dma2 semaphore(%arg30 : memref<!tpu.dma_semaphore, #tpu.memory_space<semaphore_mem>>) src(%dma_wait3A_1199 : memref<32x512xf32, #tpu.memory_space<hbm>>) dst(%arg16 : memref<32x512xf32, #tpu.memory_space<vmem>>)
    %dma_wait3A_1200 = arith.constant 0 : i32
    %dma_wait3A_1201 = tpu.memref_slice %arg3[%add3A_923, %dma_wait3A_1200] : memref<16384x512xf32, #tpu.memory_space<hbm>> -> memref<32x512xf32, #tpu.memory_space<hbm>>
    %dma_wait3A_1202 = arith.constant 0 : i32
    %dma_wait3A_1203 = tpu.memref_slice %arg3[%add3A_923, %dma_wait3A_1202] : memref<16384x512xf32, #tpu.memory_space<hbm>> -> memref<32x512xf32, #tpu.memory_space<hbm>>
    tpu.wait_dma2 semaphore(%arg33 : memref<!tpu.dma_semaphore, #tpu.memory_space<semaphore_mem>>) src(%dma_wait3A_1203 : memref<32x512xf32, #tpu.memory_space<hbm>>) dst(%arg19 : memref<32x512xf32, #tpu.memory_space<vmem>>)
    %add3A_1204 = arith.constant 0 : i32
    %add3A_1205 = vector.broadcast %add3A_1204 : i32 to vector<16xi32>
    %add3A_1206 = arith.addi %add3A_1205, %iota3A : vector<16xi32>
    %get3A_1207 = arith.constant 224 : index
    %get3A_1208 = tpu.vector_load %arg13[%get3A_1207] {strides = array<i32>} : memref<256xi32, #tpu.memory_space<vmem>>, vector<16xi32>,
    %gather3A_1209 = tpu.vector_load_idx %arg16[%add3A_1206, %get3A_1208] : memref<32x512xf32, #tpu.memory_space<vmem>>[vector<16xi32>, vector<16xi32>], vector<16xf32>,
    %get3A_1210 = arith.constant 224 : index
    %get3A_1211 = tpu.vector_load %arg14[%get3A_1210] {strides = array<i32>} : memref<256xi32, #tpu.memory_space<vmem>>, vector<16xi32>,
    %gather3A_1212 = tpu.vector_load_idx %arg19[%add3A_1206, %get3A_1211] : memref<32x512xf32, #tpu.memory_space<vmem>>[vector<16xi32>, vector<16xi32>], vector<16xf32>,
    %get3A_1213 = arith.constant 2528 : index
    %get3A_1214 = tpu.vector_load %arg21[%get3A_1213] {strides = array<i32>} : memref<2560xf32, #tpu.memory_space<vmem>>, vector<16xf32>,
    %get3A_1215 = arith.constant 2272 : index
    %get3A_1216 = tpu.vector_load %arg21[%get3A_1215] {strides = array<i32>} : memref<2560xf32, #tpu.memory_space<vmem>>, vector<16xf32>,
    %mul3A_1217 = arith.mulf %get3A_185, %get3A_1214 : vector<16xf32>
    %add3A_1218 = arith.addf %get3A_1216, %mul3A_1217 : vector<16xf32>
    %get3A_1219 = arith.constant 2016 : index
    %get3A_1220 = tpu.vector_load %arg21[%get3A_1219] {strides = array<i32>} : memref<2560xf32, #tpu.memory_space<vmem>>, vector<16xf32>,
    %mul3A_1221 = arith.mulf %get3A_185, %add3A_1218 : vector<16xf32>
    %add3A_1222 = arith.addf %get3A_1220, %mul3A_1221 : vector<16xf32>
    %get3A_1223 = arith.constant 1760 : index
    %get3A_1224 = tpu.vector_load %arg21[%get3A_1223] {strides = array<i32>} : memref<2560xf32, #tpu.memory_space<vmem>>, vector<16xf32>,
    %mul3A_1225 = arith.mulf %get3A_185, %add3A_1222 : vector<16xf32>
    %add3A_1226 = arith.addf %get3A_1224, %mul3A_1225 : vector<16xf32>
    %get3A_1227 = arith.constant 1504 : index
    %get3A_1228 = tpu.vector_load %arg21[%get3A_1227] {strides = array<i32>} : memref<2560xf32, #tpu.memory_space<vmem>>, vector<16xf32>,
    %mul3A_1229 = arith.mulf %get3A_185, %add3A_1226 : vector<16xf32>
    %add3A_1230 = arith.addf %get3A_1228, %mul3A_1229 : vector<16xf32>
    %get3A_1231 = arith.constant 1248 : index
    %get3A_1232 = tpu.vector_load %arg21[%get3A_1231] {strides = array<i32>} : memref<2560xf32, #tpu.memory_space<vmem>>, vector<16xf32>,
    %mul3A_1233 = arith.mulf %get3A_185, %add3A_1230 : vector<16xf32>
    %add3A_1234 = arith.addf %get3A_1232, %mul3A_1233 : vector<16xf32>
    %get3A_1235 = arith.constant 992 : index
    %get3A_1236 = tpu.vector_load %arg21[%get3A_1235] {strides = array<i32>} : memref<2560xf32, #tpu.memory_space<vmem>>, vector<16xf32>,
    %mul3A_1237 = arith.mulf %get3A_185, %add3A_1234 : vector<16xf32>
    %add3A_1238 = arith.addf %get3A_1236, %mul3A_1237 : vector<16xf32>
    %get3A_1239 = arith.constant 736 : index
    %get3A_1240 = tpu.vector_load %arg21[%get3A_1239] {strides = array<i32>} : memref<2560xf32, #tpu.memory_space<vmem>>, vector<16xf32>,
    %mul3A_1241 = arith.mulf %get3A_185, %add3A_1238 : vector<16xf32>
    %add3A_1242 = arith.addf %get3A_1240, %mul3A_1241 : vector<16xf32>
    %get3A_1243 = arith.constant 480 : index
    %get3A_1244 = tpu.vector_load %arg21[%get3A_1243] {strides = array<i32>} : memref<2560xf32, #tpu.memory_space<vmem>>, vector<16xf32>,
    %mul3A_1245 = arith.mulf %get3A_185, %add3A_1242 : vector<16xf32>
    %add3A_1246 = arith.addf %get3A_1244, %mul3A_1245 : vector<16xf32>
    %get3A_1247 = arith.constant 224 : index
    %get3A_1248 = tpu.vector_load %arg21[%get3A_1247] {strides = array<i32>} : memref<2560xf32, #tpu.memory_space<vmem>>, vector<16xf32>,
    %mul3A_1249 = arith.mulf %get3A_185, %add3A_1246 : vector<16xf32>
    %add3A_1250 = arith.addf %get3A_1248, %mul3A_1249 : vector<16xf32>
    %get3A_1251 = arith.constant 224 : index
    %get3A_1252 = tpu.vector_load %arg22[%get3A_1251] {strides = array<i32>} : memref<256xf32, #tpu.memory_space<vmem>>, vector<16xf32>,
    %sub3A_1253 = arith.constant 1.000000e+00 : f32
    %sub3A_1254 = vector.broadcast %sub3A_1253 : f32 to vector<16xf32>
    %sub3A_1255 = arith.subf %sub3A_1254, %get3A_1252 : vector<16xf32>
    %mul3A_1256 = arith.mulf %get3A_187, %sub3A_1255 : vector<16xf32>
    %mul3A_1257 = arith.mulf %mul3A_1256, %gather3A_1212 : vector<16xf32>
    %add3A_1258 = arith.addf %add3A_1250, %mul3A_1257 : vector<16xf32>
    %sub3A_1259 = arith.subf %gather3A_1209, %add3A_1258 : vector<16xf32>
    %mul3A_1260 = arith.mulf %sub3A_1259, %sub3A_1259 : vector<16xf32>
    %swap3A_1261 = arith.constant 224 : index
    %swap3A_1262 = tpu.vector_load %arg24[%swap3A_1261] {strides = array<i32>} : memref<256xf32, #tpu.memory_space<vmem>>, vector<16xf32>,
    tpu.vector_store %arg24[%swap3A_1261], %mul3A_1260 {strides = array<i32>} : memref<256xf32, #tpu.memory_space<vmem>>, vector<16xf32>,
    %get3A_1263 = arith.constant 224 : index
    %get3A_1264 = tpu.vector_load %arg23[%get3A_1263] {strides = array<i32>} : memref<256xf32, #tpu.memory_space<vmem>>, vector<16xf32>,
    %mul3A_1265 = arith.mulf %mul3A_1260, %get3A_1264 : vector<16xf32>
    %add3A_1266 = arith.addf %add3A_1195, %mul3A_1265 : vector<16xf32>
    %add3A_1267 = arith.constant 16 : i32
    %add3A_1268 = vector.broadcast %add3A_1267 : i32 to vector<16xi32>
    %add3A_1269 = arith.addi %add3A_1268, %iota3A : vector<16xi32>
    %get3A_1270 = arith.constant 240 : index
    %get3A_1271 = tpu.vector_load %arg13[%get3A_1270] {strides = array<i32>} : memref<256xi32, #tpu.memory_space<vmem>>, vector<16xi32>,
    %gather3A_1272 = tpu.vector_load_idx %arg16[%add3A_1269, %get3A_1271] : memref<32x512xf32, #tpu.memory_space<vmem>>[vector<16xi32>, vector<16xi32>], vector<16xf32>,
    %get3A_1273 = arith.constant 240 : index
    %get3A_1274 = tpu.vector_load %arg14[%get3A_1273] {strides = array<i32>} : memref<256xi32, #tpu.memory_space<vmem>>, vector<16xi32>,
    %gather3A_1275 = tpu.vector_load_idx %arg19[%add3A_1269, %get3A_1274] : memref<32x512xf32, #tpu.memory_space<vmem>>[vector<16xi32>, vector<16xi32>], vector<16xf32>,
    %get3A_1276 = arith.constant 2544 : index
    %get3A_1277 = tpu.vector_load %arg21[%get3A_1276] {strides = array<i32>} : memref<2560xf32, #tpu.memory_space<vmem>>, vector<16xf32>,
    %get3A_1278 = arith.constant 2288 : index
    %get3A_1279 = tpu.vector_load %arg21[%get3A_1278] {strides = array<i32>} : memref<2560xf32, #tpu.memory_space<vmem>>, vector<16xf32>,
    %mul3A_1280 = arith.mulf %get3A_185, %get3A_1277 : vector<16xf32>
    %add3A_1281 = arith.addf %get3A_1279, %mul3A_1280 : vector<16xf32>
    %get3A_1282 = arith.constant 2032 : index
    %get3A_1283 = tpu.vector_load %arg21[%get3A_1282] {strides = array<i32>} : memref<2560xf32, #tpu.memory_space<vmem>>, vector<16xf32>,
    %mul3A_1284 = arith.mulf %get3A_185, %add3A_1281 : vector<16xf32>
    %add3A_1285 = arith.addf %get3A_1283, %mul3A_1284 : vector<16xf32>
    %get3A_1286 = arith.constant 1776 : index
    %get3A_1287 = tpu.vector_load %arg21[%get3A_1286] {strides = array<i32>} : memref<2560xf32, #tpu.memory_space<vmem>>, vector<16xf32>,
    %mul3A_1288 = arith.mulf %get3A_185, %add3A_1285 : vector<16xf32>
    %add3A_1289 = arith.addf %get3A_1287, %mul3A_1288 : vector<16xf32>
    %get3A_1290 = arith.constant 1520 : index
    %get3A_1291 = tpu.vector_load %arg21[%get3A_1290] {strides = array<i32>} : memref<2560xf32, #tpu.memory_space<vmem>>, vector<16xf32>,
    %mul3A_1292 = arith.mulf %get3A_185, %add3A_1289 : vector<16xf32>
    %add3A_1293 = arith.addf %get3A_1291, %mul3A_1292 : vector<16xf32>
    %get3A_1294 = arith.constant 1264 : index
    %get3A_1295 = tpu.vector_load %arg21[%get3A_1294] {strides = array<i32>} : memref<2560xf32, #tpu.memory_space<vmem>>, vector<16xf32>,
    %mul3A_1296 = arith.mulf %get3A_185, %add3A_1293 : vector<16xf32>
    %add3A_1297 = arith.addf %get3A_1295, %mul3A_1296 : vector<16xf32>
    %get3A_1298 = arith.constant 1008 : index
    %get3A_1299 = tpu.vector_load %arg21[%get3A_1298] {strides = array<i32>} : memref<2560xf32, #tpu.memory_space<vmem>>, vector<16xf32>,
    %mul3A_1300 = arith.mulf %get3A_185, %add3A_1297 : vector<16xf32>
    %add3A_1301 = arith.addf %get3A_1299, %mul3A_1300 : vector<16xf32>
    %get3A_1302 = arith.constant 752 : index
    %get3A_1303 = tpu.vector_load %arg21[%get3A_1302] {strides = array<i32>} : memref<2560xf32, #tpu.memory_space<vmem>>, vector<16xf32>,
    %mul3A_1304 = arith.mulf %get3A_185, %add3A_1301 : vector<16xf32>
    %add3A_1305 = arith.addf %get3A_1303, %mul3A_1304 : vector<16xf32>
    %get3A_1306 = arith.constant 496 : index
    %get3A_1307 = tpu.vector_load %arg21[%get3A_1306] {strides = array<i32>} : memref<2560xf32, #tpu.memory_space<vmem>>, vector<16xf32>,
    %mul3A_1308 = arith.mulf %get3A_185, %add3A_1305 : vector<16xf32>
    %add3A_1309 = arith.addf %get3A_1307, %mul3A_1308 : vector<16xf32>
    %get3A_1310 = arith.constant 240 : index
    %get3A_1311 = tpu.vector_load %arg21[%get3A_1310] {strides = array<i32>} : memref<2560xf32, #tpu.memory_space<vmem>>, vector<16xf32>,
    %mul3A_1312 = arith.mulf %get3A_185, %add3A_1309 : vector<16xf32>
    %add3A_1313 = arith.addf %get3A_1311, %mul3A_1312 : vector<16xf32>
    %get3A_1314 = arith.constant 240 : index
    %get3A_1315 = tpu.vector_load %arg22[%get3A_1314] {strides = array<i32>} : memref<256xf32, #tpu.memory_space<vmem>>, vector<16xf32>,
    %sub3A_1316 = arith.constant 1.000000e+00 : f32
    %sub3A_1317 = vector.broadcast %sub3A_1316 : f32 to vector<16xf32>
    %sub3A_1318 = arith.subf %sub3A_1317, %get3A_1315 : vector<16xf32>
    %mul3A_1319 = arith.mulf %get3A_187, %sub3A_1318 : vector<16xf32>
    %mul3A_1320 = arith.mulf %mul3A_1319, %gather3A_1275 : vector<16xf32>
    %add3A_1321 = arith.addf %add3A_1313, %mul3A_1320 : vector<16xf32>
    %sub3A_1322 = arith.subf %gather3A_1272, %add3A_1321 : vector<16xf32>
    %mul3A_1323 = arith.mulf %sub3A_1322, %sub3A_1322 : vector<16xf32>
    %swap3A_1324 = arith.constant 240 : index
    %swap3A_1325 = tpu.vector_load %arg24[%swap3A_1324] {strides = array<i32>} : memref<256xf32, #tpu.memory_space<vmem>>, vector<16xf32>,
    tpu.vector_store %arg24[%swap3A_1324], %mul3A_1323 {strides = array<i32>} : memref<256xf32, #tpu.memory_space<vmem>>, vector<16xf32>,
    %get3A_1326 = arith.constant 240 : index
    %get3A_1327 = tpu.vector_load %arg23[%get3A_1326] {strides = array<i32>} : memref<256xf32, #tpu.memory_space<vmem>>, vector<16xf32>,
    %mul3A_1328 = arith.mulf %mul3A_1323, %get3A_1327 : vector<16xf32>
    %add3A_1329 = arith.addf %add3A_1266, %mul3A_1328 : vector<16xf32>
    %broadcast_in_dim3A_1330 = arith.constant 0.000000e+00 : f32
    %broadcast_in_dim3A_1331 = vector.broadcast %broadcast_in_dim3A_1330 : f32 to vector<16xf32>
    %swap3A_1332 = arith.constant 0 : index
    %swap3A_1333 = tpu.vector_load %arg27[%swap3A_1332] {strides = array<i32>} : memref<128xf32, #tpu.memory_space<vmem>>, vector<16xf32>,
    tpu.vector_store %arg27[%swap3A_1332], %add3A_1329 {strides = array<i32>} : memref<128xf32, #tpu.memory_space<vmem>>, vector<16xf32>,
    %swap3A_1334 = arith.constant 16 : index
    %swap3A_1335 = tpu.vector_load %arg27[%swap3A_1334] {strides = array<i32>} : memref<128xf32, #tpu.memory_space<vmem>>, vector<16xf32>,
    tpu.vector_store %arg27[%swap3A_1334], %broadcast_in_dim3A_1331 {strides = array<i32>} : memref<128xf32, #tpu.memory_space<vmem>>, vector<16xf32>,
    %swap3A_1336 = arith.constant 32 : index
    %swap3A_1337 = tpu.vector_load %arg27[%swap3A_1336] {strides = array<i32>} : memref<128xf32, #tpu.memory_space<vmem>>, vector<16xf32>,
    tpu.vector_store %arg27[%swap3A_1336], %broadcast_in_dim3A_1331 {strides = array<i32>} : memref<128xf32, #tpu.memory_space<vmem>>, vector<16xf32>,
    %swap3A_1338 = arith.constant 48 : index
    %swap3A_1339 = tpu.vector_load %arg27[%swap3A_1338] {strides = array<i32>} : memref<128xf32, #tpu.memory_space<vmem>>, vector<16xf32>,
    tpu.vector_store %arg27[%swap3A_1338], %broadcast_in_dim3A_1331 {strides = array<i32>} : memref<128xf32, #tpu.memory_space<vmem>>, vector<16xf32>,
    %swap3A_1340 = arith.constant 64 : index
    %swap3A_1341 = tpu.vector_load %arg27[%swap3A_1340] {strides = array<i32>} : memref<128xf32, #tpu.memory_space<vmem>>, vector<16xf32>,
    tpu.vector_store %arg27[%swap3A_1340], %broadcast_in_dim3A_1331 {strides = array<i32>} : memref<128xf32, #tpu.memory_space<vmem>>, vector<16xf32>,
    %swap3A_1342 = arith.constant 80 : index
    %swap3A_1343 = tpu.vector_load %arg27[%swap3A_1342] {strides = array<i32>} : memref<128xf32, #tpu.memory_space<vmem>>, vector<16xf32>,
    tpu.vector_store %arg27[%swap3A_1342], %broadcast_in_dim3A_1331 {strides = array<i32>} : memref<128xf32, #tpu.memory_space<vmem>>, vector<16xf32>,
    %swap3A_1344 = arith.constant 96 : index
    %swap3A_1345 = tpu.vector_load %arg27[%swap3A_1344] {strides = array<i32>} : memref<128xf32, #tpu.memory_space<vmem>>, vector<16xf32>,
    tpu.vector_store %arg27[%swap3A_1344], %broadcast_in_dim3A_1331 {strides = array<i32>} : memref<128xf32, #tpu.memory_space<vmem>>, vector<16xf32>,
    %swap3A_1346 = arith.constant 112 : index
    %swap3A_1347 = tpu.vector_load %arg27[%swap3A_1346] {strides = array<i32>} : memref<128xf32, #tpu.memory_space<vmem>>, vector<16xf32>,
    tpu.vector_store %arg27[%swap3A_1346], %broadcast_in_dim3A_1331 {strides = array<i32>} : memref<128xf32, #tpu.memory_space<vmem>>, vector<16xf32>,
    "tpu.region"() ({
      %run_scoped3A = tpu.sem_alloc : memref<!tpu.dma_semaphore, #tpu.memory_space<semaphore_mem>>
      %dma_start3A_1350 = tpu.memref_slice %arg11[%mul3A_6] : memref<8192xf32, #tpu.memory_space<hbm>> -> memref<256xf32, #tpu.memory_space<hbm>>
      %dma_start3A_1351 = tpu.memref_slice %arg11[%mul3A_6] : memref<8192xf32, #tpu.memory_space<hbm>> -> memref<256xf32, #tpu.memory_space<hbm>>
      tpu.enqueue_dma source(%arg24 : memref<256xf32, #tpu.memory_space<vmem>>) target(%dma_start3A_1351 : memref<256xf32, #tpu.memory_space<hbm>>) target_semaphore(%run_scoped3A : memref<!tpu.dma_semaphore, #tpu.memory_space<semaphore_mem>>)
      %dma_wait3A_1352 = tpu.memref_slice %arg11[%mul3A_6] : memref<8192xf32, #tpu.memory_space<hbm>> -> memref<256xf32, #tpu.memory_space<hbm>>
      %dma_wait3A_1353 = tpu.memref_slice %arg11[%mul3A_6] : memref<8192xf32, #tpu.memory_space<hbm>> -> memref<256xf32, #tpu.memory_space<hbm>>
      tpu.wait_dma2 semaphore(%run_scoped3A : memref<!tpu.dma_semaphore, #tpu.memory_space<semaphore_mem>>) src(%arg24 : memref<256xf32, #tpu.memory_space<vmem>>) dst(%dma_wait3A_1353 : memref<256xf32, #tpu.memory_space<hbm>>)
      tpu.yield
    }) : () -> ()
    %mul3A_1348 = arith.constant 128 : i32
    %mul3A_1349 = arith.muli %add3A, %mul3A_1348 : i32
    "tpu.region"() ({
      %run_scoped3A = tpu.sem_alloc : memref<!tpu.dma_semaphore, #tpu.memory_space<semaphore_mem>>
      %dma_start3A_1350 = tpu.memref_slice %arg12[%mul3A_1349] : memref<4096xf32, #tpu.memory_space<hbm>> -> memref<128xf32, #tpu.memory_space<hbm>>
      %dma_start3A_1351 = tpu.memref_slice %arg12[%mul3A_1349] : memref<4096xf32, #tpu.memory_space<hbm>> -> memref<128xf32, #tpu.memory_space<hbm>>
      tpu.enqueue_dma source(%arg27 : memref<128xf32, #tpu.memory_space<vmem>>) target(%dma_start3A_1351 : memref<128xf32, #tpu.memory_space<hbm>>) target_semaphore(%run_scoped3A : memref<!tpu.dma_semaphore, #tpu.memory_space<semaphore_mem>>)
      %dma_wait3A_1352 = tpu.memref_slice %arg12[%mul3A_1349] : memref<4096xf32, #tpu.memory_space<hbm>> -> memref<128xf32, #tpu.memory_space<hbm>>
      %dma_wait3A_1353 = tpu.memref_slice %arg12[%mul3A_1349] : memref<4096xf32, #tpu.memory_space<hbm>> -> memref<128xf32, #tpu.memory_space<hbm>>
      tpu.wait_dma2 semaphore(%run_scoped3A : memref<!tpu.dma_semaphore, #tpu.memory_space<semaphore_mem>>) src(%arg27 : memref<128xf32, #tpu.memory_space<vmem>>) dst(%dma_wait3A_1353 : memref<128xf32, #tpu.memory_space<hbm>>)
      tpu.yield
    }) : () -> ()
    return
  }
}

module attributes {stable_mosaic.version = 14 : i64} {
  func.func @tc_body(%arg0: i32, %arg1: memref<1024x512xf32, #tpu.memory_space<vmem>>, %arg2: memref<1024x512xf32, #tpu.memory_space<vmem>>, %arg3: memref<1024xi32, #tpu.memory_space<vmem>>, %arg4: memref<1024xi32, #tpu.memory_space<vmem>>, %arg5: memref<1024xf32, #tpu.memory_space<vmem>>, %arg6: memref<1024xf32, #tpu.memory_space<vmem>>, %arg7: memref<16xf32, #tpu.memory_space<smem>>, %arg8: memref<1024xf32, #tpu.memory_space<vmem>>, %arg9: memref<1024xf32, #tpu.memory_space<vmem>>, %arg10: memref<1024xf32, #tpu.memory_space<vmem>>, %arg11: memref<1024xf32, #tpu.memory_space<vmem>>, %arg12: memref<1024xf32, #tpu.memory_space<vmem>>, %arg13: memref<1024xf32, #tpu.memory_space<vmem>>, %arg14: memref<1024xf32, #tpu.memory_space<vmem>>, %arg15: memref<1024xf32, #tpu.memory_space<vmem>>, %arg16: memref<1024xf32, #tpu.memory_space<vmem>>, %arg17: memref<1024xf32, #tpu.memory_space<vmem>>, %arg18: memref<1024xf32, #tpu.memory_space<vmem>>, %arg19: memref<8x128xf32, #tpu.memory_space<vmem>>) attributes {dimension_semantics = [#tpu.dimension_semantics<arbitrary>], iteration_bounds = array<i64: 8>, scalar_prefetch = 0 : i64, scratch_operands = 0 : i64, tpu.core_type = #tpu.core_type<tc>, window_params = [{transform_indices = @transform_0, window_bounds = array<i64: 1024, 512>}, {transform_indices = @transform_1, window_bounds = array<i64: 1024, 512>}, {transform_indices = @transform_2, window_bounds = array<i64: 1024>}, {transform_indices = @transform_3, window_bounds = array<i64: 1024>}, {transform_indices = @transform_4, window_bounds = array<i64: 1024>}, {transform_indices = @transform_5, window_bounds = array<i64: 1024>}, {transform_indices = @transform_6, window_bounds = array<i64: 16>}, {transform_indices = @transform_7, window_bounds = array<i64: 1024>}, {transform_indices = @transform_8, window_bounds = array<i64: 1024>}, {transform_indices = @transform_9, window_bounds = array<i64: 1024>}, {transform_indices = @transform_10, window_bounds = array<i64: 1024>}, {transform_indices = @transform_11, window_bounds = array<i64: 1024>}, {transform_indices = @transform_12, window_bounds = array<i64: 1024>}, {transform_indices = @transform_13, window_bounds = array<i64: 1024>}, {transform_indices = @transform_14, window_bounds = array<i64: 1024>}, {transform_indices = @transform_15, window_bounds = array<i64: 1024>}, {transform_indices = @transform_16, window_bounds = array<i64: 1024>}, {transform_indices = @transform_17, window_bounds = array<i64: 1024>}, {pipeline_mode = #tpu.pipeline_mode<synchronous>, transform_indices = @transform_18, window_bounds = array<i64: 8, 128>}]} {
    %get3A = arith.constant 0 : index
    %get3A_0 = vector.load %arg3[%get3A] : memref<1024xi32, #tpu.memory_space<vmem>>, vector<1024xi32>
    %get3A_1 = arith.constant 0 : index
    %get3A_2 = vector.load %arg4[%get3A_1] : memref<1024xi32, #tpu.memory_space<vmem>>, vector<1024xi32>
    %iota3A = tpu.iota {dimensions = array<i32: 1>} : vector<1024x512xi32>
    %broadcast_in_dim3A = vector.shape_cast %get3A_0 : vector<1024xi32> to vector<1024x1xi32>
    %eq3A = vector.broadcast %broadcast_in_dim3A : vector<1024x1xi32> to vector<1024x512xi32>
    %eq3A_3 = arith.cmpi eq, %iota3A, %eq3A : vector<1024x512xi32>
    %get3A_4 = arith.constant 0 : index
    %get3A_5 = arith.constant 0 : index
    %get3A_6 = vector.load %arg1[%get3A_4, %get3A_5] : memref<1024x512xf32, #tpu.memory_space<vmem>>, vector<1024x512xf32>
    %jit3A = arith.constant 0.000000e+00 : f32
    %broadcast_in_dim3A_7 = vector.broadcast %jit3A : f32 to vector<1024x512xf32>
    %select_n3A = arith.select %eq3A_3, %get3A_6, %broadcast_in_dim3A_7 : vector<1024x512xi1>, vector<1024x512xf32>
    %reduce_sum3A = arith.constant dense<0.000000e+00> : vector<1024xf32>
    %reduce_sum3A_8 = vector.multi_reduction <add>, %select_n3A, %reduce_sum3A [1] : vector<1024x512xf32> to vector<1024xf32>
    %broadcast_in_dim3A_9 = vector.shape_cast %get3A_2 : vector<1024xi32> to vector<1024x1xi32>
    %eq3A_10 = vector.broadcast %broadcast_in_dim3A_9 : vector<1024x1xi32> to vector<1024x512xi32>
    %eq3A_11 = arith.cmpi eq, %iota3A, %eq3A_10 : vector<1024x512xi32>
    %get3A_12 = arith.constant 0 : index
    %get3A_13 = arith.constant 0 : index
    %get3A_14 = vector.load %arg2[%get3A_12, %get3A_13] : memref<1024x512xf32, #tpu.memory_space<vmem>>, vector<1024x512xf32>
    %jit3A_15 = arith.constant 0.000000e+00 : f32
    %broadcast_in_dim3A_16 = vector.broadcast %jit3A_15 : f32 to vector<1024x512xf32>
    %select_n3A_17 = arith.select %eq3A_11, %get3A_14, %broadcast_in_dim3A_16 : vector<1024x512xi1>, vector<1024x512xf32>
    %reduce_sum3A_18 = arith.constant dense<0.000000e+00> : vector<1024xf32>
    %reduce_sum3A_19 = vector.multi_reduction <add>, %select_n3A_17, %reduce_sum3A_18 [1] : vector<1024x512xf32> to vector<1024xf32>
    %get3A_20 = arith.constant 0 : index
    %get3A_21 = vector.load %arg17[%get3A_20] : memref<1024xf32, #tpu.memory_space<vmem>>, vector<1024xf32>
    %get3A_22 = arith.constant 9 : index
    %get3A_23 = memref.load %arg7[%get3A_22] : memref<16xf32, #tpu.memory_space<smem>>
    %mul3A = vector.broadcast %get3A_23 : f32 to vector<1024xf32>
    %mul3A_24 = arith.mulf %get3A_21, %mul3A : vector<1024xf32>
    %get3A_25 = arith.constant 0 : index
    %get3A_26 = vector.load %arg16[%get3A_25] : memref<1024xf32, #tpu.memory_space<vmem>>, vector<1024xf32>
    %get3A_27 = arith.constant 8 : index
    %get3A_28 = memref.load %arg7[%get3A_27] : memref<16xf32, #tpu.memory_space<smem>>
    %mul3A_29 = vector.broadcast %get3A_28 : f32 to vector<1024xf32>
    %mul3A_30 = arith.mulf %get3A_26, %mul3A_29 : vector<1024xf32>
    %add3A = arith.addf %mul3A_24, %mul3A_30 : vector<1024xf32>
    %get3A_31 = arith.constant 0 : index
    %get3A_32 = vector.load %arg15[%get3A_31] : memref<1024xf32, #tpu.memory_space<vmem>>, vector<1024xf32>
    %get3A_33 = arith.constant 7 : index
    %get3A_34 = memref.load %arg7[%get3A_33] : memref<16xf32, #tpu.memory_space<smem>>
    %mul3A_35 = vector.broadcast %get3A_34 : f32 to vector<1024xf32>
    %mul3A_36 = arith.mulf %get3A_32, %mul3A_35 : vector<1024xf32>
    %add3A_37 = arith.addf %add3A, %mul3A_36 : vector<1024xf32>
    %get3A_38 = arith.constant 0 : index
    %get3A_39 = vector.load %arg14[%get3A_38] : memref<1024xf32, #tpu.memory_space<vmem>>, vector<1024xf32>
    %get3A_40 = arith.constant 6 : index
    %get3A_41 = memref.load %arg7[%get3A_40] : memref<16xf32, #tpu.memory_space<smem>>
    %mul3A_42 = vector.broadcast %get3A_41 : f32 to vector<1024xf32>
    %mul3A_43 = arith.mulf %get3A_39, %mul3A_42 : vector<1024xf32>
    %add3A_44 = arith.addf %add3A_37, %mul3A_43 : vector<1024xf32>
    %get3A_45 = arith.constant 0 : index
    %get3A_46 = vector.load %arg13[%get3A_45] : memref<1024xf32, #tpu.memory_space<vmem>>, vector<1024xf32>
    %get3A_47 = arith.constant 5 : index
    %get3A_48 = memref.load %arg7[%get3A_47] : memref<16xf32, #tpu.memory_space<smem>>
    %mul3A_49 = vector.broadcast %get3A_48 : f32 to vector<1024xf32>
    %mul3A_50 = arith.mulf %get3A_46, %mul3A_49 : vector<1024xf32>
    %add3A_51 = arith.addf %add3A_44, %mul3A_50 : vector<1024xf32>
    %get3A_52 = arith.constant 0 : index
    %get3A_53 = vector.load %arg12[%get3A_52] : memref<1024xf32, #tpu.memory_space<vmem>>, vector<1024xf32>
    %get3A_54 = arith.constant 4 : index
    %get3A_55 = memref.load %arg7[%get3A_54] : memref<16xf32, #tpu.memory_space<smem>>
    %mul3A_56 = vector.broadcast %get3A_55 : f32 to vector<1024xf32>
    %mul3A_57 = arith.mulf %get3A_53, %mul3A_56 : vector<1024xf32>
    %add3A_58 = arith.addf %add3A_51, %mul3A_57 : vector<1024xf32>
    %get3A_59 = arith.constant 0 : index
    %get3A_60 = vector.load %arg11[%get3A_59] : memref<1024xf32, #tpu.memory_space<vmem>>, vector<1024xf32>
    %get3A_61 = arith.constant 3 : index
    %get3A_62 = memref.load %arg7[%get3A_61] : memref<16xf32, #tpu.memory_space<smem>>
    %mul3A_63 = vector.broadcast %get3A_62 : f32 to vector<1024xf32>
    %mul3A_64 = arith.mulf %get3A_60, %mul3A_63 : vector<1024xf32>
    %add3A_65 = arith.addf %add3A_58, %mul3A_64 : vector<1024xf32>
    %get3A_66 = arith.constant 0 : index
    %get3A_67 = vector.load %arg10[%get3A_66] : memref<1024xf32, #tpu.memory_space<vmem>>, vector<1024xf32>
    %get3A_68 = arith.constant 2 : index
    %get3A_69 = memref.load %arg7[%get3A_68] : memref<16xf32, #tpu.memory_space<smem>>
    %mul3A_70 = vector.broadcast %get3A_69 : f32 to vector<1024xf32>
    %mul3A_71 = arith.mulf %get3A_67, %mul3A_70 : vector<1024xf32>
    %add3A_72 = arith.addf %add3A_65, %mul3A_71 : vector<1024xf32>
    %get3A_73 = arith.constant 0 : index
    %get3A_74 = vector.load %arg9[%get3A_73] : memref<1024xf32, #tpu.memory_space<vmem>>, vector<1024xf32>
    %get3A_75 = arith.constant 1 : index
    %get3A_76 = memref.load %arg7[%get3A_75] : memref<16xf32, #tpu.memory_space<smem>>
    %mul3A_77 = vector.broadcast %get3A_76 : f32 to vector<1024xf32>
    %mul3A_78 = arith.mulf %get3A_74, %mul3A_77 : vector<1024xf32>
    %add3A_79 = arith.addf %add3A_72, %mul3A_78 : vector<1024xf32>
    %get3A_80 = arith.constant 0 : index
    %get3A_81 = vector.load %arg8[%get3A_80] : memref<1024xf32, #tpu.memory_space<vmem>>, vector<1024xf32>
    %get3A_82 = arith.constant 0 : index
    %get3A_83 = memref.load %arg7[%get3A_82] : memref<16xf32, #tpu.memory_space<smem>>
    %mul3A_84 = vector.broadcast %get3A_83 : f32 to vector<1024xf32>
    %mul3A_85 = arith.mulf %get3A_81, %mul3A_84 : vector<1024xf32>
    %add3A_86 = arith.addf %add3A_79, %mul3A_85 : vector<1024xf32>
    %get3A_87 = arith.constant 10 : index
    %get3A_88 = memref.load %arg7[%get3A_87] : memref<16xf32, #tpu.memory_space<smem>>
    %get3A_89 = arith.constant 0 : index
    %get3A_90 = vector.load %arg5[%get3A_89] : memref<1024xf32, #tpu.memory_space<vmem>>, vector<1024xf32>
    %sub3A = arith.constant 1.000000e+00 : f32
    %sub3A_91 = vector.broadcast %sub3A : f32 to vector<1024xf32>
    %sub3A_92 = arith.subf %sub3A_91, %get3A_90 : vector<1024xf32>
    %mul3A_93 = vector.broadcast %get3A_88 : f32 to vector<1024xf32>
    %mul3A_94 = arith.mulf %mul3A_93, %sub3A_92 : vector<1024xf32>
    %mul3A_95 = arith.mulf %mul3A_94, %reduce_sum3A_19 : vector<1024xf32>
    %add3A_96 = arith.addf %add3A_86, %mul3A_95 : vector<1024xf32>
    %sub3A_97 = arith.subf %reduce_sum3A_8, %add3A_96 : vector<1024xf32>
    %mul3A_98 = arith.mulf %sub3A_97, %sub3A_97 : vector<1024xf32>
    %swap3A = arith.constant 0 : index
    %swap3A_99 = vector.load %arg18[%swap3A] : memref<1024xf32, #tpu.memory_space<vmem>>, vector<1024xf32>
    tpu.vector_store %arg18[%swap3A], %mul3A_98 {strides = array<i32>} : memref<1024xf32, #tpu.memory_space<vmem>>, vector<1024xf32>,
    %get3A_100 = arith.constant 0 : index
    %get3A_101 = vector.load %arg6[%get3A_100] : memref<1024xf32, #tpu.memory_space<vmem>>, vector<1024xf32>
    %mul3A_102 = arith.mulf %mul3A_98, %get3A_101 : vector<1024xf32>
    %reduce_sum3A_103 = vector.shape_cast %mul3A_102 : vector<1024xf32> to vector<1x1024xf32>
    %reduce_sum3A_104 = arith.constant dense<0.000000e+00> : vector<1xf32>
    %reduce_sum3A_105 = vector.multi_reduction <add>, %reduce_sum3A_103, %reduce_sum3A_104 [1] : vector<1x1024xf32> to vector<1xf32>
    %reduce_sum3A_106 = vector.shape_cast %reduce_sum3A_105 : vector<1xf32> to vector<1x1xf32>
    %reduce_sum3A_107 = vector.extract %reduce_sum3A_106[0, 0] : f32 from vector<1x1xf32>
    %broadcast_in_dim3A_108 = vector.broadcast %reduce_sum3A_107 : f32 to vector<8x128xf32>
    %eq3A_109 = arith.constant 0 : i32
    %eq3A_110 = arith.cmpi eq, %arg0, %eq3A_109 : i32
    %convert_element_type3A = arith.extui %eq3A_110 : i1 to i32
    %cond3A = arith.constant 0 : i32
    %cond3A_111 = arith.cmpi ne, %convert_element_type3A, %cond3A : i32
    scf.if %cond3A_111 {
      %swap3A_116 = arith.constant 0 : index
      %swap3A_117 = arith.constant 0 : index
      %swap3A_118 = vector.load %arg19[%swap3A_116, %swap3A_117] : memref<8x128xf32, #tpu.memory_space<vmem>>, vector<8x128xf32>
      tpu.vector_store %arg19[%swap3A_116, %swap3A_117], %broadcast_in_dim3A_108 {strides = array<i32>} : memref<8x128xf32, #tpu.memory_space<vmem>>, vector<8x128xf32>,
    } else {
    }
    %ne3A = arith.constant 0 : i32
    %ne3A_112 = arith.cmpi ne, %arg0, %ne3A : i32
    %convert_element_type3A_113 = arith.extui %ne3A_112 : i1 to i32
    %cond3A_114 = arith.constant 0 : i32
    %cond3A_115 = arith.cmpi ne, %convert_element_type3A_113, %cond3A_114 : i32
    scf.if %cond3A_115 {
      %get3A_116 = arith.constant 0 : index
      %get3A_117 = arith.constant 0 : index
      %get3A_118 = vector.load %arg19[%get3A_116, %get3A_117] : memref<8x128xf32, #tpu.memory_space<vmem>>, vector<8x128xf32>
      %add3A_119 = arith.addf %get3A_118, %broadcast_in_dim3A_108 : vector<8x128xf32>
      %swap3A_120 = arith.constant 0 : index
      %swap3A_121 = arith.constant 0 : index
      %swap3A_122 = vector.load %arg19[%swap3A_120, %swap3A_121] : memref<8x128xf32, #tpu.memory_space<vmem>>, vector<8x128xf32>
      tpu.vector_store %arg19[%swap3A_120, %swap3A_121], %add3A_119 {strides = array<i32>} : memref<8x128xf32, #tpu.memory_space<vmem>>, vector<8x128xf32>,
    } else {
    }
    return
  }
  func.func @transform_0(%arg0: i32) -> (i32, i32) {
    %c0_i32 = arith.constant 0 : i32
    %c0_i32_0 = arith.constant 0 : i32
    return %arg0, %c0_i32 : i32, i32
  }
  func.func @transform_1(%arg0: i32) -> (i32, i32) {
    %c0_i32 = arith.constant 0 : i32
    %c0_i32_0 = arith.constant 0 : i32
    return %arg0, %c0_i32 : i32, i32
  }
  func.func @transform_2(%arg0: i32) -> i32 {
    %c0_i32 = arith.constant 0 : i32
    return %arg0 : i32
  }
  func.func @transform_3(%arg0: i32) -> i32 {
    %c0_i32 = arith.constant 0 : i32
    return %arg0 : i32
  }
  func.func @transform_4(%arg0: i32) -> i32 {
    %c0_i32 = arith.constant 0 : i32
    return %arg0 : i32
  }
  func.func @transform_5(%arg0: i32) -> i32 {
    %c0_i32 = arith.constant 0 : i32
    return %arg0 : i32
  }
  func.func @transform_6(%arg0: i32) -> i32 {
    %c0_i32 = arith.constant 0 : i32
    %c0_i32_0 = arith.constant 0 : i32
    return %c0_i32 : i32
  }
  func.func @transform_7(%arg0: i32) -> i32 {
    %add3A = arith.constant 0 : i32
    %add3A_0 = arith.addi %add3A, %arg0 : i32
    %c0_i32 = arith.constant 0 : i32
    return %add3A_0 : i32
  }
  func.func @transform_8(%arg0: i32) -> i32 {
    %add3A = arith.constant 16 : i32
    %add3A_0 = arith.addi %add3A, %arg0 : i32
    %c0_i32 = arith.constant 0 : i32
    return %add3A_0 : i32
  }
  func.func @transform_9(%arg0: i32) -> i32 {
    %add3A = arith.constant 32 : i32
    %add3A_0 = arith.addi %add3A, %arg0 : i32
    %c0_i32 = arith.constant 0 : i32
    return %add3A_0 : i32
  }
  func.func @transform_10(%arg0: i32) -> i32 {
    %add3A = arith.constant 48 : i32
    %add3A_0 = arith.addi %add3A, %arg0 : i32
    %c0_i32 = arith.constant 0 : i32
    return %add3A_0 : i32
  }
  func.func @transform_11(%arg0: i32) -> i32 {
    %add3A = arith.constant 64 : i32
    %add3A_0 = arith.addi %add3A, %arg0 : i32
    %c0_i32 = arith.constant 0 : i32
    return %add3A_0 : i32
  }
  func.func @transform_12(%arg0: i32) -> i32 {
    %add3A = arith.constant 80 : i32
    %add3A_0 = arith.addi %add3A, %arg0 : i32
    %c0_i32 = arith.constant 0 : i32
    return %add3A_0 : i32
  }
  func.func @transform_13(%arg0: i32) -> i32 {
    %add3A = arith.constant 96 : i32
    %add3A_0 = arith.addi %add3A, %arg0 : i32
    %c0_i32 = arith.constant 0 : i32
    return %add3A_0 : i32
  }
  func.func @transform_14(%arg0: i32) -> i32 {
    %add3A = arith.constant 112 : i32
    %add3A_0 = arith.addi %add3A, %arg0 : i32
    %c0_i32 = arith.constant 0 : i32
    return %add3A_0 : i32
  }
  func.func @transform_15(%arg0: i32) -> i32 {
    %add3A = arith.constant 128 : i32
    %add3A_0 = arith.addi %add3A, %arg0 : i32
    %c0_i32 = arith.constant 0 : i32
    return %add3A_0 : i32
  }
  func.func @transform_16(%arg0: i32) -> i32 {
    %add3A = arith.constant 144 : i32
    %add3A_0 = arith.addi %add3A, %arg0 : i32
    %c0_i32 = arith.constant 0 : i32
    return %add3A_0 : i32
  }
  func.func @transform_17(%arg0: i32) -> i32 {
    %c0_i32 = arith.constant 0 : i32
    return %arg0 : i32
  }
  func.func @transform_18(%arg0: i32) -> (i32, i32) {
    %c0_i32 = arith.constant 0 : i32
    %c0_i32_0 = arith.constant 0 : i32
    %c0_i32_1 = arith.constant 0 : i32
    return %c0_i32, %c0_i32_0 : i32, i32
  }
}

</mosaic_0001>

<sc_bundles>
// kernel: kernel.4.cloned.1.call-start
scs
__scs_entry_jumppad:
0x0: {  	(pc) =	sbr.rel $0x88, $3  }
0x1: {  	(tag) =	ssettag $0x0;
	lr =	simm.s32 $0x1  }
0x2: {  	[smem:$0x3F99] =	sst lr;
	_ =	strace $0xD0000000  }
0x3: {  	_ = 	snop  }
0x4: {  	_ = 	snop  }
0x5: {  	_ = 	snop  }
0x6: {  	_ = 	snop  }
0x7: {  	_ = 	snop  }
__scs_overlays_trampoline_lowered:
0x8: {  	[smem:$0x3FA8] =	sst s0  }
0x9: {  	[smem:$0x3FA9] =	sst s1  }
0xa: {  	[smem:$0x3FAA] =	sst s2  }
0xb: {  	[smem:$0x3FAB] =	sst s3  }
0xc: {  	[smem:$0x3FAC] =	sst s4  }
0xd: {  	[smem:$0x3FAD] =	sst s5  }
0xe: {  	[smem:$0x3FAE] =	sst s6  }
0xf: {  	[smem:$0x3FAF] =	sst s7  }
0x10: {  	[smem:$0x3FB0] =	sst s8  }
0x11: {  	[smem:$0x3FB1] =	sst s9;
	s0 =	simm.s32 @!p0 $0x0  }
0x12: {  	s1 =	sld [smem:$0x3F97];
	s0 =	simm.s32 @p0 $0x1  }
0x13: {  	[smem:$0x3FB2] =	sst s0;
	s0 =	simm.s32 @!p1 $0x0  }
0x14: {  	s2 =	sld [smem:$0x3F96];
	s0 =	simm.s32 @p1 $0x1  }
0x15: {  	[smem:$0x3FB3] =	sst s0;
	s0 =	simm.s32 @!p2 $0x0  }
0x16: {  	s3 =	sld [smem:$0x3FDB];
	s0 =	simm.s32 @p2 $0x1  }
0x17: {  	s4 =	simm.s32 $0x1BF5;
	[smem:$0x3FB5] =	sst s0  }
0x18: {  	s0 =	sld [smem:$0x3F98];
	_ =	swait.ge [sflag:s4], $0x0  }
0x19: {  	s7 =	sld [smem:$0x3F99]  }
0x1a: {  	s8 =	sadd.s32 $0xFFFFE003, lr  }
0x1b: {  	s9 =	sadd.s32 $0xFFFFFEF7, lr;
	s5 =	simm.s32 $0xFFFFFFFF;
	p2 =	slt.u32 s8, $0xFFFFF086  }
0x1c: {  	p1 =	slt.u32 s9, $0xF7A;
	s5 =	simm.s32 @!p2 $0x0  }
0x1d: {  	s5 =	simm.s32 @p1 $0x1;
	p0 =	seq.s32 s7, s2  }
0x1e: {  	s7 =	smul.u32 @!p0 $0xF7A, s2;
	p2 =	seq.s32 @!p0 s5, $0x0  }
0x1f: {  	s9 =	smul.u32 $0xF7A, s1;
	s8 =	simm.s32 @!p0 $0x1BF5;
	p2 =	por !p2, p0  }
0x20: {  	[sflag:s8] =	ssyncset.s32 @!p0 $0xFFFFF086;
	s6 =	sadd.s32 @!p0 s3, s7;
	s7 =	simm.s32 @!p0 $0x108  }
0x21: {  	s3 =	sadd.s32 s3, s9;
	s6 =	sadd.s32 @!p0 $0x88, s6;
	s7 =	simm.s32 @p2 $0x1082  }
0x22: {  	[simem:s7], [sflag:s8] =	dma.local @!p0 [hbm:s6], $0xF7A  }
0x23: {  	s9 =	sor.u32 $0xD0000000, s2;
	s6 =	simm.s32 $0x108;
	_ =	swait.ge @!p0 [sflag:s8], $0x0  }
0x24: {  	s3 =	sadd.s32 $0x88, s3;
	s6 =	simm.s32 @!p1 $0x1082;
	[sflag:s4] =	ssyncset.s32 $0xFFFFF086  }
0x25: {  	[simem:s6], [sflag:s4] =	dma.local [hbm:s3], $0xF7A  }
0x26: {  	[smem:$0x3F99] =	sst s1;
	(tag) =	ssettag s2;
	_ =	strace s9  }
0x27: {  	s1 =	sld [smem:$0x3FA9]  }
0x28: {  	s2 =	sld [smem:$0x3FAA]  }
0x29: {  	s4 =	sld [smem:$0x3FAC]  }
0x2a: {  	p0 =	seq.s32 s5, $0x0;
	s5 =	sld [smem:$0x3FAD]  }
0x2b: {  	s6 =	sld [smem:$0x3FAE]  }
0x2c: {  	s7 =	sld [smem:$0x3FAF]  }
0x2d: {  	s3 =	simm.s32 $0x108;
	s8 =	sld [smem:$0x3FB0]  }
0x2e: {  	s3 =	simm.s32 @!p0 $0x1082;
	s9 =	sld [smem:$0x3FB1]  }
0x2f: {  	lr =	sadd.s32 s0, s3;
	s0 =	sld [smem:$0x3FA8]  }
0x30: {  	s3 =	sld [smem:$0x3FAB]  }
0x31: {  	[smem:$0x3FB4] =	sst s10  }
0x32: {  	s10 =	sld [smem:$0x3FB2];
	_ =	sdelay $0x3  }
0x33: {  	p0 =	seq.s32 s10, $0x1;
	s10 =	sld [smem:$0x3FB4];
	_ =	sdelay $0x3  }
0x34: {  	[smem:$0x3FB4] =	sst s10  }
0x35: {  	s10 =	sld [smem:$0x3FB3];
	_ =	sdelay $0x3  }
0x36: {  	p1 =	seq.s32 s10, $0x1;
	s10 =	sld [smem:$0x3FB4];
	_ =	sdelay $0x3  }
0x37: {  	[smem:$0x3FB4] =	sst s10  }
0x38: {  	s10 =	sld [smem:$0x3FB5]  }
0x39: {  	_ = 	snop;
	(pc) =	sbr.ind lr, $3  }
0x3a: {  	_ = 	snop  }
0x3b: {  	_ = 	snop  }
0x3c: {  	p2 =	seq.s32 s10, $0x1;
	s10 =	sld [smem:$0x3FB4]  }
0x3d: {  	_ =	shalt  }
0x3e: {  	_ =	shalt  }
0x3f: {  	_ =	shalt  }
0x40: {  	_ =	shalt  }
0x41: {  	_ =	shalt  }
0x42: {  	_ =	shalt  }
0x43: {  	_ =	shalt  }
0x44: {  	_ =	shalt  }
0x45: {  	_ =	shalt  }
0x46: {  	_ =	shalt  }
0x47: {  	_ =	shalt  }
0x48: {  	_ =	shalt  }
0x49: {  	_ =	shalt  }
0x4a: {  	_ =	shalt  }
0x4b: {  	_ =	shalt  }
0x4c: {  	_ =	shalt  }
0x4d: {  	_ =	shalt  }
0x4e: {  	_ =	shalt  }
0x4f: {  	_ =	shalt  }
0x50: {  	_ =	shalt  }
0x51: {  	_ =	shalt  }
0x52: {  	_ =	shalt  }
0x53: {  	_ =	shalt  }
0x54: {  	_ =	shalt  }
0x55: {  	_ =	shalt  }
0x56: {  	_ =	shalt  }
0x57: {  	_ =	shalt  }
0x58: {  	_ =	shalt  }
0x59: {  	_ =	shalt  }
0x5a: {  	_ =	shalt  }
0x5b: {  	_ =	shalt  }
0x5c: {  	_ =	shalt  }
0x5d: {  	_ =	shalt  }
0x5e: {  	_ =	shalt  }
0x5f: {  	_ =	shalt  }
0x60: {  	_ =	shalt  }
0x61: {  	_ =	shalt  }
0x62: {  	_ =	shalt  }
0x63: {  	_ =	shalt  }
0x64: {  	_ =	shalt  }
0x65: {  	_ =	shalt  }
0x66: {  	_ =	shalt  }
0x67: {  	_ =	shalt  }
0x68: {  	_ =	shalt  }
0x69: {  	_ =	shalt  }
0x6a: {  	_ =	shalt  }
0x6b: {  	_ =	shalt  }
0x6c: {  	_ =	shalt  }
0x6d: {  	_ =	shalt  }
0x6e: {  	_ =	shalt  }
0x6f: {  	_ =	shalt  }
0x70: {  	_ =	shalt  }
0x71: {  	_ =	shalt  }
0x72: {  	_ =	shalt  }
0x73: {  	_ =	shalt  }
0x74: {  	_ =	shalt  }
0x75: {  	_ =	shalt  }
0x76: {  	_ =	shalt  }
0x77: {  	_ =	shalt  }
0x78: {  	_ =	shalt  }
0x79: {  	_ =	shalt  }
0x7a: {  	_ =	shalt  }
0x7b: {  	_ =	shalt  }
0x7c: {  	_ =	shalt  }
0x7d: {  	_ =	shalt  }
0x7e: {  	_ =	shalt  }
0x7f: {  	_ =	shalt  }
0x80: {  	_ =	shalt  }
0x81: {  	_ =	shalt  }
0x82: {  	_ =	shalt  }
0x83: {  	_ =	shalt  }
0x84: {  	_ =	shalt  }
0x85: {  	_ =	shalt  }
0x86: {  	_ =	shalt  }
0x87: {  	_ =	shalt  }
.Lfunc_end0:
.L_simem_size_0:
called_computation_lowered:
.L_overlay_start_0:
0x88: {  	s2 =	sld [smem:$0x3FD9]  }
0x89: {  	s3 =	sld [smem:$0x3FFE];
	_ =	sdelay $0x1  }
0x8a: {  	s1 =	srdreg.scid  }
0x8b: {  	s0 =	sand.u32 $0x1, s1  }
0x8c: {  	s14 =	sshll.u32 s0, $0xA;
	s2 =	sadd.s32 s3, s2  }
0x8d: {  	s2 =	sadd.s32 s2, s14  }
0x8e: {  	[smem:$0x3FC0] =	sst s2  }
0x8f: {  	_ = 	snop  }
0x90: {  	s2 =	sld [smem:$0x3FC9]  }
0x91: {  	s15 =	sld [smem:$0x3FC8]  }
0x92: {  	s4 =	sld [smem:$0x3FD0]  }
0x93: {  	s5 =	sld [smem:$0x3FC7]  }
0x94: {  	s6 =	sld [smem:$0x3FC6]  }
0x95: {  	s8 =	simm.s32 $0xA;
	s9 =	simm.s32 $0x10;
	s7 =	sld [smem:$0x3FC3]  }
0x96: {  	[smem:s9], [sflag:s8] =	dma.local [hbm:s4], $0x1  }
0x97: {  	_ =	swait.eq [sflag:s8], $0x1  }
0x98: {  	[sflag:s8] =	ssyncset.done $0x0  }
0x99: {  	[sflag:s8] =	ssyncadd.s32 $0xFFFFFFFF  }
0x9a: {  	s16 =	sld [smem:$0x11];
	(tm) =	ssettm $0x1  }
0x9b: {  	s17 =	sld [smem:$0x3FFB];
	_ =	sdelay $0x3  }
0x9c: {  	_ =	strace s17  }
0x9d: {  	s8 =	sld [smem:$0x3FFC];
	_ =	sdelay $0x3  }
0x9e: {  	_ =	strace s8  }
0x9f: {  	s8 =	sld [smem:$0x3FFD];
	_ =	sdelay $0x3  }
0xa0: {  	_ =	strace s8  }
0xa1: {  	_ =	strace $0x8FFFFFFF  }
0xa2: {  	s18 =	sld [smem:$0x3FDB];
	_ =	sdelay $0x1  }
0xa3: {  	s19 =	simm.s32 $_scs_section_size  }
0xa4: {  	s10 =	simm.s32 $_size__tile_overlayer_lowered;
	s11 =	simm.s32 $_tile_overlayer_lowered  }
0xa5: {  	s22 =	simm.s32 $0x1BFF;
	s21 =	sshll.u32 s11, $0x1;
	s8 =	sadd.s32 s19, s18  }
0xa6: {  	s12 =	simm.s32 $0x0;
	s20 =	sshll.u32 s10, $0x1;
	s10 =	sadd.s32 s21, s8  }
0xa7: {  	[timem:s12], [sflag:s22] =	dma.local [hbm:s10], s20  }
0xa8: {  	_ =	swait.ge [sflag:s22], s20  }
0xa9: {  	s9 =	ssub.s32 $0x0, s20;
	[sflag:s22] =	ssyncset.done $0x0  }
0xaa: {  	[sflag:s22] =	ssyncadd.s32 s9;
	_ =	sdelay $0x1  }
0xab: {  	s23 =	simm.s32 $0x1B8B  }
0xac: {  	_ =	swait.ge [sflag:s23], $0x1  }
0xad: {  	[sflag:s23] =	ssyncset.done $0x0  }
0xae: {  	s25 =	simm.s32 $0x1B8E;
	s24 =	sld [smem:$0x3FFE];
	[sflag:s23] =	ssyncadd.s32 $0xFFFFFFFF  }
0xaf: {  	s26 =	simm.s32 $execute0_lowered;
	[smem:$0x3FD2] =	sst s25  }
0xb0: {  	s10 =	sshll.u32 s26, $0x1;
	_ =	strace $0x80000046;
	[dreg:$0x1] =	wrdreg $0xFFFFFFFF  }
0xb1: {  	s28 =	simm.s32 $_size_execute0_lowered;
	s8 =	sadd.s32 s8, s10;
	[dreg:$0x0] =	wrdreg $0x0  }
0xb2: {  	s10 =	sshll.u32 s28, $0x1;
	[dreg:$0x2] =	wrdreg s8  }
0xb3: {  	[dreg:$0x3] =	wrdreg s10  }
0xb4: {  	[dreg:$0x4] =	wrdreg $0xC0  }
0xb5: {  	_ =	task [dreg:s12], $0x5FFFF  }
0xb6: {  	[dreg:$0x1] =	wrdreg $0xFFFFFFFF  }
0xb7: {  	[dreg:$0x0] =	wrdreg $0x60  }
0xb8: {  	[dreg:$0x2] =	wrdreg s2  }
0xb9: {  	[dreg:$0x3] =	wrdreg s15  }
0xba: {  	[dreg:$0x4] =	wrdreg s5  }
0xbb: {  	[dreg:$0x5] =	wrdreg s6  }
0xbc: {  	[dreg:$0x6] =	wrdreg s24  }
0xbd: {  	[dreg:$0x7] =	wrdreg s16  }
0xbe: {  	[dreg:$0x8] =	wrdreg s7  }
0xbf: {  	[dreg:$0x9] =	wrdreg $0x9  }
0xc0: {  	_ =	task.clear_ibuf [dreg:s12], $0xAFFFF;
	_ =	strace $0x90000046  }
0xc1: {  	s29 =	simm.s32 $0x9;
	_ =	strace $0x80000048  }
0xc2: {  	_ =	swait.ge [sflag:s29], $0x1  }
0xc3: {  	[sflag:s29] =	ssyncadd.s32 $0xFFFFFFFF  }
0xc4: {  	_ =	strace $0x90000048  }
0xc5: {  	_ =	sfence  }
0xc6: {  	s30 =	sld [smem:$0x0];
	_ =	sdelay $0x2  }
0xc7: {  	s31 =	sshll.u32 s1, $0xD;
	s1 =	sshrl.u32 s1, $0x2  }
0xc8: {  	s3 =	sand.u32 $0x4000, s31;
	s1 =	sadd.s32 s1, s30  }
0xc9: {  	s0 =	sor.u32 s3, s0;
	s1 =	sshll.u32 s1, $0x11  }
0xca: {  	s0 =	sor.u32 s1, s0  }
0xcb: {  	s0 =	sadd.s32 $0x8F2B, s0  }
0xcc: {  	[sflag:s0] =	ssyncadd.remote.s32 $0x1  }
0xcd: {  	_ =	sfence.sel $0xFFFF  }
0xce: {  	[dreg:$0x0] =	wrdreg $0xFFFFFFFF;
	(pc) =	sbr.abs _section_cstart, $3  }
0xcf: {  	[dreg:$0x1] =	wrdreg $0xFFFFFFFF  }
0xd0: {  	_ =	task.clear_ibuf [dreg:s12], $0x2FFFF;
	_ =	strace $0x9FFFFFFF  }
0xd1: {  	(tm) =	ssettm $0x7FFFFFFF  }
tec
execute0_lowered:
.L_overlay_start_1:
0x0: {  	(tag) =	ssettag $0x1  }
0x1: {  	s3 =	rddreg [dreg:$0x0]  }
0x2: {  	s1 =	rddreg [dreg:$0x1]  }
0x3: {  	s8 =	rddreg [dreg:$0x2]  }
0x4: {  	s9 =	rddreg [dreg:$0x3]  }
0x5: {  	s5 =	rddreg [dreg:$0x4]  }
0x6: {  	s2 =	srdreg.scid;
	s0 =	stileid.u32  }
0x7: {  	s10 =	rddreg [dreg:$0x5];
	s4 =	sand.u32 $0x1, s2;
	s6 =	sshll.u32 s0, $0x1  }
0x8: {  	s11 =	rddreg [dreg:$0x6];
	s6 =	sor.u32 s4, s6  }
0x9: {  	s2 =	simm.s32 $0x0;
	s12 =	sadd.s32 $0x5C00, s5;
	s7 =	sshll.u32 s6, $0x8  }
0xa: {  	s20 =	sadd.s32 $0x5A00, s5;
	[smem:$0x7FF] =	sst s2;
	s13 =	sor.u32 $0x2000, s7  }
0xb: {  	_ =	strace $0x80000047;
	[dreg:$0x8] =	wrdreg s12;
	s21 =	sshll.u32 s13, $0x6  }
0xc: {  	[dreg:$0x9] =	wrdreg s20;
	s7 =	sshll.u32 s6, $0xE;
	s14 =	sadd.s32 s3, s21  }
0xd: {  	s22 =	sor.u32 $0x80800, s7;
	s12 =	sadd.s32 s1, s21;
	[dreg:$0xa] =	wrdreg s14  }
0xe: {  	s23 =	sadd.s32 s3, s22;
	[dreg:$0xb] =	wrdreg s12  }
0xf: {  	s13 =	sshrl.u32 s13, $0x3;
	s24 =	sadd.s32 s1, s22;
	[dreg:$0xc] =	wrdreg s23  }
0x10: {  	s8 =	sadd.s32 s8, s13;
	[dreg:$0xd] =	wrdreg s24  }
0x11: {  	s28 =	simm.s32 $0x4;
	s25 =	sadd.s32 s9, s13;
	[dreg:$0xe] =	wrdreg s8  }
0x12: {  	s26 =	sadd.s32 $0xA00, s5;
	s0 =	sadd.s32 s10, s13;
	[dreg:$0xf] =	wrdreg s25  }
0x13: {  	s10 =	sshll.u32 s6, $0x5;
	[dreg:$0x10] =	wrdreg s0;
	s12 =	sadd.s32 s11, s13  }
0x14: {  	s13 =	sadd.s32 s26, s13;
	s9 =	sadd.s32 s10, s26;
	[dreg:$0x11] =	wrdreg s12  }
0x15: {  	s29 =	simm.s32 $0x7;
	[dreg:$0x12] =	wrdreg s13;
	s14 =	sadd.s32 $0xC00, s9  }
0x16: {  	s30 =	simm.s32 $0x18E00;
	s15 =	sadd.s32 $0x1400, s9;
	[dreg:$0x13] =	wrdreg s14  }
0x17: {  	s31 =	simm.s32 $0x8;
	s16 =	sadd.s32 $0x1C00, s9;
	[dreg:$0x14] =	wrdreg s15  }
0x18: {  	s4 =	ssub.s32 $0x2, s4;
	s17 =	sadd.s32 $0x2400, s9;
	[dreg:$0x15] =	wrdreg s16  }
0x19: {  	s6 =	sshll.u32 s6, $0x4;
	s18 =	sadd.s32 $0x2C00, s9;
	[dreg:$0x16] =	wrdreg s17  }
0x1a: {  	s23 =	sor.u32 $0x81000, s7;
	s19 =	sadd.s32 $0x3400, s9;
	[dreg:$0x17] =	wrdreg s18  }
0x1b: {  	s26 =	sor.u32 $0x81800, s7;
	s20 =	sadd.s32 $0x3C00, s9;
	[dreg:$0x18] =	wrdreg s19  }
0x1c: {  	s10 =	sadd.s32 s10, s5;
	s21 =	sadd.s32 $0x4400, s9;
	[dreg:$0x19] =	wrdreg s20  }
0x1d: {  	s5 =	sadd.s32 s6, s5;
	s22 =	sadd.s32 $0x4C00, s9;
	[dreg:$0x1a] =	wrdreg s21  }
0x1e: {  	s6 =	simm.s32 $0x4200;
	s24 =	sadd.s32 s3, s23;
	[dreg:$0x1b] =	wrdreg s22  }
0x1f: {  	s25 =	sadd.s32 s1, s23;
	s0 =	sadd.s32 s3, s26;
	[dreg:$0x1c] =	wrdreg s24  }
0x20: {  	s11 =	sadd.s32 s1, s26;
	s12 =	sor.u32 $0x82000, s7;
	[dreg:$0x1d] =	wrdreg s25  }
0x21: {  	s23 =	sadd.s32 $0x5E00, s5;
	s5 =	simm.s32 $0xC200;
	[dreg:$0x1e] =	wrdreg s0  }
0x22: {  	s26 =	simm.s32 $0x18D00;
	[dreg:$0x1f] =	wrdreg s11;
	s13 =	sadd.s32 s3, s12  }
0x23: {  	v0 =	vimm.s32 $0x1380;
	vm0 =	vcmask $0x300;
	v1 =	vimm.s32 $0x3380;
	s14 =	sadd.s32 s1, s12;
	s15 =	sor.u32 $0x82800, s7;
	[smem:$0x7FA] =	sst s23  }
0x24: {  	vm1 =	vcmask $0x704;
	v0 =	vsel vm0, $0x0, v0;
	v1 =	vsel vm0, $0x2000, v1;
	s18 =	sor.u32 $0x83000, s7;
	s7 =	sor.u32 $0x83800, s7;
	[smem:$0x7FD] =	sst s26  }
0x25: {  	vm15 =	vcmask $0xB08;
	v0 =	vsel vm1, $0x80, v0;
	v1 =	vsel vm1, $0x2080, v1;
	s21 =	sshrl.u32 s4, $0x1;
	s22 =	sadd.s32 $0x6000, s10;
	[smem:$0x7F1] =	sst s13  }
0x26: {  	vm4 =	vcmask $0xF0C;
	v0 =	vsel vm15, $0x100, v0;
	v1 =	vsel vm15, $0x2100, v1;
	s24 =	simm.s32 $0x100;
	s25 =	simm.s32 $0x18C00;
	[smem:$0x7F2] =	sst s14  }
0x27: {  	vm5 =	vcmask $0x1310;
	v0 =	vsel vm4, $0x180, v0;
	v1 =	vsel vm4, $0x2180, v1;
	s11 =	simm.s32 $0x18300;
	s12 =	simm.s32 $0x18400;
	[smem:$0x7F9] =	sst s22  }
0x28: {  	vm6 =	vcmask $0x1714;
	v0 =	vsel vm5, $0x200, v0;
	v1 =	vsel vm5, $0x2200, v1;
	s23 =	simm.s32 $0x2;
	s26 =	simm.s32 $0x6;
	[smem:$0x7FB] =	sst s24  }
0x29: {  	vm7 =	vcmask $0x1B18;
	v0 =	vsel vm6, $0x280, v0;
	v1 =	vsel vm6, $0x2280, v1;
	s16 =	sadd.s32 s3, s15;
	s17 =	sadd.s32 s1, s15;
	[smem:$0x7FC] =	sst s25  }
0x2a: {  	vm8 =	vcmask $0x1F1C;
	v0 =	vsel vm7, $0x300, v0;
	v1 =	vsel vm7, $0x2300, v1;
	s19 =	sadd.s32 s3, s18;
	s20 =	sadd.s32 s1, s18;
	[smem:$0x7F3] =	sst s16  }
0x2b: {  	vm9 =	vcmask $0x2320;
	v0 =	vsel vm8, $0x380, v0;
	v1 =	vsel vm8, $0x2380, v1;
	s3 =	sadd.s32 s3, s7;
	s1 =	sadd.s32 s1, s7;
	[smem:$0x7F4] =	sst s17  }
0x2c: {  	vm10 =	vcmask $0x2724;
	v0 =	vsel vm9, $0x1000, v0;
	v1 =	vsel vm9, $0x3000, v1;
	s7 =	simm.s32 $0x10200;
	s13 =	simm.s32 $0x18500;
	[smem:$0x7F5] =	sst s19  }
0x2d: {  	vm11 =	vcmask $0x2B28;
	s14 =	simm.s32 $0x18600;
	s15 =	simm.s32 $0x18700;
	v0 =	vsel vm10, $0x1080, v0;
	v1 =	vsel vm10, $0x3080, v1;
	[smem:$0x7F6] =	sst s20  }
0x2e: {  	vm12 =	vcmask $0x2F2C;
	s18 =	simm.s32 $0x18A00;
	s22 =	simm.s32 $0x14200;
	[smem:$0x7F7] =	sst s3;
	v0 =	vsel vm11, $0x1100, v0;
	v1 =	vsel vm11, $0x3100, v1  }
0x2f: {  	vm13 =	vcmask $0x3330;
	s24 =	simm.s32 $0x5;
	s25 =	simm.s32 $0x3;
	[smem:$0x7F8] =	sst s1;
	v0 =	vsel vm12, $0x1180, v0;
	v1 =	vsel vm12, $0x3180, v1  }
0x30: {  	vm14 =	vcmask $0x3734;
	s3 =	ssub.s32 s4, s21;
	s4 =	simm.s32 $0x200;
	s16 =	simm.s32 $0x18800;
	v0 =	vsel vm13, $0x1200, v0;
	v1 =	vsel vm13, $0x3200, v1  }
0x31: {  	vm15 =	vcmask $0x3B38;
	s17 =	simm.s32 $0x18900;
	s19 =	simm.s32 $0x18B00;
	s20 =	simm.s32 $0x1;
	v0 =	vsel vm14, $0x1280, v0;
	v2 =	vsel vm14, $0x3280, v1  }
0x32: {  	s21 =	simm.s32 $0x8200;
	s1 =	simm.s32 $0x19000;
	s3 =	smax.u32 s3, $0x1;
	v1 =	vimm.f32 $0.0e+00;
	v0 =	vsel vm15, $0x1300, v0;
	v2 =	vsel vm15, $0x3300, v2  }
.LBB2_1:
0x33: {  	s0 =	rddreg [dreg:$0xa]  }
0x34: {  	s8 =	rddreg [dreg:$0xb]  }
0x35: {  	s9 =	rddreg [dreg:$0xc]  }
0x36: {  	s10 =	rddreg [dreg:$0xd]  }
0x37: {  	[tilespmem:s4], [sflag:$0x2] =	stream.linear.gather [hbm4b:s0+s2], $0x4000, $0x38;
	[tilespmem:$0x19080] =	vst v63  }
0x38: {  	s0 =	rddreg [dreg:$0x10]  }
0x39: {  	[tilespmem:s5], [sflag:$0x5] =	stream.linear.gather [hbm4b:s8+s2], $0x4000, $0x38;
	[tilespmem:$0x19080] =	vst v63  }
0x3a: {  	s8 =	rddreg [dreg:$0xe]  }
0x3b: {  	[tilespmem:s6], [sflag:$0x3] =	stream.linear.gather [hbm4b:s9+s2], $0x4000, $0x38;
	[tilespmem:$0x19080] =	vst v63  }
0x3c: {  	s9 =	sld [smem:$0x7FB]  }
0x3d: {  	[tilespmem:s7], [sflag:$0x6] =	stream.linear.gather [hbm4b:s10+s2], $0x4000, $0x38;
	[tilespmem:$0x19080] =	vst v63  }
0x3e: {  	s10 =	rddreg [dreg:$0xf]  }
0x3f: {  	[tilespmem:s2], [sflag:$0x1] =	stream.linear.gather [hbm4b:s8+s2], $0x100, $0x38;
	[tilespmem:$0x19080] =	vst v63  }
0x40: {  	s8 =	sld [smem:$0x7FC]  }
0x41: {  	[tilespmem:s9], [sflag:$0x1] =	stream.linear.gather [hbm4b:s10+s2], $0x100, $0x38;
	[tilespmem:$0x19080] =	vst v63  }
0x42: {  	s10 =	sld [smem:$0x7FD]  }
0x43: {  	[tilespmem:s8], [sflag:$0x1] =	stream.linear.gather [hbm4b:s0+s2], $0x100, $0x38;
	[tilespmem:$0x19080] =	vst v63  }
0x44: {  	s9 =	rddreg [dreg:$0x11]  }
0x45: {  	[tilespmem:s10], [sflag:$0x1] =	stream.linear.gather [hbm4b:s9+s2], $0x100, $0x38;
	[tilespmem:$0x19080] =	vst v63  }
0x46: {  	s0 =	rddreg [dreg:$0x8];
	s10 =	simm.s32 $0x18F00  }
0x47: {  	[tilespmem:s10], [sflag:$0x1] =	stream.linear.gather [hbm4b:s0+s2], $0x80, $0x38;
	[tilespmem:$0x19080] =	vst v63  }
0x48: {  	s8 =	rddreg [dreg:$0x9];
	s10 =	simm.s32 $0x18F80  }
0x49: {  	[tilespmem:s10], [sflag:$0x1] =	stream.linear.gather [hbm4b:s8+s2], $0x80, $0x38;
	[tilespmem:$0x19080] =	vst v63  }
0x4a: {  	s0 =	rddreg [dreg:$0x12];
	s10 =	simm.s32 $0x18200  }
0x4b: {  	[tilespmem:s10], [sflag:$0x1] =	stream.linear.gather [hbm4b:s0+s2], $0x100, $0x38;
	[tilespmem:$0x19080] =	vst v63  }
0x4c: {  	s8 =	rddreg [dreg:$0x13]  }
0x4d: {  	[tilespmem:s11], [sflag:$0x1] =	stream.linear.gather [hbm4b:s8+s2], $0x100, $0x38;
	[tilespmem:$0x19080] =	vst v63  }
0x4e: {  	s9 =	rddreg [dreg:$0x14]  }
0x4f: {  	[tilespmem:s12], [sflag:$0x1] =	stream.linear.gather [hbm4b:s9+s2], $0x100, $0x38;
	[tilespmem:$0x19080] =	vst v63  }
0x50: {  	s10 =	rddreg [dreg:$0x15]  }
0x51: {  	[tilespmem:s13], [sflag:$0x1] =	stream.linear.gather [hbm4b:s10+s2], $0x100, $0x38;
	[tilespmem:$0x19080] =	vst v63  }
0x52: {  	s9 =	rddreg [dreg:$0x16]  }
0x53: {  	[tilespmem:s14], [sflag:$0x1] =	stream.linear.gather [hbm4b:s9+s2], $0x100, $0x38;
	[tilespmem:$0x19080] =	vst v63  }
0x54: {  	s10 =	rddreg [dreg:$0x17]  }
0x55: {  	[tilespmem:s15], [sflag:$0x1] =	stream.linear.gather [hbm4b:s10+s2], $0x100, $0x38;
	[tilespmem:$0x19080] =	vst v63  }
0x56: {  	s9 =	rddreg [dreg:$0x18]  }
0x57: {  	[tilespmem:s16], [sflag:$0x1] =	stream.linear.gather [hbm4b:s9+s2], $0x100, $0x38;
	[tilespmem:$0x19080] =	vst v63  }
0x58: {  	s10 =	rddreg [dreg:$0x19]  }
0x59: {  	[tilespmem:s17], [sflag:$0x1] =	stream.linear.gather [hbm4b:s10+s2], $0x100, $0x38;
	[tilespmem:$0x19080] =	vst v63  }
0x5a: {  	s9 =	rddreg [dreg:$0x1a]  }
0x5b: {  	[tilespmem:s18], [sflag:$0x1] =	stream.linear.gather [hbm4b:s9+s2], $0x100, $0x38;
	[tilespmem:$0x19080] =	vst v63  }
0x5c: {  	s10 =	rddreg [dreg:$0x1b]  }
0x5d: {  	[tilespmem:s19], [sflag:$0x1] =	stream.linear.gather [hbm4b:s10+s2], $0x100, $0x38;
	[tilespmem:$0x19080] =	vst v63  }
0x5e: {  	_ =	swait.ge [sflag:s20], $0x100  }
0x5f: {  	[sflag:s20] =	ssyncset.done $0x0  }
0x60: {  	[sflag:s20] =	ssyncadd.s32 $0xFFFFFF00  }
0x61: {  	_ =	swait.ge [sflag:s20], $0x100  }
0x62: {  	[sflag:s20] =	ssyncset.done $0x0  }
0x63: {  	[sflag:s20] =	ssyncadd.s32 $0xFFFFFF00  }
0x64: {  	_ =	swait.ge [sflag:s20], $0x100  }
0x65: {  	[sflag:s20] =	ssyncset.done $0x0  }
0x66: {  	[sflag:s20] =	ssyncadd.s32 $0xFFFFFF00  }
0x67: {  	_ =	swait.ge [sflag:s20], $0x100  }
0x68: {  	[sflag:s20] =	ssyncset.done $0x0  }
0x69: {  	[sflag:s20] =	ssyncadd.s32 $0xFFFFFF00  }
0x6a: {  	_ =	swait.ge [sflag:s20], $0x80  }
0x6b: {  	[sflag:s20] =	ssyncset.done $0x0  }
0x6c: {  	[sflag:s20] =	ssyncadd.s32 $0xFFFFFF80  }
0x6d: {  	_ =	swait.ge [sflag:s20], $0x80  }
0x6e: {  	[sflag:s20] =	ssyncset.done $0x0  }
0x6f: {  	[sflag:s20] =	ssyncadd.s32 $0xFFFFFF80  }
0x70: {  	_ =	swait.ge [sflag:s20], $0x100  }
0x71: {  	[sflag:s20] =	ssyncset.done $0x0  }
0x72: {  	[sflag:s20] =	ssyncadd.s32 $0xFFFFFF00  }
0x73: {  	_ =	swait.ge [sflag:s20], $0x100  }
0x74: {  	[sflag:s20] =	ssyncset.done $0x0  }
0x75: {  	[sflag:s20] =	ssyncadd.s32 $0xFFFFFF00  }
0x76: {  	_ =	swait.ge [sflag:s20], $0x100  }
0x77: {  	[sflag:s20] =	ssyncset.done $0x0  }
0x78: {  	[sflag:s20] =	ssyncadd.s32 $0xFFFFFF00  }
0x79: {  	_ =	swait.ge [sflag:s20], $0x100  }
0x7a: {  	[sflag:s20] =	ssyncset.done $0x0  }
0x7b: {  	[sflag:s20] =	ssyncadd.s32 $0xFFFFFF00  }
0x7c: {  	_ =	swait.ge [sflag:s20], $0x100  }
0x7d: {  	[sflag:s20] =	ssyncset.done $0x0  }
0x7e: {  	[sflag:s20] =	ssyncadd.s32 $0xFFFFFF00  }
0x7f: {  	_ =	swait.ge [sflag:s20], $0x100  }
0x80: {  	[sflag:s20] =	ssyncset.done $0x0  }
0x81: {  	[sflag:s20] =	ssyncadd.s32 $0xFFFFFF00  }
0x82: {  	_ =	swait.ge [sflag:s20], $0x100  }
0x83: {  	[sflag:s20] =	ssyncset.done $0x0  }
0x84: {  	[sflag:s20] =	ssyncadd.s32 $0xFFFFFF00  }
0x85: {  	_ =	swait.ge [sflag:s20], $0x100  }
0x86: {  	[sflag:s20] =	ssyncset.done $0x0  }
0x87: {  	[sflag:s20] =	ssyncadd.s32 $0xFFFFFF00  }
0x88: {  	_ =	swait.ge [sflag:s20], $0x100  }
0x89: {  	[sflag:s20] =	ssyncset.done $0x0  }
0x8a: {  	[sflag:s20] =	ssyncadd.s32 $0xFFFFFF00  }
0x8b: {  	_ =	swait.ge [sflag:s20], $0x100  }
0x8c: {  	[sflag:s20] =	ssyncset.done $0x0  }
0x8d: {  	[sflag:s20] =	ssyncadd.s32 $0xFFFFFF00  }
0x8e: {  	s9 =	rddreg [dreg:$0x1c];
	v3 =	vld [tilespmem:$0x18F00]  }
0x8f: {  	v4 =	vld [tilespmem:$0x18F80];
	[tilespmem:s21], [sflag:$0x4] =	stream.linear.gather [hbm4b:s9+s2], $0x4000, $0x38  }
0x90: {  	s10 =	rddreg [dreg:$0x1d]  }
0x91: {  	[tilespmem:s22], [sflag:$0x7] =	stream.linear.gather [hbm4b:s10+s2], $0x4000, $0x38;
	[tilespmem:$0x19080] =	vst v63  }
0x92: {  	_ =	swait.ge [sflag:s23], $0x4000  }
0x93: {  	[sflag:s23] =	ssyncset.done $0x0  }
0x94: {  	[sflag:s23] =	ssyncadd.s32 $0xFFFFC000  }
0x95: {  	_ =	swait.ge [sflag:s24], $0x4000  }
0x96: {  	[sflag:s24] =	ssyncset.done $0x0  }
0x97: {  	[sflag:s24] =	ssyncadd.s32 $0xFFFFC000  }
0x98: {  	v5 =	vld [tilespmem:$0x18B00];
	_ =	sdelay $0x1  }
0x99: {  	v6 =	vld [tilespmem:$0x18A00];
	_ =	sdelay $0x2  }
0x9a: {  	v5 =	vmul.f32 v5, v3  }
0x9b: {  	v7 =	vld [tilespmem:$0x18900]  }
0x9c: {  	v5 =	vadd.f32 v5, v6;
	_ =	sdelay $0x1  }
0x9d: {  	v5 =	vmul.f32 v5, v3  }
0x9e: {  	v42 =	vld [tilespmem:$0x18800]  }
0x9f: {  	v5 =	vadd.f32 v5, v7;
	_ =	sdelay $0x1  }
0xa0: {  	v44 =	vld [tilespmem:$0x18B10];
	v5 =	vmul.f32 v5, v3  }
0xa1: {  	v43 =	vld [tilespmem:$0x18700]  }
0xa2: {  	v8 =	vld [tilespmem:$0x18A10];
	v5 =	vadd.f32 v5, v42;
	_ =	sdelay $0x1  }
0xa3: {  	v5 =	vmul.f32 v5, v3  }
0xa4: {  	v9 =	vld [tilespmem:$0x18600];
	v6 =	vmul.f32 v44, v3  }
0xa5: {  	v45 =	vld [tilespmem:$0x18910];
	v5 =	vadd.f32 v5, v43  }
0xa6: {  	v6 =	vadd.f32 v6, v8  }
0xa7: {  	v10 =	vld [tilespmem:$0x100];
	v5 =	vmul.f32 v5, v3  }
0xa8: {  	v11 =	vld [tilespmem:$0x18500];
	v6 =	vmul.f32 v6, v3  }
0xa9: {  	v12 =	vld [tilespmem:$0x18810];
	v5 =	vadd.f32 v5, v9  }
0xaa: {  	v6 =	vadd.f32 v6, v45  }
0xab: {  	v46 =	vld [tilespmem:$0x0];
	v5 =	vmul.f32 v5, v3  }
0xac: {  	v48 =	vld [tilespmem:$0x18400];
	v47 =	vshll.u32 v10, $0x3;
	v6 =	vmul.f32 v6, v3  }
0xad: {  	v51 =	vld [tilespmem:$0x18710];
	v10 =	vand.u32 $0x7F, v10;
	v9 =	vand.u32 $0xFFFFFC00, v47;
	v5 =	vadd.f32 v5, v11  }
0xae: {  	v6 =	vadd.f32 v6, v12;
	v9 =	vor.u32 v10, v9  }
0xaf: {  	v50 =	vld [tilespmem:$0x18300];
	v49 =	vadd.s32 v0, v9;
	v5 =	vmul.f32 v5, v3  }
0xb0: {  	v14 =	vld [tilespmem:$0x18C00];
	v13 =	vshll.u32 v46, $0x3;
	v6 =	vmul.f32 v6, v3  }
0xb1: {  	v53 =	vld [tilespmem:$0x18610];
	v52 =	vand.u32 $0xFFFFFC00, v13;
	v8 =	vand.u32 $0x7F, v46;
	v5 =	vadd.f32 v5, v48  }
0xb2: {  	v54 =	vld [tilespmem:$0x18200];
	v8 =	vor.u32 v8, v52;
	v6 =	vadd.f32 v6, v51  }
0xb3: {  	v56 =	vld [tilespmem:$0x110];
	v8 =	vadd.s32 v0, v8;
	v5 =	vmul.f32 v5, v3  }
0xb4: {  	v6 =	vmul.f32 v6, v3;
	v7 =	vld.idx.msk [tilespmem:v49+s5+$0x0], $0xffff  }
0xb5: {  	v57 =	vld [tilespmem:$0x18510];
	v55 =	vsub.f32 $1.000000000e+00, v14;
	v5 =	vadd.f32 v5, v50  }
0xb6: {  	v6 =	vadd.f32 v6, v53  }
0xb7: {  	v58 =	vld [tilespmem:$0x10];
	v9 =	vmul.f32 v55, v4;
	v5 =	vmul.f32 v5, v3  }
0xb8: {  	v8 =	vld.idx.msk [tilespmem:v8+s4+$0x0], $0xffff;
	v6 =	vmul.f32 v6, v3  }
0xb9: {  	v61 =	vld [tilespmem:$0x18410];
	v7 =	vmul.f32 v9, v7;
	v5 =	vadd.f32 v5, v54  }
0xba: {  	v59 =	vshll.u32 v56, $0x3;
	v6 =	vadd.f32 v6, v57  }
0xbb: {  	v60 =	vand.u32 $0x7F, v56;
	v10 =	vand.u32 $0xFFFFFC00, v59;
	v5 =	vadd.f32 v5, v7  }
0xbc: {  	v6 =	vmul.f32 v6, v3;
	v7 =	vor.u32 v60, v10  }
0xbd: {  	v62 =	vld [tilespmem:$0x18310];
	v7 =	vadd.s32 v2, v7;
	v5 =	vsub.f32 v8, v5  }
0xbe: {  	v16 =	vld [tilespmem:$0x18C10];
	v63 =	vshll.u32 v58, $0x3;
	v6 =	vadd.f32 v6, v61  }
0xbf: {  	v9 =	vand.u32 $0x7F, v58;
	v10 =	vand.u32 $0xFFFFFC00, v63;
	v5 =	vmul.f32 v5, v5  }
0xc0: {  	v9 =	vor.u32 v9, v10  }
0xc1: {  	v17 =	vld [tilespmem:$0x18210];
	v6 =	vmul.f32 v6, v3;
	v9 =	vadd.s32 v2, v9;
	[tilespmem:$0x18E00] =	vst v5  }
0xc2: {  	v7 =	vld.idx.msk [tilespmem:v7+s5+$0x0], $0xffff  }
0xc3: {  	v18 =	vsub.f32 $1.000000000e+00, v16;
	v6 =	vadd.f32 v6, v62;
	_ =	sdelay $0x1  }
0xc4: {  	v6 =	vmul.f32 v6, v3;
	v8 =	vmul.f32 v18, v4  }
0xc5: {  	v9 =	vld.idx.msk [tilespmem:v9+s4+$0x0], $0xffff  }
0xc6: {  	v6 =	vadd.f32 v6, v17;
	v7 =	vmul.f32 v8, v7;
	_ =	sdelay $0x1  }
0xc7: {  	v6 =	vadd.f32 v6, v7;
	_ =	sdelay $0x1  }
0xc8: {  	v6 =	vsub.f32 v9, v6;
	_ =	sdelay $0x1  }
0xc9: {  	v6 =	vmul.f32 v6, v6;
	_ =	sdelay $0x1  }
0xca: {  	s9 =	rddreg [dreg:$0x1e];
	v8 =	vld [tilespmem:$0x18D00];
	[tilespmem:$0x18E10] =	vst v6  }
0xcb: {  	v7 =	vld [tilespmem:$0x18D10];
	[tilespmem:s4], [sflag:$0x2] =	stream.linear.gather [hbm4b:s9+s2], $0x4000, $0x38  }
0xcc: {  	s10 =	rddreg [dreg:$0x1f]  }
0xcd: {  	[tilespmem:s5], [sflag:$0x5] =	stream.linear.gather [hbm4b:s10+s2], $0x4000, $0x38;
	[tilespmem:$0x19080] =	vst v63  }
0xce: {  	_ =	swait.ge [sflag:s25], $0x4000  }
0xcf: {  	[sflag:s25] =	ssyncset.done $0x0  }
0xd0: {  	[sflag:s25] =	ssyncadd.s32 $0xFFFFC000  }
0xd1: {  	_ =	swait.ge [sflag:s26], $0x4000  }
0xd2: {  	[sflag:s26] =	ssyncset.done $0x0  }
0xd3: {  	[sflag:s26] =	ssyncadd.s32 $0xFFFFC000  }
0xd4: {  	v19 =	vld [tilespmem:$0x18B20];
	_ =	sdelay $0x1  }
0xd5: {  	v20 =	vld [tilespmem:$0x18A20];
	_ =	sdelay $0x2  }
0xd6: {  	v9 =	vmul.f32 v19, v3  }
0xd7: {  	v21 =	vld [tilespmem:$0x18920]  }
0xd8: {  	v9 =	vadd.f32 v9, v20;
	_ =	sdelay $0x1  }
0xd9: {  	v9 =	vmul.f32 v9, v3  }
0xda: {  	v22 =	vld [tilespmem:$0x18820]  }
0xdb: {  	v9 =	vadd.f32 v9, v21;
	_ =	sdelay $0x1  }
0xdc: {  	v23 =	vld [tilespmem:$0x18720];
	v9 =	vmul.f32 v9, v3  }
0xdd: {  	v24 =	vld [tilespmem:$0x18B30]  }
0xde: {  	v9 =	vadd.f32 v9, v22  }
0xdf: {  	v25 =	vld [tilespmem:$0x18A30]  }
0xe0: {  	v9 =	vmul.f32 v9, v3  }
0xe1: {  	v26 =	vld [tilespmem:$0x18620]  }
0xe2: {  	v10 =	vmul.f32 v24, v3;
	v9 =	vadd.f32 v9, v23  }
0xe3: {  	v28 =	vld [tilespmem:$0x18930]  }
0xe4: {  	v27 =	vld [tilespmem:$0x120];
	v10 =	vadd.f32 v10, v25;
	v9 =	vmul.f32 v9, v3  }
0xe5: {  	v15 =	vld [tilespmem:$0x18520]  }
0xe6: {  	v10 =	vmul.f32 v10, v3;
	v9 =	vadd.f32 v9, v26  }
0xe7: {  	v16 =	vld [tilespmem:$0x18830]  }
0xe8: {  	v29 =	vld [tilespmem:$0x20];
	v10 =	vadd.f32 v10, v28;
	v9 =	vmul.f32 v9, v3  }
0xe9: {  	v31 =	vld [tilespmem:$0x18420];
	v30 =	vshll.u32 v27, $0x3;
	v14 =	vand.u32 $0x7F, v27  }
0xea: {  	v13 =	vand.u32 $0xFFFFFC00, v30;
	v10 =	vmul.f32 v10, v3;
	v9 =	vadd.f32 v9, v15  }
0xeb: {  	v34 =	vld [tilespmem:$0x18730];
	v13 =	vor.u32 v14, v13  }
0xec: {  	v33 =	vld [tilespmem:$0x18320];
	v32 =	vadd.s32 v0, v13;
	v10 =	vadd.f32 v10, v16;
	v9 =	vmul.f32 v9, v3  }
0xed: {  	v18 =	vld [tilespmem:$0x18C20];
	v17 =	vshll.u32 v29, $0x3;
	v12 =	vand.u32 $0x7F, v29  }
0xee: {  	v35 =	vand.u32 $0xFFFFFC00, v17;
	v10 =	vmul.f32 v10, v3;
	v9 =	vadd.f32 v9, v31  }
0xef: {  	v36 =	vld [tilespmem:$0x18630];
	v12 =	vor.u32 v12, v35  }
0xf0: {  	v37 =	vld [tilespmem:$0x18220];
	v12 =	vadd.s32 v0, v12;
	v10 =	vadd.f32 v10, v34;
	v9 =	vmul.f32 v9, v3  }
0xf1: {  	v11 =	vld.idx.msk [tilespmem:v32+s7+$0x0], $0xffff  }
0xf2: {  	v39 =	vld [tilespmem:$0x130];
	v38 =	vsub.f32 $1.000000000e+00, v18;
	v10 =	vmul.f32 v10, v3;
	v9 =	vadd.f32 v9, v33  }
0xf3: {  	v40 =	vld [tilespmem:$0x18530]  }
0xf4: {  	v13 =	vmul.f32 v38, v4;
	v10 =	vadd.f32 v10, v36;
	v9 =	vmul.f32 v9, v3  }
0xf5: {  	v12 =	vld.idx.msk [tilespmem:v12+s6+$0x0], $0xffff  }
0xf6: {  	v41 =	vld [tilespmem:$0x30];
	v11 =	vmul.f32 v13, v11;
	v10 =	vmul.f32 v10, v3;
	v9 =	vadd.f32 v9, v37  }
0xf7: {  	v44 =	vld [tilespmem:$0x18430];
	v42 =	vshll.u32 v39, $0x3;
	v43 =	vand.u32 $0x7F, v39  }
0xf8: {  	v14 =	vand.u32 $0xFFFFFC00, v42;
	v10 =	vadd.f32 v10, v40;
	v9 =	vadd.f32 v9, v11  }
0xf9: {  	v11 =	vor.u32 v43, v14  }
0xfa: {  	v45 =	vld [tilespmem:$0x18330];
	v10 =	vmul.f32 v10, v3;
	v11 =	vadd.s32 v2, v11;
	v9 =	vsub.f32 v12, v9  }
0xfb: {  	v47 =	vld [tilespmem:$0x18C30];
	v46 =	vshll.u32 v41, $0x3;
	v13 =	vand.u32 $0x7F, v41  }
0xfc: {  	v10 =	vadd.f32 v10, v44;
	v14 =	vand.u32 $0xFFFFFC00, v46;
	v9 =	vmul.f32 v9, v9  }
0xfd: {  	v13 =	vor.u32 v13, v14  }
0xfe: {  	v48 =	vld [tilespmem:$0x18230];
	v10 =	vmul.f32 v10, v3;
	v13 =	vadd.s32 v2, v13;
	[tilespmem:$0x18E20] =	vst v9  }
0xff: {  	v11 =	vld.idx.msk [tilespmem:v11+s7+$0x0], $0xffff  }
0x100: {  	v49 =	vsub.f32 $1.000000000e+00, v47;
	v10 =	vadd.f32 v10, v45;
	_ =	sdelay $0x1  }
0x101: {  	v10 =	vmul.f32 v10, v3;
	v12 =	vmul.f32 v49, v4  }
0x102: {  	v13 =	vld.idx.msk [tilespmem:v13+s6+$0x0], $0xffff  }
0x103: {  	v10 =	vadd.f32 v10, v48;
	v11 =	vmul.f32 v12, v11;
	_ =	sdelay $0x1  }
0x104: {  	v10 =	vadd.f32 v10, v11;
	_ =	sdelay $0x1  }
0x105: {  	v10 =	vsub.f32 v13, v10;
	_ =	sdelay $0x1  }
0x106: {  	s9 =	sld [smem:$0x7F1];
	v10 =	vmul.f32 v10, v10;
	_ =	sdelay $0x1  }
0x107: {  	s10 =	sld [smem:$0x7F2];
	v12 =	vld [tilespmem:$0x18D20];
	[tilespmem:$0x18E30] =	vst v10  }
0x108: {  	v11 =	vld [tilespmem:$0x18D30];
	[tilespmem:s6], [sflag:$0x3] =	stream.linear.gather [hbm4b:s9+s2], $0x4000, $0x38  }
0x109: {  	_ = 	snop  }
0x10a: {  	[tilespmem:s7], [sflag:$0x6] =	stream.linear.gather [hbm4b:s10+s2], $0x4000, $0x38;
	[tilespmem:$0x19080] =	vst v63  }
0x10b: {  	_ =	swait.ge [sflag:s28], $0x4000  }
0x10c: {  	[sflag:s28] =	ssyncset.done $0x0  }
0x10d: {  	[sflag:s28] =	ssyncadd.s32 $0xFFFFC000  }
0x10e: {  	_ =	swait.ge [sflag:s29], $0x4000  }
0x10f: {  	[sflag:s29] =	ssyncset.done $0x0  }
0x110: {  	[sflag:s29] =	ssyncadd.s32 $0xFFFFC000  }
0x111: {  	v50 =	vld [tilespmem:$0x18B40];
	_ =	sdelay $0x1  }
0x112: {  	v51 =	vld [tilespmem:$0x18A40];
	_ =	sdelay $0x2  }
0x113: {  	v13 =	vmul.f32 v50, v3  }
0x114: {  	v52 =	vld [tilespmem:$0x18940]  }
0x115: {  	v13 =	vadd.f32 v13, v51;
	_ =	sdelay $0x1  }
0x116: {  	v13 =	vmul.f32 v13, v3  }
0x117: {  	v53 =	vld [tilespmem:$0x18840]  }
0x118: {  	v13 =	vadd.f32 v13, v52;
	_ =	sdelay $0x1  }
0x119: {  	v54 =	vld [tilespmem:$0x18740];
	v13 =	vmul.f32 v13, v3  }
0x11a: {  	v55 =	vld [tilespmem:$0x18B50]  }
0x11b: {  	v13 =	vadd.f32 v13, v53  }
0x11c: {  	v56 =	vld [tilespmem:$0x18A50]  }
0x11d: {  	v13 =	vmul.f32 v13, v3  }
0x11e: {  	v57 =	vld [tilespmem:$0x18640]  }
0x11f: {  	v14 =	vmul.f32 v55, v3;
	v13 =	vadd.f32 v13, v54  }
0x120: {  	v59 =	vld [tilespmem:$0x18950]  }
0x121: {  	v58 =	vld [tilespmem:$0x140];
	v14 =	vadd.f32 v14, v56;
	v13 =	vmul.f32 v13, v3  }
0x122: {  	v19 =	vld [tilespmem:$0x18540]  }
0x123: {  	v14 =	vmul.f32 v14, v3;
	v13 =	vadd.f32 v13, v57  }
0x124: {  	v20 =	vld [tilespmem:$0x18850]  }
0x125: {  	v60 =	vld [tilespmem:$0x40];
	v14 =	vadd.f32 v14, v59;
	v13 =	vmul.f32 v13, v3  }
0x126: {  	v62 =	vld [tilespmem:$0x18440];
	v61 =	vshll.u32 v58, $0x3;
	v18 =	vand.u32 $0x7F, v58  }
0x127: {  	v17 =	vand.u32 $0xFFFFFC00, v61;
	v14 =	vmul.f32 v14, v3;
	v13 =	vadd.f32 v13, v19  }
0x128: {  	v25 =	vld [tilespmem:$0x18750];
	v17 =	vor.u32 v18, v17  }
0x129: {  	v24 =	vld [tilespmem:$0x18340];
	v63 =	vadd.s32 v0, v17;
	v14 =	vadd.f32 v14, v20;
	v13 =	vmul.f32 v13, v3  }
0x12a: {  	v22 =	vld [tilespmem:$0x18C40];
	v21 =	vshll.u32 v60, $0x3;
	v16 =	vand.u32 $0x7F, v60  }
0x12b: {  	v26 =	vand.u32 $0xFFFFFC00, v21;
	v14 =	vmul.f32 v14, v3;
	v13 =	vadd.f32 v13, v62  }
0x12c: {  	v27 =	vld [tilespmem:$0x18650];
	v16 =	vor.u32 v16, v26  }
0x12d: {  	v28 =	vld [tilespmem:$0x18240];
	v16 =	vadd.s32 v0, v16;
	v14 =	vadd.f32 v14, v25;
	v13 =	vmul.f32 v13, v3  }
0x12e: {  	v15 =	vld.idx.msk [tilespmem:v63+s22+$0x0], $0xffff  }
0x12f: {  	v30 =	vld [tilespmem:$0x150];
	v29 =	vsub.f32 $1.000000000e+00, v22;
	v14 =	vmul.f32 v14, v3;
	v13 =	vadd.f32 v13, v24  }
0x130: {  	v31 =	vld [tilespmem:$0x18550]  }
0x131: {  	v17 =	vmul.f32 v29, v4;
	v14 =	vadd.f32 v14, v27;
	v13 =	vmul.f32 v13, v3  }
0x132: {  	v16 =	vld.idx.msk [tilespmem:v16+s21+$0x0], $0xffff  }
0x133: {  	v32 =	vld [tilespmem:$0x50];
	v15 =	vmul.f32 v17, v15;
	v14 =	vmul.f32 v14, v3;
	v13 =	vadd.f32 v13, v28  }
0x134: {  	v35 =	vld [tilespmem:$0x18450];
	v33 =	vshll.u32 v30, $0x3;
	v34 =	vand.u32 $0x7F, v30  }
0x135: {  	v18 =	vand.u32 $0xFFFFFC00, v33;
	v14 =	vadd.f32 v14, v31;
	v13 =	vadd.f32 v13, v15  }
0x136: {  	v15 =	vor.u32 v34, v18  }
0x137: {  	v36 =	vld [tilespmem:$0x18350];
	v14 =	vmul.f32 v14, v3;
	v15 =	vadd.s32 v2, v15;
	v13 =	vsub.f32 v16, v13  }
0x138: {  	v38 =	vld [tilespmem:$0x18C50];
	v37 =	vshll.u32 v32, $0x3;
	v17 =	vand.u32 $0x7F, v32  }
0x139: {  	v14 =	vadd.f32 v14, v35;
	v18 =	vand.u32 $0xFFFFFC00, v37;
	v13 =	vmul.f32 v13, v13  }
0x13a: {  	v17 =	vor.u32 v17, v18  }
0x13b: {  	v39 =	vld [tilespmem:$0x18250];
	v14 =	vmul.f32 v14, v3;
	v17 =	vadd.s32 v2, v17;
	[tilespmem:$0x18E40] =	vst v13  }
0x13c: {  	v15 =	vld.idx.msk [tilespmem:v15+s22+$0x0], $0xffff  }
0x13d: {  	v40 =	vsub.f32 $1.000000000e+00, v38;
	v14 =	vadd.f32 v14, v36;
	_ =	sdelay $0x1  }
0x13e: {  	v14 =	vmul.f32 v14, v3;
	v16 =	vmul.f32 v40, v4  }
0x13f: {  	v17 =	vld.idx.msk [tilespmem:v17+s21+$0x0], $0xffff  }
0x140: {  	v14 =	vadd.f32 v14, v39;
	v15 =	vmul.f32 v16, v15;
	_ =	sdelay $0x1  }
0x141: {  	v14 =	vadd.f32 v14, v15;
	_ =	sdelay $0x1  }
0x142: {  	v14 =	vsub.f32 v17, v14;
	_ =	sdelay $0x1  }
0x143: {  	s9 =	sld [smem:$0x7F3];
	v14 =	vmul.f32 v14, v14;
	_ =	sdelay $0x1  }
0x144: {  	s10 =	sld [smem:$0x7F4];
	v16 =	vld [tilespmem:$0x18D40];
	[tilespmem:$0x18E50] =	vst v14  }
0x145: {  	v15 =	vld [tilespmem:$0x18D50];
	[tilespmem:s21], [sflag:$0x4] =	stream.linear.gather [hbm4b:s9+s2], $0x4000, $0x38  }
0x146: {  	_ = 	snop  }
0x147: {  	[tilespmem:s22], [sflag:$0x7] =	stream.linear.gather [hbm4b:s10+s2], $0x4000, $0x38;
	[tilespmem:$0x19080] =	vst v63  }
0x148: {  	_ =	swait.ge [sflag:s23], $0x4000  }
0x149: {  	[sflag:s23] =	ssyncset.done $0x0  }
0x14a: {  	[sflag:s23] =	ssyncadd.s32 $0xFFFFC000  }
0x14b: {  	_ =	swait.ge [sflag:s24], $0x4000  }
0x14c: {  	[sflag:s24] =	ssyncset.done $0x0  }
0x14d: {  	[sflag:s24] =	ssyncadd.s32 $0xFFFFC000  }
0x14e: {  	v41 =	vld [tilespmem:$0x18B60];
	_ =	sdelay $0x1  }
0x14f: {  	v42 =	vld [tilespmem:$0x18A60];
	_ =	sdelay $0x2  }
0x150: {  	v17 =	vmul.f32 v41, v3  }
0x151: {  	v43 =	vld [tilespmem:$0x18960]  }
0x152: {  	v17 =	vadd.f32 v17, v42;
	_ =	sdelay $0x1  }
0x153: {  	v17 =	vmul.f32 v17, v3  }
0x154: {  	v44 =	vld [tilespmem:$0x18860]  }
0x155: {  	v17 =	vadd.f32 v17, v43;
	_ =	sdelay $0x1  }
0x156: {  	v45 =	vld [tilespmem:$0x18760];
	v17 =	vmul.f32 v17, v3  }
0x157: {  	v46 =	vld [tilespmem:$0x18B70]  }
0x158: {  	v17 =	vadd.f32 v17, v44  }
0x159: {  	v47 =	vld [tilespmem:$0x18A70]  }
0x15a: {  	v17 =	vmul.f32 v17, v3  }
0x15b: {  	v48 =	vld [tilespmem:$0x18660]  }
0x15c: {  	v18 =	vmul.f32 v46, v3;
	v17 =	vadd.f32 v17, v45  }
0x15d: {  	v50 =	vld [tilespmem:$0x18970]  }
0x15e: {  	v49 =	vld [tilespmem:$0x160];
	v18 =	vadd.f32 v18, v47;
	v17 =	vmul.f32 v17, v3  }
0x15f: {  	v23 =	vld [tilespmem:$0x18560]  }
0x160: {  	v18 =	vmul.f32 v18, v3;
	v17 =	vadd.f32 v17, v48  }
0x161: {  	v24 =	vld [tilespmem:$0x18870]  }
0x162: {  	v51 =	vld [tilespmem:$0x60];
	v18 =	vadd.f32 v18, v50;
	v17 =	vmul.f32 v17, v3  }
0x163: {  	v53 =	vld [tilespmem:$0x18460];
	v52 =	vshll.u32 v49, $0x3;
	v22 =	vand.u32 $0x7F, v49  }
0x164: {  	v21 =	vand.u32 $0xFFFFFC00, v52;
	v18 =	vmul.f32 v18, v3;
	v17 =	vadd.f32 v17, v23  }
0x165: {  	v56 =	vld [tilespmem:$0x18770];
	v21 =	vor.u32 v22, v21  }
0x166: {  	v55 =	vld [tilespmem:$0x18360];
	v54 =	vadd.s32 v0, v21;
	v18 =	vadd.f32 v18, v24;
	v17 =	vmul.f32 v17, v3  }
0x167: {  	v26 =	vld [tilespmem:$0x18C60];
	v25 =	vshll.u32 v51, $0x3;
	v20 =	vand.u32 $0x7F, v51  }
0x168: {  	v57 =	vand.u32 $0xFFFFFC00, v25;
	v18 =	vmul.f32 v18, v3;
	v17 =	vadd.f32 v17, v53  }
0x169: {  	v58 =	vld [tilespmem:$0x18670];
	v20 =	vor.u32 v20, v57  }
0x16a: {  	v59 =	vld [tilespmem:$0x18260];
	v20 =	vadd.s32 v0, v20;
	v18 =	vadd.f32 v18, v56;
	v17 =	vmul.f32 v17, v3  }
0x16b: {  	v19 =	vld.idx.msk [tilespmem:v54+s5+$0x0], $0xffff  }
0x16c: {  	v61 =	vld [tilespmem:$0x170];
	v60 =	vsub.f32 $1.000000000e+00, v26;
	v18 =	vmul.f32 v18, v3;
	v17 =	vadd.f32 v17, v55  }
0x16d: {  	v62 =	vld [tilespmem:$0x18570]  }
0x16e: {  	v21 =	vmul.f32 v60, v4;
	v18 =	vadd.f32 v18, v58;
	v17 =	vmul.f32 v17, v3  }
0x16f: {  	v20 =	vld.idx.msk [tilespmem:v20+s4+$0x0], $0xffff  }
0x170: {  	v63 =	vld [tilespmem:$0x70];
	v19 =	vmul.f32 v21, v19;
	v18 =	vmul.f32 v18, v3;
	v17 =	vadd.f32 v17, v59  }
0x171: {  	v30 =	vld [tilespmem:$0x18470];
	v28 =	vshll.u32 v61, $0x3;
	v29 =	vand.u32 $0x7F, v61  }
0x172: {  	v22 =	vand.u32 $0xFFFFFC00, v28;
	v18 =	vadd.f32 v18, v62;
	v17 =	vadd.f32 v17, v19  }
0x173: {  	v19 =	vor.u32 v29, v22  }
0x174: {  	v31 =	vld [tilespmem:$0x18370];
	v18 =	vmul.f32 v18, v3;
	v19 =	vadd.s32 v2, v19;
	v17 =	vsub.f32 v20, v17  }
0x175: {  	v33 =	vld [tilespmem:$0x18C70];
	v32 =	vshll.u32 v63, $0x3;
	v21 =	vand.u32 $0x7F, v63  }
0x176: {  	v18 =	vadd.f32 v18, v30;
	v22 =	vand.u32 $0xFFFFFC00, v32;
	v17 =	vmul.f32 v17, v17  }
0x177: {  	v21 =	vor.u32 v21, v22  }
0x178: {  	v34 =	vld [tilespmem:$0x18270];
	v18 =	vmul.f32 v18, v3;
	v21 =	vadd.s32 v2, v21;
	[tilespmem:$0x18E60] =	vst v17  }
0x179: {  	v19 =	vld.idx.msk [tilespmem:v19+s5+$0x0], $0xffff  }
0x17a: {  	v35 =	vsub.f32 $1.000000000e+00, v33;
	v18 =	vadd.f32 v18, v31;
	_ =	sdelay $0x1  }
0x17b: {  	v18 =	vmul.f32 v18, v3;
	v20 =	vmul.f32 v35, v4  }
0x17c: {  	v21 =	vld.idx.msk [tilespmem:v21+s4+$0x0], $0xffff  }
0x17d: {  	v18 =	vadd.f32 v18, v34;
	v19 =	vmul.f32 v20, v19;
	_ =	sdelay $0x1  }
0x17e: {  	v18 =	vadd.f32 v18, v19;
	_ =	sdelay $0x1  }
0x17f: {  	v18 =	vsub.f32 v21, v18;
	_ =	sdelay $0x1  }
0x180: {  	s9 =	sld [smem:$0x7F5];
	v18 =	vmul.f32 v18, v18;
	_ =	sdelay $0x1  }
0x181: {  	s10 =	sld [smem:$0x7F6];
	v20 =	vld [tilespmem:$0x18D60];
	[tilespmem:$0x18E70] =	vst v18  }
0x182: {  	v19 =	vld [tilespmem:$0x18D70];
	[tilespmem:s4], [sflag:$0x2] =	stream.linear.gather [hbm4b:s9+s2], $0x4000, $0x38  }
0x183: {  	_ = 	snop  }
0x184: {  	[tilespmem:s5], [sflag:$0x5] =	stream.linear.gather [hbm4b:s10+s2], $0x4000, $0x38;
	[tilespmem:$0x19080] =	vst v63  }
0x185: {  	_ =	swait.ge [sflag:s25], $0x4000  }
0x186: {  	[sflag:s25] =	ssyncset.done $0x0  }
0x187: {  	[sflag:s25] =	ssyncadd.s32 $0xFFFFC000  }
0x188: {  	_ =	swait.ge [sflag:s26], $0x4000  }
0x189: {  	[sflag:s26] =	ssyncset.done $0x0  }
0x18a: {  	[sflag:s26] =	ssyncadd.s32 $0xFFFFC000  }
0x18b: {  	v36 =	vld [tilespmem:$0x18B80];
	_ =	sdelay $0x1  }
0x18c: {  	v37 =	vld [tilespmem:$0x18A80];
	_ =	sdelay $0x2  }
0x18d: {  	v21 =	vmul.f32 v36, v3  }
0x18e: {  	v38 =	vld [tilespmem:$0x18980]  }
0x18f: {  	v21 =	vadd.f32 v21, v37;
	_ =	sdelay $0x1  }
0x190: {  	v21 =	vmul.f32 v21, v3  }
0x191: {  	v39 =	vld [tilespmem:$0x18880]  }
0x192: {  	v21 =	vadd.f32 v21, v38;
	_ =	sdelay $0x1  }
0x193: {  	v40 =	vld [tilespmem:$0x18780];
	v21 =	vmul.f32 v21, v3  }
0x194: {  	v41 =	vld [tilespmem:$0x18B90]  }
0x195: {  	v21 =	vadd.f32 v21, v39  }
0x196: {  	v42 =	vld [tilespmem:$0x18A90]  }
0x197: {  	v21 =	vmul.f32 v21, v3  }
0x198: {  	v43 =	vld [tilespmem:$0x18680]  }
0x199: {  	v22 =	vmul.f32 v41, v3;
	v21 =	vadd.f32 v21, v40  }
0x19a: {  	v45 =	vld [tilespmem:$0x18990]  }
0x19b: {  	v44 =	vld [tilespmem:$0x180];
	v22 =	vadd.f32 v22, v42;
	v21 =	vmul.f32 v21, v3  }
0x19c: {  	v27 =	vld [tilespmem:$0x18580]  }
0x19d: {  	v22 =	vmul.f32 v22, v3;
	v21 =	vadd.f32 v21, v43  }
0x19e: {  	v28 =	vld [tilespmem:$0x18890]  }
0x19f: {  	v46 =	vld [tilespmem:$0x80];
	v22 =	vadd.f32 v22, v45;
	v21 =	vmul.f32 v21, v3  }
0x1a0: {  	v48 =	vld [tilespmem:$0x18480];
	v47 =	vshll.u32 v44, $0x3;
	v26 =	vand.u32 $0x7F, v44  }
0x1a1: {  	v25 =	vand.u32 $0xFFFFFC00, v47;
	v22 =	vmul.f32 v22, v3;
	v21 =	vadd.f32 v21, v27  }
0x1a2: {  	v51 =	vld [tilespmem:$0x18790];
	v25 =	vor.u32 v26, v25  }
0x1a3: {  	v50 =	vld [tilespmem:$0x18380];
	v49 =	vadd.s32 v0, v25;
	v22 =	vadd.f32 v22, v28;
	v21 =	vmul.f32 v21, v3  }
0x1a4: {  	v30 =	vld [tilespmem:$0x18C80];
	v29 =	vshll.u32 v46, $0x3;
	v24 =	vand.u32 $0x7F, v46  }
0x1a5: {  	v52 =	vand.u32 $0xFFFFFC00, v29;
	v22 =	vmul.f32 v22, v3;
	v21 =	vadd.f32 v21, v48  }
0x1a6: {  	v53 =	vld [tilespmem:$0x18690];
	v24 =	vor.u32 v24, v52  }
0x1a7: {  	v54 =	vld [tilespmem:$0x18280];
	v24 =	vadd.s32 v0, v24;
	v22 =	vadd.f32 v22, v51;
	v21 =	vmul.f32 v21, v3  }
0x1a8: {  	v23 =	vld.idx.msk [tilespmem:v49+s7+$0x0], $0xffff  }
0x1a9: {  	v56 =	vld [tilespmem:$0x190];
	v55 =	vsub.f32 $1.000000000e+00, v30;
	v22 =	vmul.f32 v22, v3;
	v21 =	vadd.f32 v21, v50  }
0x1aa: {  	v57 =	vld [tilespmem:$0x18590]  }
0x1ab: {  	v25 =	vmul.f32 v55, v4;
	v22 =	vadd.f32 v22, v53;
	v21 =	vmul.f32 v21, v3  }
0x1ac: {  	v24 =	vld.idx.msk [tilespmem:v24+s6+$0x0], $0xffff  }
0x1ad: {  	v58 =	vld [tilespmem:$0x90];
	v23 =	vmul.f32 v25, v23;
	v22 =	vmul.f32 v22, v3;
	v21 =	vadd.f32 v21, v54  }
0x1ae: {  	v61 =	vld [tilespmem:$0x18490];
	v59 =	vshll.u32 v56, $0x3;
	v60 =	vand.u32 $0x7F, v56  }
0x1af: {  	v26 =	vand.u32 $0xFFFFFC00, v59;
	v22 =	vadd.f32 v22, v57;
	v21 =	vadd.f32 v21, v23  }
0x1b0: {  	v23 =	vor.u32 v60, v26  }
0x1b1: {  	v62 =	vld [tilespmem:$0x18390];
	v22 =	vmul.f32 v22, v3;
	v23 =	vadd.s32 v2, v23;
	v21 =	vsub.f32 v24, v21  }
0x1b2: {  	v32 =	vld [tilespmem:$0x18C90];
	v63 =	vshll.u32 v58, $0x3;
	v25 =	vand.u32 $0x7F, v58  }
0x1b3: {  	v22 =	vadd.f32 v22, v61;
	v26 =	vand.u32 $0xFFFFFC00, v63;
	v21 =	vmul.f32 v21, v21  }
0x1b4: {  	v25 =	vor.u32 v25, v26  }
0x1b5: {  	v33 =	vld [tilespmem:$0x18290];
	v22 =	vmul.f32 v22, v3;
	v25 =	vadd.s32 v2, v25;
	[tilespmem:$0x18E80] =	vst v21  }
0x1b6: {  	v23 =	vld.idx.msk [tilespmem:v23+s7+$0x0], $0xffff  }
0x1b7: {  	v34 =	vsub.f32 $1.000000000e+00, v32;
	v22 =	vadd.f32 v22, v62;
	_ =	sdelay $0x1  }
0x1b8: {  	v22 =	vmul.f32 v22, v3;
	v24 =	vmul.f32 v34, v4  }
0x1b9: {  	v25 =	vld.idx.msk [tilespmem:v25+s6+$0x0], $0xffff  }
0x1ba: {  	v22 =	vadd.f32 v22, v33;
	v23 =	vmul.f32 v24, v23;
	_ =	sdelay $0x1  }
0x1bb: {  	v22 =	vadd.f32 v22, v23;
	_ =	sdelay $0x1  }
0x1bc: {  	v22 =	vsub.f32 v25, v22;
	_ =	sdelay $0x1  }
0x1bd: {  	s9 =	sld [smem:$0x7F7];
	v22 =	vmul.f32 v22, v22;
	_ =	sdelay $0x1  }
0x1be: {  	s10 =	sld [smem:$0x7F8];
	v24 =	vld [tilespmem:$0x18D80];
	[tilespmem:$0x18E90] =	vst v22  }
0x1bf: {  	v23 =	vld [tilespmem:$0x18D90];
	[tilespmem:s6], [sflag:$0x3] =	stream.linear.gather [hbm4b:s9+s2], $0x4000, $0x38  }
0x1c0: {  	_ = 	snop  }
0x1c1: {  	[tilespmem:s7], [sflag:$0x6] =	stream.linear.gather [hbm4b:s10+s2], $0x4000, $0x38;
	[tilespmem:$0x19080] =	vst v63  }
0x1c2: {  	_ =	swait.ge [sflag:s28], $0x4000  }
0x1c3: {  	[sflag:s28] =	ssyncset.done $0x0  }
0x1c4: {  	[sflag:s28] =	ssyncadd.s32 $0xFFFFC000  }
0x1c5: {  	_ =	swait.ge [sflag:s29], $0x4000  }
0x1c6: {  	[sflag:s29] =	ssyncset.done $0x0  }
0x1c7: {  	[sflag:s29] =	ssyncadd.s32 $0xFFFFC000  }
0x1c8: {  	v35 =	vld [tilespmem:$0x18BA0];
	_ =	sdelay $0x1  }
0x1c9: {  	v36 =	vld [tilespmem:$0x18AA0];
	_ =	sdelay $0x2  }
0x1ca: {  	v25 =	vmul.f32 v35, v3  }
0x1cb: {  	v37 =	vld [tilespmem:$0x189A0]  }
0x1cc: {  	v25 =	vadd.f32 v25, v36;
	_ =	sdelay $0x1  }
0x1cd: {  	v25 =	vmul.f32 v25, v3  }
0x1ce: {  	v38 =	vld [tilespmem:$0x188A0]  }
0x1cf: {  	v25 =	vadd.f32 v25, v37;
	_ =	sdelay $0x1  }
0x1d0: {  	v39 =	vld [tilespmem:$0x187A0];
	v25 =	vmul.f32 v25, v3  }
0x1d1: {  	v40 =	vld [tilespmem:$0x18BB0]  }
0x1d2: {  	v25 =	vadd.f32 v25, v38  }
0x1d3: {  	v41 =	vld [tilespmem:$0x18AB0]  }
0x1d4: {  	v25 =	vmul.f32 v25, v3  }
0x1d5: {  	v42 =	vld [tilespmem:$0x186A0]  }
0x1d6: {  	v26 =	vmul.f32 v40, v3;
	v25 =	vadd.f32 v25, v39  }
0x1d7: {  	v44 =	vld [tilespmem:$0x189B0]  }
0x1d8: {  	v43 =	vld [tilespmem:$0x1A0];
	v26 =	vadd.f32 v26, v41;
	v25 =	vmul.f32 v25, v3  }
0x1d9: {  	v31 =	vld [tilespmem:$0x185A0]  }
0x1da: {  	v26 =	vmul.f32 v26, v3;
	v25 =	vadd.f32 v25, v42  }
0x1db: {  	v32 =	vld [tilespmem:$0x188B0]  }
0x1dc: {  	v45 =	vld [tilespmem:$0xA0];
	v26 =	vadd.f32 v26, v44;
	v25 =	vmul.f32 v25, v3  }
0x1dd: {  	v47 =	vld [tilespmem:$0x184A0];
	v46 =	vshll.u32 v43, $0x3;
	v30 =	vand.u32 $0x7F, v43  }
0x1de: {  	v29 =	vand.u32 $0xFFFFFC00, v46;
	v26 =	vmul.f32 v26, v3;
	v25 =	vadd.f32 v25, v31  }
0x1df: {  	v50 =	vld [tilespmem:$0x187B0];
	v29 =	vor.u32 v30, v29  }
0x1e0: {  	v49 =	vld [tilespmem:$0x183A0];
	v48 =	vadd.s32 v0, v29;
	v26 =	vadd.f32 v26, v32;
	v25 =	vmul.f32 v25, v3  }
0x1e1: {  	v34 =	vld [tilespmem:$0x18CA0];
	v33 =	vshll.u32 v45, $0x3;
	v28 =	vand.u32 $0x7F, v45  }
0x1e2: {  	v51 =	vand.u32 $0xFFFFFC00, v33;
	v26 =	vmul.f32 v26, v3;
	v25 =	vadd.f32 v25, v47  }
0x1e3: {  	v52 =	vld [tilespmem:$0x186B0];
	v28 =	vor.u32 v28, v51  }
0x1e4: {  	v53 =	vld [tilespmem:$0x182A0];
	v28 =	vadd.s32 v0, v28;
	v26 =	vadd.f32 v26, v50;
	v25 =	vmul.f32 v25, v3  }
0x1e5: {  	v27 =	vld.idx.msk [tilespmem:v48+s22+$0x0], $0xffff  }
0x1e6: {  	v55 =	vld [tilespmem:$0x1B0];
	v54 =	vsub.f32 $1.000000000e+00, v34;
	v26 =	vmul.f32 v26, v3;
	v25 =	vadd.f32 v25, v49  }
0x1e7: {  	v56 =	vld [tilespmem:$0x185B0]  }
0x1e8: {  	v29 =	vmul.f32 v54, v4;
	v26 =	vadd.f32 v26, v52;
	v25 =	vmul.f32 v25, v3  }
0x1e9: {  	v28 =	vld.idx.msk [tilespmem:v28+s21+$0x0], $0xffff  }
0x1ea: {  	v57 =	vld [tilespmem:$0xB0];
	v27 =	vmul.f32 v29, v27;
	v26 =	vmul.f32 v26, v3;
	v25 =	vadd.f32 v25, v53  }
0x1eb: {  	v60 =	vld [tilespmem:$0x184B0];
	v58 =	vshll.u32 v55, $0x3;
	v59 =	vand.u32 $0x7F, v55  }
0x1ec: {  	v30 =	vand.u32 $0xFFFFFC00, v58;
	v26 =	vadd.f32 v26, v56;
	v25 =	vadd.f32 v25, v27  }
0x1ed: {  	v27 =	vor.u32 v59, v30  }
0x1ee: {  	v61 =	vld [tilespmem:$0x183B0];
	v26 =	vmul.f32 v26, v3;
	v27 =	vadd.s32 v2, v27;
	v25 =	vsub.f32 v28, v25  }
0x1ef: {  	v63 =	vld [tilespmem:$0x18CB0];
	v62 =	vshll.u32 v57, $0x3;
	v29 =	vand.u32 $0x7F, v57  }
0x1f0: {  	v26 =	vadd.f32 v26, v60;
	v30 =	vand.u32 $0xFFFFFC00, v62;
	v25 =	vmul.f32 v25, v25  }
0x1f1: {  	v29 =	vor.u32 v29, v30  }
0x1f2: {  	v33 =	vld [tilespmem:$0x182B0];
	v26 =	vmul.f32 v26, v3;
	v29 =	vadd.s32 v2, v29;
	[tilespmem:$0x18EA0] =	vst v25  }
0x1f3: {  	v27 =	vld.idx.msk [tilespmem:v27+s22+$0x0], $0xffff  }
0x1f4: {  	v34 =	vsub.f32 $1.000000000e+00, v63;
	v26 =	vadd.f32 v26, v61;
	_ =	sdelay $0x1  }
0x1f5: {  	v26 =	vmul.f32 v26, v3;
	v28 =	vmul.f32 v34, v4  }
0x1f6: {  	v29 =	vld.idx.msk [tilespmem:v29+s21+$0x0], $0xffff  }
0x1f7: {  	v26 =	vadd.f32 v26, v33;
	v27 =	vmul.f32 v28, v27;
	_ =	sdelay $0x1  }
0x1f8: {  	v26 =	vadd.f32 v26, v27;
	_ =	sdelay $0x1  }
0x1f9: {  	v26 =	vsub.f32 v29, v26;
	_ =	sdelay $0x1  }
0x1fa: {  	v26 =	vmul.f32 v26, v26;
	_ =	sdelay $0x1  }
0x1fb: {  	v28 =	vld [tilespmem:$0x18DA0];
	[tilespmem:$0x18EB0] =	vst v26  }
0x1fc: {  	v27 =	vld [tilespmem:$0x18DB0];
	_ =	swait.ge [sflag:s23], $0x4000  }
0x1fd: {  	[sflag:s23] =	ssyncset.done $0x0  }
0x1fe: {  	[sflag:s23] =	ssyncadd.s32 $0xFFFFC000  }
0x1ff: {  	_ =	swait.ge [sflag:s24], $0x4000  }
0x200: {  	[sflag:s24] =	ssyncset.done $0x0  }
0x201: {  	[sflag:s24] =	ssyncadd.s32 $0xFFFFC000  }
0x202: {  	v35 =	vld [tilespmem:$0x18BC0];
	_ =	sdelay $0x1  }
0x203: {  	v36 =	vld [tilespmem:$0x18AC0];
	_ =	sdelay $0x2  }
0x204: {  	v29 =	vmul.f32 v35, v3  }
0x205: {  	v37 =	vld [tilespmem:$0x189C0]  }
0x206: {  	v29 =	vadd.f32 v29, v36;
	_ =	sdelay $0x1  }
0x207: {  	v29 =	vmul.f32 v29, v3  }
0x208: {  	v38 =	vld [tilespmem:$0x188C0]  }
0x209: {  	v29 =	vadd.f32 v29, v37;
	_ =	sdelay $0x1  }
0x20a: {  	v39 =	vld [tilespmem:$0x187C0];
	v29 =	vmul.f32 v29, v3  }
0x20b: {  	v40 =	vld [tilespmem:$0x18BD0]  }
0x20c: {  	v29 =	vadd.f32 v29, v38  }
0x20d: {  	v41 =	vld [tilespmem:$0x18AD0]  }
0x20e: {  	v29 =	vmul.f32 v29, v3  }
0x20f: {  	v42 =	vld [tilespmem:$0x186C0]  }
0x210: {  	v30 =	vmul.f32 v40, v3;
	v29 =	vadd.f32 v29, v39  }
0x211: {  	v44 =	vld [tilespmem:$0x189D0]  }
0x212: {  	v43 =	vld [tilespmem:$0x1C0];
	v30 =	vadd.f32 v30, v41;
	v29 =	vmul.f32 v29, v3  }
0x213: {  	v35 =	vld [tilespmem:$0x185C0]  }
0x214: {  	v30 =	vmul.f32 v30, v3;
	v29 =	vadd.f32 v29, v42  }
0x215: {  	v36 =	vld [tilespmem:$0x188D0]  }
0x216: {  	v45 =	vld [tilespmem:$0xC0];
	v30 =	vadd.f32 v30, v44;
	v29 =	vmul.f32 v29, v3  }
0x217: {  	v47 =	vld [tilespmem:$0x184C0];
	v46 =	vshll.u32 v43, $0x3;
	v34 =	vand.u32 $0x7F, v43  }
0x218: {  	v33 =	vand.u32 $0xFFFFFC00, v46;
	v30 =	vmul.f32 v30, v3;
	v29 =	vadd.f32 v29, v35  }
0x219: {  	v50 =	vld [tilespmem:$0x187D0];
	v33 =	vor.u32 v34, v33  }
0x21a: {  	v49 =	vld [tilespmem:$0x183C0];
	v48 =	vadd.s32 v0, v33;
	v30 =	vadd.f32 v30, v36;
	v29 =	vmul.f32 v29, v3  }
0x21b: {  	v32 =	vand.u32 $0x7F, v45;
	v37 =	vshll.u32 v45, $0x3;
	v38 =	vld [tilespmem:$0x18CC0]  }
0x21c: {  	v51 =	vand.u32 $0xFFFFFC00, v37;
	v30 =	vmul.f32 v30, v3;
	v29 =	vadd.f32 v29, v47  }
0x21d: {  	v52 =	vld [tilespmem:$0x186D0];
	v32 =	vor.u32 v32, v51  }
0x21e: {  	v53 =	vld [tilespmem:$0x182C0];
	v32 =	vadd.s32 v0, v32;
	v30 =	vadd.f32 v30, v50;
	v29 =	vmul.f32 v29, v3  }
0x21f: {  	v31 =	vld.idx.msk [tilespmem:v48+s5+$0x0], $0xffff  }
0x220: {  	v55 =	vld [tilespmem:$0x1D0];
	v54 =	vsub.f32 $1.000000000e+00, v38;
	v30 =	vmul.f32 v30, v3;
	v29 =	vadd.f32 v29, v49  }
0x221: {  	v56 =	vld [tilespmem:$0x185D0]  }
0x222: {  	v33 =	vmul.f32 v54, v4;
	v30 =	vadd.f32 v30, v52;
	v29 =	vmul.f32 v29, v3  }
0x223: {  	v32 =	vld.idx.msk [tilespmem:v32+s4+$0x0], $0xffff  }
0x224: {  	v57 =	vld [tilespmem:$0xD0];
	v31 =	vmul.f32 v33, v31;
	v30 =	vmul.f32 v30, v3;
	v29 =	vadd.f32 v29, v53  }
0x225: {  	v60 =	vld [tilespmem:$0x184D0];
	v58 =	vshll.u32 v55, $0x3;
	v59 =	vand.u32 $0x7F, v55  }
0x226: {  	v34 =	vand.u32 $0xFFFFFC00, v58;
	v30 =	vadd.f32 v30, v56;
	v29 =	vadd.f32 v29, v31  }
0x227: {  	v31 =	vor.u32 v59, v34  }
0x228: {  	v61 =	vld [tilespmem:$0x183D0];
	v30 =	vmul.f32 v30, v3;
	v31 =	vadd.s32 v2, v31;
	v29 =	vsub.f32 v32, v29  }
0x229: {  	v63 =	vld [tilespmem:$0x18CD0];
	v62 =	vshll.u32 v57, $0x3;
	v33 =	vand.u32 $0x7F, v57  }
0x22a: {  	v30 =	vadd.f32 v30, v60;
	v34 =	vand.u32 $0xFFFFFC00, v62;
	v29 =	vmul.f32 v29, v29  }
0x22b: {  	v33 =	vor.u32 v33, v34  }
0x22c: {  	v38 =	vld [tilespmem:$0x182D0];
	v30 =	vmul.f32 v30, v3;
	v33 =	vadd.s32 v2, v33;
	[tilespmem:$0x18EC0] =	vst v29  }
0x22d: {  	v31 =	vld.idx.msk [tilespmem:v31+s5+$0x0], $0xffff  }
0x22e: {  	v39 =	vsub.f32 $1.000000000e+00, v63;
	v30 =	vadd.f32 v30, v61;
	_ =	sdelay $0x1  }
0x22f: {  	v30 =	vmul.f32 v30, v3;
	v32 =	vmul.f32 v39, v4  }
0x230: {  	v33 =	vld.idx.msk [tilespmem:v33+s4+$0x0], $0xffff  }
0x231: {  	v30 =	vadd.f32 v30, v38;
	v31 =	vmul.f32 v32, v31;
	_ =	sdelay $0x1  }
0x232: {  	v30 =	vadd.f32 v30, v31;
	_ =	sdelay $0x1  }
0x233: {  	v30 =	vsub.f32 v33, v30;
	_ =	sdelay $0x1  }
0x234: {  	v30 =	vmul.f32 v30, v30;
	_ =	sdelay $0x1  }
0x235: {  	v32 =	vld [tilespmem:$0x18DC0];
	[tilespmem:$0x18ED0] =	vst v30  }
0x236: {  	v31 =	vld [tilespmem:$0x18DD0];
	_ =	swait.ge [sflag:s25], $0x4000  }
0x237: {  	[sflag:s25] =	ssyncset.done $0x0  }
0x238: {  	[sflag:s25] =	ssyncadd.s32 $0xFFFFC000  }
0x239: {  	_ =	swait.ge [sflag:s26], $0x4000  }
0x23a: {  	[sflag:s26] =	ssyncset.done $0x0  }
0x23b: {  	[sflag:s26] =	ssyncadd.s32 $0xFFFFC000  }
0x23c: {  	v40 =	vld [tilespmem:$0x18BE0];
	_ =	sdelay $0x1  }
0x23d: {  	v41 =	vld [tilespmem:$0x18AE0];
	_ =	sdelay $0x2  }
0x23e: {  	v33 =	vmul.f32 v40, v3  }
0x23f: {  	v42 =	vld [tilespmem:$0x189E0]  }
0x240: {  	v33 =	vadd.f32 v33, v41;
	_ =	sdelay $0x1  }
0x241: {  	v33 =	vmul.f32 v33, v3  }
0x242: {  	v43 =	vld [tilespmem:$0x188E0]  }
0x243: {  	v33 =	vadd.f32 v33, v42;
	_ =	sdelay $0x1  }
0x244: {  	v44 =	vld [tilespmem:$0x187E0];
	v33 =	vmul.f32 v33, v3  }
0x245: {  	v45 =	vld [tilespmem:$0x18BF0]  }
0x246: {  	v33 =	vadd.f32 v33, v43  }
0x247: {  	v46 =	vld [tilespmem:$0x18AF0]  }
0x248: {  	v33 =	vmul.f32 v33, v3  }
0x249: {  	v47 =	vld [tilespmem:$0x186E0]  }
0x24a: {  	v34 =	vmul.f32 v45, v3;
	v33 =	vadd.f32 v33, v44  }
0x24b: {  	v49 =	vld [tilespmem:$0x189F0]  }
0x24c: {  	v48 =	vld [tilespmem:$0x1E0];
	v34 =	vadd.f32 v34, v46;
	v33 =	vmul.f32 v33, v3  }
0x24d: {  	v39 =	vld [tilespmem:$0x185E0]  }
0x24e: {  	v34 =	vmul.f32 v34, v3;
	v33 =	vadd.f32 v33, v47  }
0x24f: {  	v40 =	vld [tilespmem:$0x188F0]  }
0x250: {  	v50 =	vld [tilespmem:$0xE0];
	v34 =	vadd.f32 v34, v49;
	v33 =	vmul.f32 v33, v3  }
0x251: {  	v5 =	vmul.f32 v5, v8;
	v53 =	vld [tilespmem:$0x184E0];
	v51 =	vshll.u32 v48, $0x3;
	v38 =	vand.u32 $0x7F, v48  }
0x252: {  	v54 =	vld [tilespmem:$0x183E0];
	v37 =	vand.u32 $0xFFFFFC00, v51;
	v34 =	vmul.f32 v34, v3;
	v33 =	vadd.f32 v33, v39  }
0x253: {  	v5 =	vadd.f32 $0.0e+00, v5;
	v6 =	vmul.f32 v6, v7;
	v55 =	vld [tilespmem:$0x187F0];
	v52 =	vor.u32 v38, v37  }
0x254: {  	v57 =	vld [tilespmem:$0x18CE0];
	v8 =	vadd.s32 v0, v52;
	v34 =	vadd.f32 v34, v40;
	v33 =	vmul.f32 v33, v3  }
0x255: {  	v5 =	vadd.f32 v6, v5;
	v60 =	vld [tilespmem:$0x186F0];
	v56 =	vshll.u32 v50, $0x3;
	v58 =	vand.u32 $0x7F, v50  }
0x256: {  	v63 =	vld [tilespmem:$0x182E0];
	v6 =	vand.u32 $0xFFFFFC00, v56;
	v59 =	vmul.f32 v34, v3;
	v33 =	vadd.f32 v33, v53  }
0x257: {  	v9 =	vmul.f32 v9, v12;
	v6 =	vor.u32 v58, v6;
	v37 =	vld [tilespmem:$0x1F0]  }
0x258: {  	v41 =	vld [tilespmem:$0xF0];
	v6 =	vadd.s32 v0, v6;
	v62 =	vadd.f32 v59, v55;
	v33 =	vmul.f32 v33, v3  }
0x259: {  	v5 =	vadd.f32 v9, v5;
	v61 =	vmul.f32 v10, v11;
	v8 =	vld.idx.msk [tilespmem:v8+s7+$0x0], $0xffff  }
0x25a: {  	v36 =	vsub.f32 $1.000000000e+00, v57;
	v10 =	vmul.f32 v62, v3;
	v7 =	vadd.f32 v33, v54  }
0x25b: {  	v5 =	vadd.f32 v61, v5;
	v45 =	vmul.f32 v17, v20;
	v38 =	vmul.f32 v13, v16;
	v39 =	vld [tilespmem:$0x185F0]  }
0x25c: {  	v12 =	vmul.f32 v36, v4;
	v10 =	vadd.f32 v10, v60;
	v7 =	vmul.f32 v7, v3  }
0x25d: {  	v5 =	vadd.f32 v38, v5;
	v42 =	vshll.u32 v37, $0x3;
	v50 =	vshll.u32 v41, $0x3;
	v6 =	vld.idx.msk [tilespmem:v6+s6+$0x0], $0xffff  }
0x25e: {  	v8 =	vmul.f32 v12, v8;
	v10 =	vmul.f32 v10, v3;
	v7 =	vadd.f32 v7, v63  }
0x25f: {  	v9 =	vand.u32 $0x7F, v41;
	v11 =	vand.u32 $0xFFFFFC00, v42;
	v40 =	vmul.f32 v14, v15;
	v44 =	vld [tilespmem:$0x184F0]  }
0x260: {  	v43 =	vand.u32 $0x7F, v37;
	v10 =	vadd.f32 v10, v39;
	v7 =	vadd.f32 v7, v8  }
0x261: {  	v52 =	vand.u32 $0xFFFFFC00, v50;
	v5 =	vadd.f32 v40, v5;
	v8 =	vor.u32 v43, v11  }
0x262: {  	v51 =	vld [tilespmem:$0x18CF0];
	v47 =	vmul.f32 v10, v3;
	v46 =	vadd.s32 v2, v8;
	v6 =	vsub.f32 v6, v7  }
0x263: {  	v48 =	vld [tilespmem:$0x183F0];
	v49 =	vmul.f32 v18, v19;
	v9 =	vor.u32 v9, v52  }
0x264: {  	v5 =	vadd.f32 v45, v5;
	v8 =	vadd.f32 v47, v44;
	v6 =	vmul.f32 v6, v6  }
0x265: {  	v9 =	vadd.s32 v2, v9  }
0x266: {  	v55 =	vld [tilespmem:$0x182F0];
	v5 =	vadd.f32 v49, v5;
	v53 =	vmul.f32 v21, v24;
	v8 =	vmul.f32 v8, v3;
	[tilespmem:$0x18EE0] =	vst v6  }
0x267: {  	v56 =	vsub.f32 $1.000000000e+00, v51;
	v7 =	vld.idx.msk [tilespmem:v46+s7+$0x0], $0xffff  }
0x268: {  	v5 =	vadd.f32 v53, v5;
	v54 =	vmul.f32 v22, v23;
	v8 =	vadd.f32 v8, v48  }
0x269: {  	v57 =	vmul.f32 v25, v28  }
0x26a: {  	v4 =	vmul.f32 v56, v4;
	v5 =	vadd.f32 v54, v5;
	v3 =	vmul.f32 v8, v3  }
0x26b: {  	v59 =	vmul.f32 v26, v27;
	v58 =	vld.idx.msk [tilespmem:v9+s6+$0x0], $0xffff  }
0x26c: {  	v5 =	vadd.f32 v57, v5;
	v3 =	vadd.f32 v3, v55;
	v4 =	vmul.f32 v4, v7  }
0x26d: {  	v60 =	vld [tilespmem:$0x18DE0]  }
0x26e: {  	v61 =	vmul.f32 v29, v32;
	v5 =	vadd.f32 v59, v5;
	v3 =	vadd.f32 v3, v4  }
0x26f: {  	v62 =	vld [tilespmem:$0x18DF0]  }
0x270: {  	v63 =	vmul.f32 v30, v31;
	v5 =	vadd.f32 v61, v5;
	[tilespmem:$0x19010] =	vst v1;
	v3 =	vsub.f32 v58, v3  }
0x271: {  	[tilespmem:$0x19020] =	vst v1  }
0x272: {  	v5 =	vadd.f32 v63, v5;
	v6 =	vmul.f32 v6, v60;
	[tilespmem:$0x19030] =	vst v1;
	v3 =	vmul.f32 v3, v3  }
0x273: {  	[tilespmem:$0x19040] =	vst v1  }
0x274: {  	[tilespmem:$0x19050] =	vst v1;
	v5 =	vadd.f32 v6, v5;
	v4 =	vmul.f32 v3, v62  }
0x275: {  	[tilespmem:$0x19060] =	vst v1  }
0x276: {  	s9 =	sld [smem:$0x7F9];
	[tilespmem:$0x19070] =	vst v1;
	v4 =	vadd.f32 v4, v5  }
0x277: {  	[tilespmem:$0x18EF0] =	vst v3  }
0x278: {  	[tilespmem:$0x19000] =	vst v4  }
0x279: {  	[hbm4b:s9+s2] =	stream.linear.scatter [tilespmem:s30], [sflag:$0x8], $0x100, $0x38;
	[tilespmem:$0x19080] =	vst v63  }
0x27a: {  	_ =	swait.ge [sflag:s31], $0x100  }
0x27b: {  	s10 =	sld [smem:$0x7FA]  }
0x27c: {  	p0 =	sne.s32 s3, $0x1;
	[sflag:s31] =	ssyncset.done $0x0  }
.Ltmp0:
0x27d: {  	[sflag:s31] =	ssyncadd.s32 $0xFFFFFF00;
	(pc) =	sbr.rel @p0 .LBB2_1-.Ltmp0, $4  }
0x27e: {  	[hbm4b:s10+s2] =	stream.linear.scatter [tilespmem:s1], [sflag:$0x8], $0x80, $0x38;
	[tilespmem:$0x19080] =	vst v63  }
0x27f: {  	_ =	swait.ge [sflag:s31], $0x80  }
0x280: {  	[sflag:s31] =	ssyncset.done $0x0  }
0x281: {  	s3 =	sadd.s32 $0xFFFFFFFF, s3;
	[sflag:s31] =	ssyncadd.s32 $0xFFFFFF80  }
0x282: {  	_ =	sfence.sel $0x180000  }
0x283: {  	[bflag:$0x0] =	sbarrier.arrive $0xFFFF  }
0x284: {  	_ =	strace $0x90000047  }
0x285: {  	s0 =	stileid.u32;
	[bflag:$0x2] =	sbarrier.arrive $0xFFFF  }
0x286: {  	p0 =	sne.s32 s0, $0x0;
	s0 =	rddreg [dreg:$0x7]  }
0x287: {  	s0 =	sadd.s32 @!p0 $0x100000, s0  }
0x288: {  	[sflag:s0] =	ssyncadd.tile.s32 @!p0 $0x1;
	_ =	shalt  }
.Lfunc_end2:
_tile_overlayer_lowered:
.L_overlay_start_2:
0x289: {  	(tag) =	ssettag $0x2  }
0x28a: {  	s0 =	rddreg [dreg:$0x0];
	s2 =	stileid.u32  }
0x28b: {  	s1 =	rddreg [dreg:$0x1];
	p0 =	sne.s32 s2, $0x0  }
0x28c: {  	s3 =	rddreg [dreg:$0x2];
	[bflag:$0x3] =	sbarrier.arrive $0xFFFF;
	s2 =	simm.s32 @!p0 $0x1C08  }
0x28d: {  	[timem:s3], [sflag:s2] =	dma.local @!p0 [hbm:s0], s1  }
0x28e: {  	s0 =	simm.s32 @!p0 $0x8  }
0x28f: {  	_ =	swait.ge @!p0 [sflag:s0], s1  }
0x290: {  	s1 =	ssub.s32 @!p0 $0x0, s1;
	[sflag:s0] =	ssyncset.done @!p0 $0x0  }
0x291: {  	[sflag:s0] =	ssyncadd.s32 @!p0 s1  }
0x292: {  	[bflag:$0x3] =	sbarrier.arrive $0xFFFF  }
0x293: {  	_ =	shalt  }

</sc_bundles>
